<compile_context>
chip_gen: v7x
topology: tpu7x:2x2x1
jax: 0.10.2.dev20260603
libtpu: 0.0.44.dev20260713+nightly
codegen_flags: <defaults>
</compile_context>

<pallas_src>
import functools

import jax
import jax.numpy as jnp
from jax import lax
from jax.experimental import pallas as pl
from jax.experimental.pallas import tpu as pltpu
from jax.experimental.pallas import tpu_sc as plsc

NC = 2
NS = 16
NW = NC * NS
CH = 128
NB = 6
NR = 12
DH = 32


def _load_index_chunks(ei3_hbm, which, idx_v, wid, k, nchunks):
    last_full = nchunks // k
    klast = nchunks - last_full * k

    @pl.when(wid < last_full)
    def _():
        pltpu.sync_copy(ei3_hbm.at[which, pl.ds(wid * k, k)], idx_v)

    if klast > 0:
        @pl.when(wid == last_full)
        def _():
            pltpu.sync_copy(ei3_hbm.at[which, pl.ds(last_full * k, klast)],
                            idx_v.at[pl.ds(0, klast)])


def _sc_degree(ei3, zeros16, ones16, nt, k):
    nchunks = ei3.shape[1]
    rpt = nt // NS
    mesh = plsc.VectorSubcoreMesh(core_axis_name="c", subcore_axis_name="s")

    @functools.partial(
        pl.kernel,
        out_type=jax.ShapeDtypeStruct((NC, nt, 16), jnp.float32),
        mesh=mesh,
        scratch_types=[
            pltpu.VMEM((k, CH), jnp.int32),
            pltpu.VMEM((CH, 16), jnp.float32),
            pltpu.VMEM_SHARED((nt, 16), jnp.float32),
        ],
        compiler_params=pltpu.CompilerParams(use_tc_tiling_on_sc=False),
    )
    def deg_kernel(ei3_hbm, z_hbm, ones_hbm, out_hbm, idx_v, ones_v, acc_sh):
        c = lax.axis_index("c")
        s = lax.axis_index("s")
        wid = c * NS + s
        kw = jnp.clip(nchunks - wid * k, 0, k)
        pltpu.sync_copy(ones_hbm, ones_v)
        pltpu.sync_copy(z_hbm, acc_sh.at[pl.ds(s * rpt, rpt)])
        _load_index_chunks(ei3_hbm, 1, idx_v, wid, k, nchunks)
        plsc.subcore_barrier()

        def step(j, carry):
            @pl.when(j < kw)
            def _():
                pltpu.sync_copy(ones_v, acc_sh.at[idx_v.at[j]], add=True)

            return carry

        lax.fori_loop(0, k, step, 0)
        plsc.subcore_barrier()
        pltpu.sync_copy(acc_sh.at[pl.ds(s * rpt, rpt)],
                        out_hbm.at[c, pl.ds(s * rpt, rpt)])

    return deg_kernel(ei3, zeros16, ones16).reshape(NC, nt // 8, CH)


def _sc_scatter(gp, ei3, zeros32, nt, k):
    g = gp.reshape(nt, DH)
    nchunks = ei3.shape[1]
    rpt = nt // NS
    mesh = plsc.VectorSubcoreMesh(core_axis_name="c", subcore_axis_name="s")

    @functools.partial(
        pl.kernel,
        out_type=jax.ShapeDtypeStruct((NC, nt, DH), jnp.bfloat16),
        mesh=mesh,
        scratch_types=[
            pltpu.VMEM((k, CH), jnp.int32),
            pltpu.VMEM((k, CH), jnp.int32),
            pltpu.VMEM((NR, CH, DH), jnp.bfloat16),
            pltpu.VMEM_SHARED((nt, DH), jnp.bfloat16),
            pltpu.SemaphoreType.DMA((NR,)),
            pltpu.SemaphoreType.DMA((NR,)),
        ],
        compiler_params=pltpu.CompilerParams(use_tc_tiling_on_sc=False),
    )
    def scat_kernel(g_hbm, ei3_hbm, z_hbm, out_hbm,
                    isrc_v, idst_v, rows_v, acc_sh, gsems, ssems):
        c = lax.axis_index("c")
        s = lax.axis_index("s")
        wid = c * NS + s
        kw = jnp.clip(nchunks - wid * k, 0, k)
        pltpu.sync_copy(z_hbm, acc_sh.at[pl.ds(s * rpt, rpt)])
        _load_index_chunks(ei3_hbm, 0, isrc_v, wid, k, nchunks)
        _load_index_chunks(ei3_hbm, 1, idst_v, wid, k, nchunks)
        plsc.subcore_barrier()

        def gather(j, b):
            pltpu.async_copy(g_hbm.at[isrc_v.at[j]], rows_v.at[b], gsems.at[b])

        def gather_wait(j, b):
            pltpu.make_async_copy(g_hbm.at[isrc_v.at[j]], rows_v.at[b],
                                  gsems.at[b]).wait()

        def scat(j, b):
            pltpu.async_copy(rows_v.at[b], acc_sh.at[idst_v.at[j]], ssems.at[b],
                             add=True)

        def scat_wait(j, b):
            pltpu.make_async_copy(rows_v.at[b], acc_sh.at[idst_v.at[j]],
                                  ssems.at[b]).wait()

        for b in range(min(NB, k)):
            @pl.when(b < kw)
            def _():
                gather(b, b)

        def step(j, carry):
            b = lax.rem(j, NR)

            @pl.when(j < kw)
            def _():
                gather_wait(j, b)
                scat(j, b)
                jn = j + NB
                bn = lax.rem(jn, NR)

                @pl.when(jn < kw)
                def _():
                    @pl.when(jn >= NR)
                    def _():
                        scat_wait(jn - NR, bn)
                    gather(jn, bn)

            return carry

        lax.fori_loop(0, k, step, 0)

        def drain(j2, carry):
            jj = kw - NR + j2

            @pl.when(jj >= jnp.maximum(kw - NR, 0))
            def _():
                scat_wait(jj, lax.rem(jj, NR))

            return carry

        lax.fori_loop(jnp.maximum(NR - kw, 0), NR, drain, 0)
        plsc.subcore_barrier()
        pltpu.sync_copy(acc_sh.at[pl.ds(s * rpt, rpt)],
                        out_hbm.at[c, pl.ds(s * rpt, rpt)])

    return scat_kernel(g, ei3, zeros32).reshape(NC, nt // 4, CH)


def _dinv_packed(d_ref, rp):
    m = rp // 2
    d16 = d_ref[0] + d_ref[1]
    rows = lax.broadcasted_iota(jnp.int32, (rp, m), 0)
    cols = lax.broadcasted_iota(jnp.int32, (rp, m), 1)
    s_even = jnp.where((rows % 2 == 0) & (cols == rows // 2), 1.0, 0.0)
    s_odd = jnp.where((rows % 2 == 1) & (cols == rows // 2), 1.0, 0.0)
    a_e = jnp.dot(s_even, d16, preferred_element_type=jnp.float32)
    a_o = jnp.dot(s_odd, d16, preferred_element_type=jnp.float32)
    li = lax.broadcasted_iota(jnp.int32, (CH, CH), 0)
    lo = lax.broadcasted_iota(jnp.int32, (CH, CH), 1)
    r_e = jnp.where(li == 16 * (lo // 32), 1.0, 0.0)
    r_o = jnp.where(li == 64 + 16 * (lo // 32), 1.0, 0.0)
    d32 = (jnp.dot(a_e, r_e, preferred_element_type=jnp.float32)
           + jnp.dot(a_o, r_o, preferred_element_type=jnp.float32))
    return lax.rsqrt(d32 + 1.0)


def _tc_h(x4, W1s, nt, r):
    rp = r // 4

    def body(x_ref, w_ref, o_ref):
        o_ref[...] = jnp.dot(x_ref[...], w_ref[...],
                             preferred_element_type=jnp.float32)

    return pl.pallas_call(
        body,
        grid=(nt // r,),
        in_specs=[
            pl.BlockSpec((rp, x4.shape[1]), lambda i: (i, 0)),
            pl.BlockSpec(W1s.shape, lambda i: (0, 0)),
        ],
        out_specs=pl.BlockSpec((rp, CH), lambda i: (i, 0)),
        out_shape=jax.ShapeDtypeStruct((nt // 4, CH), jnp.float32),
    )(x4, W1s)


def _tc_scale(hp, degp, nt, r):
    rp = r // 4

    def body(h_ref, d_ref, o_ref):
        dinv = _dinv_packed(d_ref, rp)
        o_ref[...] = (h_ref[...] * dinv).astype(jnp.bfloat16)

    return pl.pallas_call(
        body,
        grid=(nt // r,),
        in_specs=[
            pl.BlockSpec((rp, CH), lambda i: (i, 0)),
            pl.BlockSpec((NC, rp // 2, CH), lambda i: (0, i, 0)),
        ],
        out_specs=pl.BlockSpec((rp, CH), lambda i: (i, 0)),
        out_shape=jax.ShapeDtypeStruct((nt // 4, CH), jnp.bfloat16),
    )(hp, degp)


def _tc_mid(sp, gp, degp, b1p, W2s, nt, r):
    rp = r // 4

    def body(s_ref, g_ref, d_ref, b_ref, w_ref, o_ref):
        dinv = _dinv_packed(d_ref, rp)
        stot = (s_ref[0] + s_ref[1] + g_ref[...]).astype(jnp.float32)
        z = jnp.maximum(stot * dinv + b_ref[...], 0.0)
        h = jnp.dot(z, w_ref[...], preferred_element_type=jnp.float32)
        o_ref[...] = (h * dinv).astype(jnp.bfloat16)

    return pl.pallas_call(
        body,
        grid=(nt // r,),
        in_specs=[
            pl.BlockSpec((NC, rp, CH), lambda i: (0, i, 0)),
            pl.BlockSpec((rp, CH), lambda i: (i, 0)),
            pl.BlockSpec((NC, rp // 2, CH), lambda i: (0, i, 0)),
            pl.BlockSpec(b1p.shape, lambda i: (0, 0)),
            pl.BlockSpec(W2s.shape, lambda i: (0, 0)),
        ],
        out_specs=pl.BlockSpec((rp, CH), lambda i: (i, 0)),
        out_shape=jax.ShapeDtypeStruct((nt // 4, CH), jnp.bfloat16),
    )(sp, gp, degp, b1p, W2s)


def _tc_head(sp, gp, degp, b2p, Wfs, bfp, nt, r):
    rp = r // 4

    def body(s_ref, g_ref, d_ref, b_ref, w_ref, bf_ref, o_ref):
        dinv = _dinv_packed(d_ref, rp)
        stot = (s_ref[0] + s_ref[1] + g_ref[...]).astype(jnp.float32)
        z = jnp.maximum(stot * dinv + b_ref[...], 0.0)
        h = jnp.dot(z, w_ref[...], preferred_element_type=jnp.float32)
        o_ref[...] = jax.nn.sigmoid(h + bf_ref[...])

    return pl.pallas_call(
        body,
        grid=(nt // r,),
        in_specs=[
            pl.BlockSpec((NC, rp, CH), lambda i: (0, i, 0)),
            pl.BlockSpec((rp, CH), lambda i: (i, 0)),
            pl.BlockSpec((NC, rp // 2, CH), lambda i: (0, i, 0)),
            pl.BlockSpec(b2p.shape, lambda i: (0, 0)),
            pl.BlockSpec(Wfs.shape, lambda i: (0, 0)),
            pl.BlockSpec(bfp.shape, lambda i: (0, 0)),
        ],
        out_specs=pl.BlockSpec((rp, Wfs.shape[1]), lambda i: (i, 0)),
        out_shape=jax.ShapeDtypeStruct((nt // 4, Wfs.shape[1]), jnp.float32),
    )(sp, gp, degp, b2p, Wfs, bfp)


def kernel(x, edge_index, W1, b1, W2, b2, Wfc, bfc):
    n, din = x.shape
    e = edge_index.shape[1]
    r = 2048
    nt = -(-n // r) * r
    dout = Wfc.shape[1]
    assert e % CH == 0 and nt % (8 * NS) == 0

    ei3 = edge_index.reshape(2, e // CH, CH)
    k = -(-(e // CH) // NW)

    x4 = jnp.pad(x, ((0, nt - n), (0, 0))).reshape(nt // 4, 4 * din)
    zeros16 = jnp.zeros((nt // NS, 16), jnp.float32)
    zerosb = jnp.zeros((nt // NS, DH), jnp.bfloat16)
    ones16 = jnp.ones((CH, 16), jnp.float32)

    eye4 = jnp.eye(4, dtype=jnp.float32)
    W1s = jnp.kron(eye4, W1)
    W2s = jnp.kron(eye4, W2)
    wfc_p = jnp.pad(Wfc, ((0, 0), (0, 8 - dout)))
    Wfs = jnp.kron(eye4, wfc_p)
    b1p = jnp.tile(b1, 4).reshape(1, CH)
    b2p = jnp.tile(b2, 4).reshape(1, CH)
    bfp = jnp.tile(jnp.pad(bfc, (0, 8 - dout)), 4).reshape(1, DH)

    degp = _sc_degree(ei3, zeros16, ones16, nt, k)
    hp = _tc_h(x4, W1s, nt, r)
    g1p = _tc_scale(hp, degp, nt, r)
    s1p = _sc_scatter(g1p, ei3, zerosb, nt, k)
    g2p = _tc_mid(s1p, g1p, degp, b1p, W2s, nt, r)
    s2p = _sc_scatter(g2p, ei3, zerosb, nt, k)
    outp = _tc_head(s2p, g2p, degp, b2p, Wfs, bfp, nt, r)

    return outp[:n // 4].reshape(n, 8)[:, :dout]

# --- scband reference (transcript-rebuilt; emitter-appended) ---
"""Pipeline reference for scband-psognn-5119601017232 (READ-ONLY COPY).

The authoritative reference and input builder live on the scoring server;
editing this copy changes nothing except your own understanding.
"""

import jax, jax.numpy as jnp
import numpy as np

N_NODES = 10000
N_EDGES = 320000
D_IN = 128
D_HID = 32
D_OUT = 3


def setup_inputs(seed: int = 0) -> dict:
    key = jax.random.key(seed)
    ks = jax.random.split(key, 8)
    x = jax.random.normal(ks[0], (N_NODES, D_IN), dtype=jnp.float32)
    edge_index = jax.random.randint(ks[1], (2, N_EDGES), 0, N_NODES, dtype=jnp.int32)
    W1 = jax.random.normal(ks[2], (D_IN, D_HID), dtype=jnp.float32) * (1.0 / np.sqrt(D_IN))
    b1 = jnp.zeros((D_HID,), dtype=jnp.float32)
    W2 = jax.random.normal(ks[3], (D_HID, D_HID), dtype=jnp.float32) * (1.0 / np.sqrt(D_HID))
    b2 = jnp.zeros((D_HID,), dtype=jnp.float32)
    Wfc = jax.random.normal(ks[4], (D_HID, D_OUT), dtype=jnp.float32) * (1.0 / np.sqrt(D_HID))
    bfc = jnp.zeros((D_OUT,), dtype=jnp.float32)
    return {"x": x, "edge_index": edge_index, "W1": W1, "b1": b1, "W2": W2, "b2": b2, "Wfc": Wfc, "bfc": bfc}


def _gcn_conv(x, edge_index, W, b):
    # Faithful GCNConv: add self-loops, symmetric normalization deg^-1/2 A deg^-1/2
    n = x.shape[0]
    loop = jnp.arange(n, dtype=edge_index.dtype)
    src = jnp.concatenate([edge_index[0], loop])
    dst = jnp.concatenate([edge_index[1], loop])
    deg = jnp.zeros((n,), dtype=x.dtype).at[dst].add(1.0)
    dinv = jnp.where(deg > 0, jax.lax.rsqrt(deg), 0.0)
    norm = dinv[src] * dinv[dst]
    h = x @ W
    msg = h[src] * norm[:, None]
    out = jnp.zeros((n, W.shape[1]), dtype=x.dtype).at[dst].add(msg)
    return out + b


def reference(x, edge_index, W1, b1, W2, b2, Wfc, bfc):
    h = jax.nn.relu(_gcn_conv(x, edge_index, W1, b1))
    h = jax.nn.relu(_gcn_conv(h, edge_index, W2, b2))
    return jax.nn.sigmoid(h @ Wfc + bfc)

if __name__ == "__main__":
    import jax
    _d = setup_inputs()
    print(jax.jit(kernel)(*tuple(_d.values())))

</pallas_src>

<mosaic_0001>
#map = affine_map<(d0, d1) -> (0, 0)>
#map1 = affine_map<(d0, d1) -> (0, 0, 0)>
module attributes {stable_mosaic.version = 14 : i64} {
  func.func @scat_kernel(%arg0: i32, %arg1: i32, %arg2: memref<10240x32xbf16, #tpu.memory_space<hbm>>, %arg3: memref<2x2500x128xi32, #tpu.memory_space<hbm>>, %arg4: memref<640x32xbf16, #tpu.memory_space<hbm>>, %arg5: memref<2x10240x32xbf16, #tpu.memory_space<hbm>>, %arg6: memref<79x128xi32, #tpu.memory_space<vmem>>, %arg7: memref<79x128xi32, #tpu.memory_space<vmem>>, %arg8: memref<12x128x32xbf16, #tpu.memory_space<vmem>>, %arg9: memref<10240x32xbf16, #tpu.memory_space<vmem_shared>>, %arg10: memref<12x!tpu.dma_semaphore, #tpu.memory_space<semaphore_mem>>, %arg11: memref<12x!tpu.dma_semaphore, #tpu.memory_space<semaphore_mem>>) attributes {dimension_semantics = [#tpu.dimension_semantics<core_parallel>, #tpu.dimension_semantics<subcore_parallel>], iteration_bounds = array<i64: 2, 16>, scalar_prefetch = 0 : i64, scratch_operands = 6 : i64, tpu.core_type = #tpu.core_type<sc_vector_subcore>, window_params = [{transform_indices = #map}, {transform_indices = #map1}, {transform_indices = #map}, {transform_indices = #map1}]} {
    %mul3A = arith.constant 16 : i32
    %mul3A_0 = arith.muli %arg0, %mul3A : i32
    %add3A = arith.addi %mul3A_0, %arg1 : i32
    %mul3A_1 = arith.constant 79 : i32
    %mul3A_2 = arith.muli %add3A, %mul3A_1 : i32
    %sub3A = arith.constant 2500 : i32
    %sub3A_3 = arith.subi %sub3A, %mul3A_2 : i32
    %jit3A = arith.constant 0 : i32
    %jit3A_4 = arith.constant 79 : i32
    %max3A = arith.maxsi %jit3A, %sub3A_3 : i32
    %min3A = arith.minsi %jit3A_4, %max3A : i32
    %mul3A_5 = arith.constant 640 : i32
    %mul3A_6 = arith.muli %arg1, %mul3A_5 : i32
    "tpu.region"() ({
      %run_scoped3A = tpu.sem_alloc : memref<!tpu.dma_semaphore, #tpu.memory_space<semaphore_mem>>
      %dma_start3A = arith.constant 0 : i32
      %dma_start3A_75 = tpu.memref_slice %arg9[%mul3A_6, %dma_start3A] : memref<10240x32xbf16, #tpu.memory_space<vmem_shared>> -> memref<640x32xbf16, #tpu.memory_space<vmem_shared>>
      tpu.enqueue_dma source(%arg4 : memref<640x32xbf16, #tpu.memory_space<hbm>>) target(%dma_start3A_75 : memref<640x32xbf16, #tpu.memory_space<vmem_shared>>) target_semaphore(%run_scoped3A : memref<!tpu.dma_semaphore, #tpu.memory_space<semaphore_mem>>)
      %dma_wait3A = arith.constant 0 : i32
      %dma_wait3A_76 = tpu.memref_slice %arg9[%mul3A_6, %dma_wait3A] : memref<10240x32xbf16, #tpu.memory_space<vmem_shared>> -> memref<640x32xbf16, #tpu.memory_space<vmem_shared>>
      tpu.wait_dma2 semaphore(%run_scoped3A : memref<!tpu.dma_semaphore, #tpu.memory_space<semaphore_mem>>) src(%arg4 : memref<640x32xbf16, #tpu.memory_space<hbm>>) dst(%dma_wait3A_76 : memref<640x32xbf16, #tpu.memory_space<vmem_shared>>)
      tpu.yield
    }) : () -> ()
    %lt3A = arith.constant 31 : i32
    %lt3A_7 = arith.cmpi slt, %add3A, %lt3A : i32
    %convert_element_type3A = arith.extui %lt3A_7 : i1 to i32
    %cond3A = arith.constant 0 : i32
    %cond3A_8 = arith.cmpi ne, %convert_element_type3A, %cond3A : i32
    scf.if %cond3A_8 {
      %mul3A_75 = arith.constant 79 : i32
      %mul3A_76 = arith.muli %add3A, %mul3A_75 : i32
      %run_scoped3A = arith.constant 0 : i32
      "tpu.region"() ({
        %run_scoped3A_77 = tpu.sem_alloc : memref<!tpu.dma_semaphore, #tpu.memory_space<semaphore_mem>>
        %dma_start3A = arith.constant 0 : i32
        %dma_start3A_78 = tpu.memref_slice %arg3[%run_scoped3A, %mul3A_76, %dma_start3A] : memref<2x2500x128xi32, #tpu.memory_space<hbm>> -> memref<1x79x128xi32, #tpu.memory_space<hbm>>
        %dma_start3A_79 = tpu.memref_squeeze %dma_start3A_78 : memref<1x79x128xi32, #tpu.memory_space<hbm>> -> memref<79x128xi32, #tpu.memory_space<hbm>>
        %dma_start3A_80 = arith.constant 0 : i32
        %dma_start3A_81 = tpu.memref_slice %arg3[%run_scoped3A, %mul3A_76, %dma_start3A_80] : memref<2x2500x128xi32, #tpu.memory_space<hbm>> -> memref<1x79x128xi32, #tpu.memory_space<hbm>>
        %dma_start3A_82 = tpu.memref_squeeze %dma_start3A_81 : memref<1x79x128xi32, #tpu.memory_space<hbm>> -> memref<79x128xi32, #tpu.memory_space<hbm>>
        tpu.enqueue_dma source(%dma_start3A_82 : memref<79x128xi32, #tpu.memory_space<hbm>>) target(%arg6 : memref<79x128xi32, #tpu.memory_space<vmem>>) target_semaphore(%run_scoped3A_77 : memref<!tpu.dma_semaphore, #tpu.memory_space<semaphore_mem>>)
        %dma_wait3A = arith.constant 0 : i32
        %dma_wait3A_83 = tpu.memref_slice %arg3[%run_scoped3A, %mul3A_76, %dma_wait3A] : memref<2x2500x128xi32, #tpu.memory_space<hbm>> -> memref<1x79x128xi32, #tpu.memory_space<hbm>>
        %dma_wait3A_84 = tpu.memref_squeeze %dma_wait3A_83 : memref<1x79x128xi32, #tpu.memory_space<hbm>> -> memref<79x128xi32, #tpu.memory_space<hbm>>
        %dma_wait3A_85 = arith.constant 0 : i32
        %dma_wait3A_86 = tpu.memref_slice %arg3[%run_scoped3A, %mul3A_76, %dma_wait3A_85] : memref<2x2500x128xi32, #tpu.memory_space<hbm>> -> memref<1x79x128xi32, #tpu.memory_space<hbm>>
        %dma_wait3A_87 = tpu.memref_squeeze %dma_wait3A_86 : memref<1x79x128xi32, #tpu.memory_space<hbm>> -> memref<79x128xi32, #tpu.memory_space<hbm>>
        tpu.wait_dma2 semaphore(%run_scoped3A_77 : memref<!tpu.dma_semaphore, #tpu.memory_space<semaphore_mem>>) src(%dma_wait3A_87 : memref<79x128xi32, #tpu.memory_space<hbm>>) dst(%arg6 : memref<79x128xi32, #tpu.memory_space<vmem>>)
        tpu.yield
      }) : () -> ()
    } else {
    }
    %eq3A = arith.constant 31 : i32
    %eq3A_9 = arith.cmpi eq, %add3A, %eq3A : i32
    %convert_element_type3A_10 = arith.extui %eq3A_9 : i1 to i32
    %cond3A_11 = arith.constant 0 : i32
    %cond3A_12 = arith.cmpi ne, %convert_element_type3A_10, %cond3A_11 : i32
    scf.if %cond3A_12 {
      %run_scoped3A = arith.constant 0 : i32
      "tpu.region"() ({
        %run_scoped3A_75 = tpu.sem_alloc : memref<!tpu.dma_semaphore, #tpu.memory_space<semaphore_mem>>
        %dma_start3A = arith.constant 0 : i32
        %dma_start3A_76 = arith.constant 0 : i32
        %dma_start3A_77 = tpu.memref_slice %arg6[%dma_start3A, %dma_start3A_76] : memref<79x128xi32, #tpu.memory_space<vmem>> -> memref<51x128xi32, #tpu.memory_space<vmem>>
        %dma_start3A_78 = arith.constant 2449 : i32
        %dma_start3A_79 = arith.constant 0 : i32
        %dma_start3A_80 = tpu.memref_slice %arg3[%run_scoped3A, %dma_start3A_78, %dma_start3A_79] : memref<2x2500x128xi32, #tpu.memory_space<hbm>> -> memref<1x51x128xi32, #tpu.memory_space<hbm>>
        %dma_start3A_81 = tpu.memref_squeeze %dma_start3A_80 : memref<1x51x128xi32, #tpu.memory_space<hbm>> -> memref<51x128xi32, #tpu.memory_space<hbm>>
        %dma_start3A_82 = arith.constant 0 : i32
        %dma_start3A_83 = arith.constant 0 : i32
        %dma_start3A_84 = tpu.memref_slice %arg6[%dma_start3A_82, %dma_start3A_83] : memref<79x128xi32, #tpu.memory_space<vmem>> -> memref<51x128xi32, #tpu.memory_space<vmem>>
        %dma_start3A_85 = arith.constant 2449 : i32
        %dma_start3A_86 = arith.constant 0 : i32
        %dma_start3A_87 = tpu.memref_slice %arg3[%run_scoped3A, %dma_start3A_85, %dma_start3A_86] : memref<2x2500x128xi32, #tpu.memory_space<hbm>> -> memref<1x51x128xi32, #tpu.memory_space<hbm>>
        %dma_start3A_88 = tpu.memref_squeeze %dma_start3A_87 : memref<1x51x128xi32, #tpu.memory_space<hbm>> -> memref<51x128xi32, #tpu.memory_space<hbm>>
        tpu.enqueue_dma source(%dma_start3A_88 : memref<51x128xi32, #tpu.memory_space<hbm>>) target(%dma_start3A_84 : memref<51x128xi32, #tpu.memory_space<vmem>>) target_semaphore(%run_scoped3A_75 : memref<!tpu.dma_semaphore, #tpu.memory_space<semaphore_mem>>)
        %dma_wait3A = arith.constant 0 : i32
        %dma_wait3A_89 = arith.constant 0 : i32
        %dma_wait3A_90 = tpu.memref_slice %arg6[%dma_wait3A, %dma_wait3A_89] : memref<79x128xi32, #tpu.memory_space<vmem>> -> memref<51x128xi32, #tpu.memory_space<vmem>>
        %dma_wait3A_91 = arith.constant 2449 : i32
        %dma_wait3A_92 = arith.constant 0 : i32
        %dma_wait3A_93 = tpu.memref_slice %arg3[%run_scoped3A, %dma_wait3A_91, %dma_wait3A_92] : memref<2x2500x128xi32, #tpu.memory_space<hbm>> -> memref<1x51x128xi32, #tpu.memory_space<hbm>>
        %dma_wait3A_94 = tpu.memref_squeeze %dma_wait3A_93 : memref<1x51x128xi32, #tpu.memory_space<hbm>> -> memref<51x128xi32, #tpu.memory_space<hbm>>
        %dma_wait3A_95 = arith.constant 0 : i32
        %dma_wait3A_96 = arith.constant 0 : i32
        %dma_wait3A_97 = tpu.memref_slice %arg6[%dma_wait3A_95, %dma_wait3A_96] : memref<79x128xi32, #tpu.memory_space<vmem>> -> memref<51x128xi32, #tpu.memory_space<vmem>>
        %dma_wait3A_98 = arith.constant 2449 : i32
        %dma_wait3A_99 = arith.constant 0 : i32
        %dma_wait3A_100 = tpu.memref_slice %arg3[%run_scoped3A, %dma_wait3A_98, %dma_wait3A_99] : memref<2x2500x128xi32, #tpu.memory_space<hbm>> -> memref<1x51x128xi32, #tpu.memory_space<hbm>>
        %dma_wait3A_101 = tpu.memref_squeeze %dma_wait3A_100 : memref<1x51x128xi32, #tpu.memory_space<hbm>> -> memref<51x128xi32, #tpu.memory_space<hbm>>
        tpu.wait_dma2 semaphore(%run_scoped3A_75 : memref<!tpu.dma_semaphore, #tpu.memory_space<semaphore_mem>>) src(%dma_wait3A_101 : memref<51x128xi32, #tpu.memory_space<hbm>>) dst(%dma_wait3A_97 : memref<51x128xi32, #tpu.memory_space<vmem>>)
        tpu.yield
      }) : () -> ()
    } else {
    }
    %lt3A_13 = arith.constant 31 : i32
    %lt3A_14 = arith.cmpi slt, %add3A, %lt3A_13 : i32
    %convert_element_type3A_15 = arith.extui %lt3A_14 : i1 to i32
    %cond3A_16 = arith.constant 0 : i32
    %cond3A_17 = arith.cmpi ne, %convert_element_type3A_15, %cond3A_16 : i32
    scf.if %cond3A_17 {
      %mul3A_75 = arith.constant 79 : i32
      %mul3A_76 = arith.muli %add3A, %mul3A_75 : i32
      %run_scoped3A = arith.constant 1 : i32
      "tpu.region"() ({
        %run_scoped3A_77 = tpu.sem_alloc : memref<!tpu.dma_semaphore, #tpu.memory_space<semaphore_mem>>
        %dma_start3A = arith.constant 0 : i32
        %dma_start3A_78 = tpu.memref_slice %arg3[%run_scoped3A, %mul3A_76, %dma_start3A] : memref<2x2500x128xi32, #tpu.memory_space<hbm>> -> memref<1x79x128xi32, #tpu.memory_space<hbm>>
        %dma_start3A_79 = tpu.memref_squeeze %dma_start3A_78 : memref<1x79x128xi32, #tpu.memory_space<hbm>> -> memref<79x128xi32, #tpu.memory_space<hbm>>
        %dma_start3A_80 = arith.constant 0 : i32
        %dma_start3A_81 = tpu.memref_slice %arg3[%run_scoped3A, %mul3A_76, %dma_start3A_80] : memref<2x2500x128xi32, #tpu.memory_space<hbm>> -> memref<1x79x128xi32, #tpu.memory_space<hbm>>
        %dma_start3A_82 = tpu.memref_squeeze %dma_start3A_81 : memref<1x79x128xi32, #tpu.memory_space<hbm>> -> memref<79x128xi32, #tpu.memory_space<hbm>>
        tpu.enqueue_dma source(%dma_start3A_82 : memref<79x128xi32, #tpu.memory_space<hbm>>) target(%arg7 : memref<79x128xi32, #tpu.memory_space<vmem>>) target_semaphore(%run_scoped3A_77 : memref<!tpu.dma_semaphore, #tpu.memory_space<semaphore_mem>>)
        %dma_wait3A = arith.constant 0 : i32
        %dma_wait3A_83 = tpu.memref_slice %arg3[%run_scoped3A, %mul3A_76, %dma_wait3A] : memref<2x2500x128xi32, #tpu.memory_space<hbm>> -> memref<1x79x128xi32, #tpu.memory_space<hbm>>
        %dma_wait3A_84 = tpu.memref_squeeze %dma_wait3A_83 : memref<1x79x128xi32, #tpu.memory_space<hbm>> -> memref<79x128xi32, #tpu.memory_space<hbm>>
        %dma_wait3A_85 = arith.constant 0 : i32
        %dma_wait3A_86 = tpu.memref_slice %arg3[%run_scoped3A, %mul3A_76, %dma_wait3A_85] : memref<2x2500x128xi32, #tpu.memory_space<hbm>> -> memref<1x79x128xi32, #tpu.memory_space<hbm>>
        %dma_wait3A_87 = tpu.memref_squeeze %dma_wait3A_86 : memref<1x79x128xi32, #tpu.memory_space<hbm>> -> memref<79x128xi32, #tpu.memory_space<hbm>>
        tpu.wait_dma2 semaphore(%run_scoped3A_77 : memref<!tpu.dma_semaphore, #tpu.memory_space<semaphore_mem>>) src(%dma_wait3A_87 : memref<79x128xi32, #tpu.memory_space<hbm>>) dst(%arg7 : memref<79x128xi32, #tpu.memory_space<vmem>>)
        tpu.yield
      }) : () -> ()
    } else {
    }
    %eq3A_18 = arith.constant 31 : i32
    %eq3A_19 = arith.cmpi eq, %add3A, %eq3A_18 : i32
    %convert_element_type3A_20 = arith.extui %eq3A_19 : i1 to i32
    %cond3A_21 = arith.constant 0 : i32
    %cond3A_22 = arith.cmpi ne, %convert_element_type3A_20, %cond3A_21 : i32
    scf.if %cond3A_22 {
      %run_scoped3A = arith.constant 1 : i32
      "tpu.region"() ({
        %run_scoped3A_75 = tpu.sem_alloc : memref<!tpu.dma_semaphore, #tpu.memory_space<semaphore_mem>>
        %dma_start3A = arith.constant 0 : i32
        %dma_start3A_76 = arith.constant 0 : i32
        %dma_start3A_77 = tpu.memref_slice %arg7[%dma_start3A, %dma_start3A_76] : memref<79x128xi32, #tpu.memory_space<vmem>> -> memref<51x128xi32, #tpu.memory_space<vmem>>
        %dma_start3A_78 = arith.constant 2449 : i32
        %dma_start3A_79 = arith.constant 0 : i32
        %dma_start3A_80 = tpu.memref_slice %arg3[%run_scoped3A, %dma_start3A_78, %dma_start3A_79] : memref<2x2500x128xi32, #tpu.memory_space<hbm>> -> memref<1x51x128xi32, #tpu.memory_space<hbm>>
        %dma_start3A_81 = tpu.memref_squeeze %dma_start3A_80 : memref<1x51x128xi32, #tpu.memory_space<hbm>> -> memref<51x128xi32, #tpu.memory_space<hbm>>
        %dma_start3A_82 = arith.constant 0 : i32
        %dma_start3A_83 = arith.constant 0 : i32
        %dma_start3A_84 = tpu.memref_slice %arg7[%dma_start3A_82, %dma_start3A_83] : memref<79x128xi32, #tpu.memory_space<vmem>> -> memref<51x128xi32, #tpu.memory_space<vmem>>
        %dma_start3A_85 = arith.constant 2449 : i32
        %dma_start3A_86 = arith.constant 0 : i32
        %dma_start3A_87 = tpu.memref_slice %arg3[%run_scoped3A, %dma_start3A_85, %dma_start3A_86] : memref<2x2500x128xi32, #tpu.memory_space<hbm>> -> memref<1x51x128xi32, #tpu.memory_space<hbm>>
        %dma_start3A_88 = tpu.memref_squeeze %dma_start3A_87 : memref<1x51x128xi32, #tpu.memory_space<hbm>> -> memref<51x128xi32, #tpu.memory_space<hbm>>
        tpu.enqueue_dma source(%dma_start3A_88 : memref<51x128xi32, #tpu.memory_space<hbm>>) target(%dma_start3A_84 : memref<51x128xi32, #tpu.memory_space<vmem>>) target_semaphore(%run_scoped3A_75 : memref<!tpu.dma_semaphore, #tpu.memory_space<semaphore_mem>>)
        %dma_wait3A = arith.constant 0 : i32
        %dma_wait3A_89 = arith.constant 0 : i32
        %dma_wait3A_90 = tpu.memref_slice %arg7[%dma_wait3A, %dma_wait3A_89] : memref<79x128xi32, #tpu.memory_space<vmem>> -> memref<51x128xi32, #tpu.memory_space<vmem>>
        %dma_wait3A_91 = arith.constant 2449 : i32
        %dma_wait3A_92 = arith.constant 0 : i32
        %dma_wait3A_93 = tpu.memref_slice %arg3[%run_scoped3A, %dma_wait3A_91, %dma_wait3A_92] : memref<2x2500x128xi32, #tpu.memory_space<hbm>> -> memref<1x51x128xi32, #tpu.memory_space<hbm>>
        %dma_wait3A_94 = tpu.memref_squeeze %dma_wait3A_93 : memref<1x51x128xi32, #tpu.memory_space<hbm>> -> memref<51x128xi32, #tpu.memory_space<hbm>>
        %dma_wait3A_95 = arith.constant 0 : i32
        %dma_wait3A_96 = arith.constant 0 : i32
        %dma_wait3A_97 = tpu.memref_slice %arg7[%dma_wait3A_95, %dma_wait3A_96] : memref<79x128xi32, #tpu.memory_space<vmem>> -> memref<51x128xi32, #tpu.memory_space<vmem>>
        %dma_wait3A_98 = arith.constant 2449 : i32
        %dma_wait3A_99 = arith.constant 0 : i32
        %dma_wait3A_100 = tpu.memref_slice %arg3[%run_scoped3A, %dma_wait3A_98, %dma_wait3A_99] : memref<2x2500x128xi32, #tpu.memory_space<hbm>> -> memref<1x51x128xi32, #tpu.memory_space<hbm>>
        %dma_wait3A_101 = tpu.memref_squeeze %dma_wait3A_100 : memref<1x51x128xi32, #tpu.memory_space<hbm>> -> memref<51x128xi32, #tpu.memory_space<hbm>>
        tpu.wait_dma2 semaphore(%run_scoped3A_75 : memref<!tpu.dma_semaphore, #tpu.memory_space<semaphore_mem>>) src(%dma_wait3A_101 : memref<51x128xi32, #tpu.memory_space<hbm>>) dst(%dma_wait3A_97 : memref<51x128xi32, #tpu.memory_space<vmem>>)
        tpu.yield
      }) : () -> ()
    } else {
    }
    %barrier3A = arith.constant 0 : index
    tpu.barrier barrier_id(%barrier3A)
    %gt3A = arith.constant 0 : i32
    %gt3A_23 = arith.cmpi sgt, %min3A, %gt3A : i32
    %convert_element_type3A_24 = arith.extui %gt3A_23 : i1 to i32
    %cond3A_25 = arith.constant 0 : i32
    %cond3A_26 = arith.cmpi ne, %convert_element_type3A_24, %cond3A_25 : i32
    scf.if %cond3A_26 {
      %dma_start3A = arith.constant 0 : i32
      %dma_start3A_75 = arith.constant 0 : i32
      %dma_start3A_76 = arith.constant 0 : i32
      %dma_start3A_77 = arith.constant 0 : i32
      %dma_start3A_78 = arith.constant 0 : i32
      %dma_start3A_79 = tpu.memref_slice %arg8[%dma_start3A_75, %dma_start3A_77, %dma_start3A_78] : memref<12x128x32xbf16, #tpu.memory_space<vmem>> -> memref<1x128x32xbf16, #tpu.memory_space<vmem>>
      %dma_start3A_80 = tpu.memref_squeeze %dma_start3A_79 : memref<1x128x32xbf16, #tpu.memory_space<vmem>> -> memref<128x32xbf16, #tpu.memory_space<vmem>>
      %dma_start3A_81 = arith.constant 0 : i32
      %dma_start3A_82 = tpu.memref_slice %arg6[%dma_start3A, %dma_start3A_81] : memref<79x128xi32, #tpu.memory_space<vmem>> -> memref<1x128xi32, #tpu.memory_space<vmem>>
      %dma_start3A_83 = tpu.memref_squeeze %dma_start3A_82 : memref<1x128xi32, #tpu.memory_space<vmem>> -> memref<128xi32, #tpu.memory_space<vmem>>
      %dma_start3A_84 = arith.constant 0 : i32
      %dma_start3A_85 = arith.constant 0 : i32
      %dma_start3A_86 = tpu.memref_slice %arg2[%dma_start3A_84, %dma_start3A_85] : memref<10240x32xbf16, #tpu.memory_space<hbm>> -> memref<10240x32xbf16, #tpu.memory_space<hbm>>
      %dma_start3A_87 = tpu.memref_slice %arg10[%dma_start3A_76] : memref<12x!tpu.dma_semaphore, #tpu.memory_space<semaphore_mem>> -> memref<1x!tpu.dma_semaphore, #tpu.memory_space<semaphore_mem>>
      %dma_start3A_88 = tpu.memref_squeeze %dma_start3A_87 : memref<1x!tpu.dma_semaphore, #tpu.memory_space<semaphore_mem>> -> memref<!tpu.dma_semaphore, #tpu.memory_space<semaphore_mem>>
      tpu.enqueue_indirect_dma source(%dma_start3A_86 : memref<10240x32xbf16, #tpu.memory_space<hbm>>) target(%dma_start3A_80 : memref<128x32xbf16, #tpu.memory_space<vmem>>) offsets(%dma_start3A_83 : memref<128xi32, #tpu.memory_space<vmem>>) semaphore(%dma_start3A_88 : memref<!tpu.dma_semaphore, #tpu.memory_space<semaphore_mem>>)
    } else {
    }
    %gt3A_27 = arith.constant 1 : i32
    %gt3A_28 = arith.cmpi sgt, %min3A, %gt3A_27 : i32
    %convert_element_type3A_29 = arith.extui %gt3A_28 : i1 to i32
    %cond3A_30 = arith.constant 0 : i32
    %cond3A_31 = arith.cmpi ne, %convert_element_type3A_29, %cond3A_30 : i32
    scf.if %cond3A_31 {
      %dma_start3A = arith.constant 1 : i32
      %dma_start3A_75 = arith.constant 1 : i32
      %dma_start3A_76 = arith.constant 1 : i32
      %dma_start3A_77 = arith.constant 0 : i32
      %dma_start3A_78 = arith.constant 0 : i32
      %dma_start3A_79 = tpu.memref_slice %arg8[%dma_start3A_75, %dma_start3A_77, %dma_start3A_78] : memref<12x128x32xbf16, #tpu.memory_space<vmem>> -> memref<1x128x32xbf16, #tpu.memory_space<vmem>>
      %dma_start3A_80 = tpu.memref_squeeze %dma_start3A_79 : memref<1x128x32xbf16, #tpu.memory_space<vmem>> -> memref<128x32xbf16, #tpu.memory_space<vmem>>
      %dma_start3A_81 = arith.constant 0 : i32
      %dma_start3A_82 = tpu.memref_slice %arg6[%dma_start3A, %dma_start3A_81] : memref<79x128xi32, #tpu.memory_space<vmem>> -> memref<1x128xi32, #tpu.memory_space<vmem>>
      %dma_start3A_83 = tpu.memref_squeeze %dma_start3A_82 : memref<1x128xi32, #tpu.memory_space<vmem>> -> memref<128xi32, #tpu.memory_space<vmem>>
      %dma_start3A_84 = arith.constant 0 : i32
      %dma_start3A_85 = arith.constant 0 : i32
      %dma_start3A_86 = tpu.memref_slice %arg2[%dma_start3A_84, %dma_start3A_85] : memref<10240x32xbf16, #tpu.memory_space<hbm>> -> memref<10240x32xbf16, #tpu.memory_space<hbm>>
      %dma_start3A_87 = tpu.memref_slice %arg10[%dma_start3A_76] : memref<12x!tpu.dma_semaphore, #tpu.memory_space<semaphore_mem>> -> memref<1x!tpu.dma_semaphore, #tpu.memory_space<semaphore_mem>>
      %dma_start3A_88 = tpu.memref_squeeze %dma_start3A_87 : memref<1x!tpu.dma_semaphore, #tpu.memory_space<semaphore_mem>> -> memref<!tpu.dma_semaphore, #tpu.memory_space<semaphore_mem>>
      tpu.enqueue_indirect_dma source(%dma_start3A_86 : memref<10240x32xbf16, #tpu.memory_space<hbm>>) target(%dma_start3A_80 : memref<128x32xbf16, #tpu.memory_space<vmem>>) offsets(%dma_start3A_83 : memref<128xi32, #tpu.memory_space<vmem>>) semaphore(%dma_start3A_88 : memref<!tpu.dma_semaphore, #tpu.memory_space<semaphore_mem>>)
    } else {
    }
    %gt3A_32 = arith.constant 2 : i32
    %gt3A_33 = arith.cmpi sgt, %min3A, %gt3A_32 : i32
    %convert_element_type3A_34 = arith.extui %gt3A_33 : i1 to i32
    %cond3A_35 = arith.constant 0 : i32
    %cond3A_36 = arith.cmpi ne, %convert_element_type3A_34, %cond3A_35 : i32
    scf.if %cond3A_36 {
      %dma_start3A = arith.constant 2 : i32
      %dma_start3A_75 = arith.constant 2 : i32
      %dma_start3A_76 = arith.constant 2 : i32
      %dma_start3A_77 = arith.constant 0 : i32
      %dma_start3A_78 = arith.constant 0 : i32
      %dma_start3A_79 = tpu.memref_slice %arg8[%dma_start3A_75, %dma_start3A_77, %dma_start3A_78] : memref<12x128x32xbf16, #tpu.memory_space<vmem>> -> memref<1x128x32xbf16, #tpu.memory_space<vmem>>
      %dma_start3A_80 = tpu.memref_squeeze %dma_start3A_79 : memref<1x128x32xbf16, #tpu.memory_space<vmem>> -> memref<128x32xbf16, #tpu.memory_space<vmem>>
      %dma_start3A_81 = arith.constant 0 : i32
      %dma_start3A_82 = tpu.memref_slice %arg6[%dma_start3A, %dma_start3A_81] : memref<79x128xi32, #tpu.memory_space<vmem>> -> memref<1x128xi32, #tpu.memory_space<vmem>>
      %dma_start3A_83 = tpu.memref_squeeze %dma_start3A_82 : memref<1x128xi32, #tpu.memory_space<vmem>> -> memref<128xi32, #tpu.memory_space<vmem>>
      %dma_start3A_84 = arith.constant 0 : i32
      %dma_start3A_85 = arith.constant 0 : i32
      %dma_start3A_86 = tpu.memref_slice %arg2[%dma_start3A_84, %dma_start3A_85] : memref<10240x32xbf16, #tpu.memory_space<hbm>> -> memref<10240x32xbf16, #tpu.memory_space<hbm>>
      %dma_start3A_87 = tpu.memref_slice %arg10[%dma_start3A_76] : memref<12x!tpu.dma_semaphore, #tpu.memory_space<semaphore_mem>> -> memref<1x!tpu.dma_semaphore, #tpu.memory_space<semaphore_mem>>
      %dma_start3A_88 = tpu.memref_squeeze %dma_start3A_87 : memref<1x!tpu.dma_semaphore, #tpu.memory_space<semaphore_mem>> -> memref<!tpu.dma_semaphore, #tpu.memory_space<semaphore_mem>>
      tpu.enqueue_indirect_dma source(%dma_start3A_86 : memref<10240x32xbf16, #tpu.memory_space<hbm>>) target(%dma_start3A_80 : memref<128x32xbf16, #tpu.memory_space<vmem>>) offsets(%dma_start3A_83 : memref<128xi32, #tpu.memory_space<vmem>>) semaphore(%dma_start3A_88 : memref<!tpu.dma_semaphore, #tpu.memory_space<semaphore_mem>>)
    } else {
    }
    %gt3A_37 = arith.constant 3 : i32
    %gt3A_38 = arith.cmpi sgt, %min3A, %gt3A_37 : i32
    %convert_element_type3A_39 = arith.extui %gt3A_38 : i1 to i32
    %cond3A_40 = arith.constant 0 : i32
    %cond3A_41 = arith.cmpi ne, %convert_element_type3A_39, %cond3A_40 : i32
    scf.if %cond3A_41 {
      %dma_start3A = arith.constant 3 : i32
      %dma_start3A_75 = arith.constant 3 : i32
      %dma_start3A_76 = arith.constant 3 : i32
      %dma_start3A_77 = arith.constant 0 : i32
      %dma_start3A_78 = arith.constant 0 : i32
      %dma_start3A_79 = tpu.memref_slice %arg8[%dma_start3A_75, %dma_start3A_77, %dma_start3A_78] : memref<12x128x32xbf16, #tpu.memory_space<vmem>> -> memref<1x128x32xbf16, #tpu.memory_space<vmem>>
      %dma_start3A_80 = tpu.memref_squeeze %dma_start3A_79 : memref<1x128x32xbf16, #tpu.memory_space<vmem>> -> memref<128x32xbf16, #tpu.memory_space<vmem>>
      %dma_start3A_81 = arith.constant 0 : i32
      %dma_start3A_82 = tpu.memref_slice %arg6[%dma_start3A, %dma_start3A_81] : memref<79x128xi32, #tpu.memory_space<vmem>> -> memref<1x128xi32, #tpu.memory_space<vmem>>
      %dma_start3A_83 = tpu.memref_squeeze %dma_start3A_82 : memref<1x128xi32, #tpu.memory_space<vmem>> -> memref<128xi32, #tpu.memory_space<vmem>>
      %dma_start3A_84 = arith.constant 0 : i32
      %dma_start3A_85 = arith.constant 0 : i32
      %dma_start3A_86 = tpu.memref_slice %arg2[%dma_start3A_84, %dma_start3A_85] : memref<10240x32xbf16, #tpu.memory_space<hbm>> -> memref<10240x32xbf16, #tpu.memory_space<hbm>>
      %dma_start3A_87 = tpu.memref_slice %arg10[%dma_start3A_76] : memref<12x!tpu.dma_semaphore, #tpu.memory_space<semaphore_mem>> -> memref<1x!tpu.dma_semaphore, #tpu.memory_space<semaphore_mem>>
      %dma_start3A_88 = tpu.memref_squeeze %dma_start3A_87 : memref<1x!tpu.dma_semaphore, #tpu.memory_space<semaphore_mem>> -> memref<!tpu.dma_semaphore, #tpu.memory_space<semaphore_mem>>
      tpu.enqueue_indirect_dma source(%dma_start3A_86 : memref<10240x32xbf16, #tpu.memory_space<hbm>>) target(%dma_start3A_80 : memref<128x32xbf16, #tpu.memory_space<vmem>>) offsets(%dma_start3A_83 : memref<128xi32, #tpu.memory_space<vmem>>) semaphore(%dma_start3A_88 : memref<!tpu.dma_semaphore, #tpu.memory_space<semaphore_mem>>)
    } else {
    }
    %gt3A_42 = arith.constant 4 : i32
    %gt3A_43 = arith.cmpi sgt, %min3A, %gt3A_42 : i32
    %convert_element_type3A_44 = arith.extui %gt3A_43 : i1 to i32
    %cond3A_45 = arith.constant 0 : i32
    %cond3A_46 = arith.cmpi ne, %convert_element_type3A_44, %cond3A_45 : i32
    scf.if %cond3A_46 {
      %dma_start3A = arith.constant 4 : i32
      %dma_start3A_75 = arith.constant 4 : i32
      %dma_start3A_76 = arith.constant 4 : i32
      %dma_start3A_77 = arith.constant 0 : i32
      %dma_start3A_78 = arith.constant 0 : i32
      %dma_start3A_79 = tpu.memref_slice %arg8[%dma_start3A_75, %dma_start3A_77, %dma_start3A_78] : memref<12x128x32xbf16, #tpu.memory_space<vmem>> -> memref<1x128x32xbf16, #tpu.memory_space<vmem>>
      %dma_start3A_80 = tpu.memref_squeeze %dma_start3A_79 : memref<1x128x32xbf16, #tpu.memory_space<vmem>> -> memref<128x32xbf16, #tpu.memory_space<vmem>>
      %dma_start3A_81 = arith.constant 0 : i32
      %dma_start3A_82 = tpu.memref_slice %arg6[%dma_start3A, %dma_start3A_81] : memref<79x128xi32, #tpu.memory_space<vmem>> -> memref<1x128xi32, #tpu.memory_space<vmem>>
      %dma_start3A_83 = tpu.memref_squeeze %dma_start3A_82 : memref<1x128xi32, #tpu.memory_space<vmem>> -> memref<128xi32, #tpu.memory_space<vmem>>
      %dma_start3A_84 = arith.constant 0 : i32
      %dma_start3A_85 = arith.constant 0 : i32
      %dma_start3A_86 = tpu.memref_slice %arg2[%dma_start3A_84, %dma_start3A_85] : memref<10240x32xbf16, #tpu.memory_space<hbm>> -> memref<10240x32xbf16, #tpu.memory_space<hbm>>
      %dma_start3A_87 = tpu.memref_slice %arg10[%dma_start3A_76] : memref<12x!tpu.dma_semaphore, #tpu.memory_space<semaphore_mem>> -> memref<1x!tpu.dma_semaphore, #tpu.memory_space<semaphore_mem>>
      %dma_start3A_88 = tpu.memref_squeeze %dma_start3A_87 : memref<1x!tpu.dma_semaphore, #tpu.memory_space<semaphore_mem>> -> memref<!tpu.dma_semaphore, #tpu.memory_space<semaphore_mem>>
      tpu.enqueue_indirect_dma source(%dma_start3A_86 : memref<10240x32xbf16, #tpu.memory_space<hbm>>) target(%dma_start3A_80 : memref<128x32xbf16, #tpu.memory_space<vmem>>) offsets(%dma_start3A_83 : memref<128xi32, #tpu.memory_space<vmem>>) semaphore(%dma_start3A_88 : memref<!tpu.dma_semaphore, #tpu.memory_space<semaphore_mem>>)
    } else {
    }
    %gt3A_47 = arith.constant 5 : i32
    %gt3A_48 = arith.cmpi sgt, %min3A, %gt3A_47 : i32
    %convert_element_type3A_49 = arith.extui %gt3A_48 : i1 to i32
    %cond3A_50 = arith.constant 0 : i32
    %cond3A_51 = arith.cmpi ne, %convert_element_type3A_49, %cond3A_50 : i32
    scf.if %cond3A_51 {
      %dma_start3A = arith.constant 5 : i32
      %dma_start3A_75 = arith.constant 5 : i32
      %dma_start3A_76 = arith.constant 5 : i32
      %dma_start3A_77 = arith.constant 0 : i32
      %dma_start3A_78 = arith.constant 0 : i32
      %dma_start3A_79 = tpu.memref_slice %arg8[%dma_start3A_75, %dma_start3A_77, %dma_start3A_78] : memref<12x128x32xbf16, #tpu.memory_space<vmem>> -> memref<1x128x32xbf16, #tpu.memory_space<vmem>>
      %dma_start3A_80 = tpu.memref_squeeze %dma_start3A_79 : memref<1x128x32xbf16, #tpu.memory_space<vmem>> -> memref<128x32xbf16, #tpu.memory_space<vmem>>
      %dma_start3A_81 = arith.constant 0 : i32
      %dma_start3A_82 = tpu.memref_slice %arg6[%dma_start3A, %dma_start3A_81] : memref<79x128xi32, #tpu.memory_space<vmem>> -> memref<1x128xi32, #tpu.memory_space<vmem>>
      %dma_start3A_83 = tpu.memref_squeeze %dma_start3A_82 : memref<1x128xi32, #tpu.memory_space<vmem>> -> memref<128xi32, #tpu.memory_space<vmem>>
      %dma_start3A_84 = arith.constant 0 : i32
      %dma_start3A_85 = arith.constant 0 : i32
      %dma_start3A_86 = tpu.memref_slice %arg2[%dma_start3A_84, %dma_start3A_85] : memref<10240x32xbf16, #tpu.memory_space<hbm>> -> memref<10240x32xbf16, #tpu.memory_space<hbm>>
      %dma_start3A_87 = tpu.memref_slice %arg10[%dma_start3A_76] : memref<12x!tpu.dma_semaphore, #tpu.memory_space<semaphore_mem>> -> memref<1x!tpu.dma_semaphore, #tpu.memory_space<semaphore_mem>>
      %dma_start3A_88 = tpu.memref_squeeze %dma_start3A_87 : memref<1x!tpu.dma_semaphore, #tpu.memory_space<semaphore_mem>> -> memref<!tpu.dma_semaphore, #tpu.memory_space<semaphore_mem>>
      tpu.enqueue_indirect_dma source(%dma_start3A_86 : memref<10240x32xbf16, #tpu.memory_space<hbm>>) target(%dma_start3A_80 : memref<128x32xbf16, #tpu.memory_space<vmem>>) offsets(%dma_start3A_83 : memref<128xi32, #tpu.memory_space<vmem>>) semaphore(%dma_start3A_88 : memref<!tpu.dma_semaphore, #tpu.memory_space<semaphore_mem>>)
    } else {
    }
    %scan3A = arith.constant 0 : i32
    %scan3A_52 = arith.constant 0 : i32
    %scan3A_53 = arith.constant 79 : i32
    %scan3A_54 = arith.addi %scan3A_52, %scan3A_53 : i32
    %scan3A_55 = arith.constant 1 : i32
    scf.for %scan3A_75 = %scan3A_52 to %scan3A_54 step %scan3A_55  : i32 {
      %rem3A = arith.constant 12 : i32
      %rem3A_76 = arith.remsi %scan3A_75, %rem3A : i32
      %lt3A_77 = arith.cmpi slt, %scan3A_75, %min3A : i32
      %convert_element_type3A_78 = arith.extui %lt3A_77 : i1 to i32
      %cond3A_79 = arith.constant 0 : i32
      %cond3A_80 = arith.cmpi ne, %convert_element_type3A_78, %cond3A_79 : i32
      scf.if %cond3A_80 {
        %dma_wait3A = arith.constant 0 : i32
        %dma_wait3A_81 = arith.constant 0 : i32
        %dma_wait3A_82 = tpu.memref_slice %arg8[%rem3A_76, %dma_wait3A, %dma_wait3A_81] : memref<12x128x32xbf16, #tpu.memory_space<vmem>> -> memref<1x128x32xbf16, #tpu.memory_space<vmem>>
        %dma_wait3A_83 = tpu.memref_squeeze %dma_wait3A_82 : memref<1x128x32xbf16, #tpu.memory_space<vmem>> -> memref<128x32xbf16, #tpu.memory_space<vmem>>
        %dma_wait3A_84 = arith.constant 0 : i32
        %dma_wait3A_85 = tpu.memref_slice %arg6[%scan3A_75, %dma_wait3A_84] : memref<79x128xi32, #tpu.memory_space<vmem>> -> memref<1x128xi32, #tpu.memory_space<vmem>>
        %dma_wait3A_86 = tpu.memref_squeeze %dma_wait3A_85 : memref<1x128xi32, #tpu.memory_space<vmem>> -> memref<128xi32, #tpu.memory_space<vmem>>
        %dma_wait3A_87 = arith.constant 0 : i32
        %dma_wait3A_88 = arith.constant 0 : i32
        %dma_wait3A_89 = tpu.memref_slice %arg2[%dma_wait3A_87, %dma_wait3A_88] : memref<10240x32xbf16, #tpu.memory_space<hbm>> -> memref<10240x32xbf16, #tpu.memory_space<hbm>>
        %dma_wait3A_90 = tpu.memref_slice %arg10[%rem3A_76] : memref<12x!tpu.dma_semaphore, #tpu.memory_space<semaphore_mem>> -> memref<1x!tpu.dma_semaphore, #tpu.memory_space<semaphore_mem>>
        %dma_wait3A_91 = tpu.memref_squeeze %dma_wait3A_90 : memref<1x!tpu.dma_semaphore, #tpu.memory_space<semaphore_mem>> -> memref<!tpu.dma_semaphore, #tpu.memory_space<semaphore_mem>>
        tpu.wait_indirect_dma semaphore(%dma_wait3A_91 : memref<!tpu.dma_semaphore, #tpu.memory_space<semaphore_mem>>) src(%dma_wait3A_89 : memref<10240x32xbf16, #tpu.memory_space<hbm>>) dst(%dma_wait3A_83 : memref<128x32xbf16, #tpu.memory_space<vmem>>)
        %dma_start3A = arith.constant 0 : i32
        %dma_start3A_92 = arith.constant 0 : i32
        %dma_start3A_93 = tpu.memref_slice %arg8[%rem3A_76, %dma_start3A, %dma_start3A_92] : memref<12x128x32xbf16, #tpu.memory_space<vmem>> -> memref<1x128x32xbf16, #tpu.memory_space<vmem>>
        %dma_start3A_94 = tpu.memref_squeeze %dma_start3A_93 : memref<1x128x32xbf16, #tpu.memory_space<vmem>> -> memref<128x32xbf16, #tpu.memory_space<vmem>>
        %dma_start3A_95 = arith.constant 0 : i32
        %dma_start3A_96 = tpu.memref_slice %arg7[%scan3A_75, %dma_start3A_95] : memref<79x128xi32, #tpu.memory_space<vmem>> -> memref<1x128xi32, #tpu.memory_space<vmem>>
        %dma_start3A_97 = tpu.memref_squeeze %dma_start3A_96 : memref<1x128xi32, #tpu.memory_space<vmem>> -> memref<128xi32, #tpu.memory_space<vmem>>
        %dma_start3A_98 = arith.constant 0 : i32
        %dma_start3A_99 = arith.constant 0 : i32
        %dma_start3A_100 = tpu.memref_slice %arg9[%dma_start3A_98, %dma_start3A_99] : memref<10240x32xbf16, #tpu.memory_space<vmem_shared>> -> memref<10240x32xbf16, #tpu.memory_space<vmem_shared>>
        %dma_start3A_101 = tpu.memref_slice %arg11[%rem3A_76] : memref<12x!tpu.dma_semaphore, #tpu.memory_space<semaphore_mem>> -> memref<1x!tpu.dma_semaphore, #tpu.memory_space<semaphore_mem>>
        %dma_start3A_102 = tpu.memref_squeeze %dma_start3A_101 : memref<1x!tpu.dma_semaphore, #tpu.memory_space<semaphore_mem>> -> memref<!tpu.dma_semaphore, #tpu.memory_space<semaphore_mem>>
        tpu.enqueue_indirect_dma source(%dma_start3A_94 : memref<128x32xbf16, #tpu.memory_space<vmem>>) target(%dma_start3A_100 : memref<10240x32xbf16, #tpu.memory_space<vmem_shared>>) offsets(%dma_start3A_97 : memref<128xi32, #tpu.memory_space<vmem>>) semaphore(%dma_start3A_102 : memref<!tpu.dma_semaphore, #tpu.memory_space<semaphore_mem>>) {add = true}
        %add3A_103 = arith.constant 6 : i32
        %add3A_104 = arith.addi %scan3A_75, %add3A_103 : i32
        %rem3A_105 = arith.constant 12 : i32
        %rem3A_106 = arith.remsi %add3A_104, %rem3A_105 : i32
        %lt3A_107 = arith.cmpi slt, %add3A_104, %min3A : i32
        %convert_element_type3A_108 = arith.extui %lt3A_107 : i1 to i32
        %cond3A_109 = arith.constant 0 : i32
        %cond3A_110 = arith.cmpi ne, %convert_element_type3A_108, %cond3A_109 : i32
        scf.if %cond3A_110 {
          %ge3A = arith.constant 12 : i32
          %ge3A_111 = arith.cmpi sge, %add3A_104, %ge3A : i32
          %convert_element_type3A_112 = arith.extui %ge3A_111 : i1 to i32
          %cond3A_113 = arith.constant 0 : i32
          %cond3A_114 = arith.cmpi ne, %convert_element_type3A_112, %cond3A_113 : i32
          scf.if %cond3A_114 {
            %sub3A_127 = arith.constant 12 : i32
            %sub3A_128 = arith.subi %add3A_104, %sub3A_127 : i32
            %dma_wait3A_129 = arith.constant 0 : i32
            %dma_wait3A_130 = arith.constant 0 : i32
            %dma_wait3A_131 = tpu.memref_slice %arg8[%rem3A_106, %dma_wait3A_129, %dma_wait3A_130] : memref<12x128x32xbf16, #tpu.memory_space<vmem>> -> memref<1x128x32xbf16, #tpu.memory_space<vmem>>
            %dma_wait3A_132 = tpu.memref_squeeze %dma_wait3A_131 : memref<1x128x32xbf16, #tpu.memory_space<vmem>> -> memref<128x32xbf16, #tpu.memory_space<vmem>>
            %dma_wait3A_133 = arith.constant 0 : i32
            %dma_wait3A_134 = tpu.memref_slice %arg7[%sub3A_128, %dma_wait3A_133] : memref<79x128xi32, #tpu.memory_space<vmem>> -> memref<1x128xi32, #tpu.memory_space<vmem>>
            %dma_wait3A_135 = tpu.memref_squeeze %dma_wait3A_134 : memref<1x128xi32, #tpu.memory_space<vmem>> -> memref<128xi32, #tpu.memory_space<vmem>>
            %dma_wait3A_136 = arith.constant 0 : i32
            %dma_wait3A_137 = arith.constant 0 : i32
            %dma_wait3A_138 = tpu.memref_slice %arg9[%dma_wait3A_136, %dma_wait3A_137] : memref<10240x32xbf16, #tpu.memory_space<vmem_shared>> -> memref<10240x32xbf16, #tpu.memory_space<vmem_shared>>
            %dma_wait3A_139 = tpu.memref_slice %arg11[%rem3A_106] : memref<12x!tpu.dma_semaphore, #tpu.memory_space<semaphore_mem>> -> memref<1x!tpu.dma_semaphore, #tpu.memory_space<semaphore_mem>>
            %dma_wait3A_140 = tpu.memref_squeeze %dma_wait3A_139 : memref<1x!tpu.dma_semaphore, #tpu.memory_space<semaphore_mem>> -> memref<!tpu.dma_semaphore, #tpu.memory_space<semaphore_mem>>
            tpu.wait_indirect_dma semaphore(%dma_wait3A_140 : memref<!tpu.dma_semaphore, #tpu.memory_space<semaphore_mem>>) src(%dma_wait3A_132 : memref<128x32xbf16, #tpu.memory_space<vmem>>) dst(%dma_wait3A_138 : memref<10240x32xbf16, #tpu.memory_space<vmem_shared>>)
          } else {
          }
          %dma_start3A_115 = arith.constant 0 : i32
          %dma_start3A_116 = arith.constant 0 : i32
          %dma_start3A_117 = tpu.memref_slice %arg8[%rem3A_106, %dma_start3A_115, %dma_start3A_116] : memref<12x128x32xbf16, #tpu.memory_space<vmem>> -> memref<1x128x32xbf16, #tpu.memory_space<vmem>>
          %dma_start3A_118 = tpu.memref_squeeze %dma_start3A_117 : memref<1x128x32xbf16, #tpu.memory_space<vmem>> -> memref<128x32xbf16, #tpu.memory_space<vmem>>
          %dma_start3A_119 = arith.constant 0 : i32
          %dma_start3A_120 = tpu.memref_slice %arg6[%add3A_104, %dma_start3A_119] : memref<79x128xi32, #tpu.memory_space<vmem>> -> memref<1x128xi32, #tpu.memory_space<vmem>>
          %dma_start3A_121 = tpu.memref_squeeze %dma_start3A_120 : memref<1x128xi32, #tpu.memory_space<vmem>> -> memref<128xi32, #tpu.memory_space<vmem>>
          %dma_start3A_122 = arith.constant 0 : i32
          %dma_start3A_123 = arith.constant 0 : i32
          %dma_start3A_124 = tpu.memref_slice %arg2[%dma_start3A_122, %dma_start3A_123] : memref<10240x32xbf16, #tpu.memory_space<hbm>> -> memref<10240x32xbf16, #tpu.memory_space<hbm>>
          %dma_start3A_125 = tpu.memref_slice %arg10[%rem3A_106] : memref<12x!tpu.dma_semaphore, #tpu.memory_space<semaphore_mem>> -> memref<1x!tpu.dma_semaphore, #tpu.memory_space<semaphore_mem>>
          %dma_start3A_126 = tpu.memref_squeeze %dma_start3A_125 : memref<1x!tpu.dma_semaphore, #tpu.memory_space<semaphore_mem>> -> memref<!tpu.dma_semaphore, #tpu.memory_space<semaphore_mem>>
          tpu.enqueue_indirect_dma source(%dma_start3A_124 : memref<10240x32xbf16, #tpu.memory_space<hbm>>) target(%dma_start3A_118 : memref<128x32xbf16, #tpu.memory_space<vmem>>) offsets(%dma_start3A_121 : memref<128xi32, #tpu.memory_space<vmem>>) semaphore(%dma_start3A_126 : memref<!tpu.dma_semaphore, #tpu.memory_space<semaphore_mem>>)
        } else {
        }
      } else {
      }
    }
    %scan3A_56 = arith.constant 79 : i32
    %sub3A_57 = arith.constant 12 : i32
    %sub3A_58 = arith.subi %sub3A_57, %min3A : i32
    %max3A_59 = arith.constant 0 : i32
    %max3A_60 = arith.maxsi %sub3A_58, %max3A_59 : i32
    %while3A = arith.constant 0 : i32
    %while3A_61 = arith.constant 12 : i32
    %while3A_62 = arith.subi %while3A_61, %max3A_60 : i32
    %while3A_63 = arith.addi %max3A_60, %while3A_62 : i32
    %while3A_64 = arith.constant 1 : i32
    %while3A_65 = arith.divsi %while3A_62, %while3A_64 : i32
    %while3A_66 = arith.muli %while3A_65, %while3A_64 : i32
    %while3A_67 = arith.addi %max3A_60, %while3A_66 : i32
    %while3A_68 = arith.constant 1 : i32
    scf.for %while3A_75 = %max3A_60 to %while3A_67 step %while3A_68  : i32 {
      %sub3A_76 = arith.constant 12 : i32
      %sub3A_77 = arith.subi %min3A, %sub3A_76 : i32
      %add3A_78 = arith.addi %sub3A_77, %while3A_75 : i32
      %sub3A_79 = arith.constant 12 : i32
      %sub3A_80 = arith.subi %min3A, %sub3A_79 : i32
      %max3A_81 = arith.constant 0 : i32
      %max3A_82 = arith.maxsi %sub3A_80, %max3A_81 : i32
      %ge3A = arith.cmpi sge, %add3A_78, %max3A_82 : i32
      %convert_element_type3A_83 = arith.extui %ge3A : i1 to i32
      %cond3A_84 = arith.constant 0 : i32
      %cond3A_85 = arith.cmpi ne, %convert_element_type3A_83, %cond3A_84 : i32
      scf.if %cond3A_85 {
        %rem3A = arith.constant 12 : i32
        %rem3A_86 = arith.remsi %add3A_78, %rem3A : i32
        %dma_wait3A = arith.constant 0 : i32
        %dma_wait3A_87 = arith.constant 0 : i32
        %dma_wait3A_88 = tpu.memref_slice %arg8[%rem3A_86, %dma_wait3A, %dma_wait3A_87] : memref<12x128x32xbf16, #tpu.memory_space<vmem>> -> memref<1x128x32xbf16, #tpu.memory_space<vmem>>
        %dma_wait3A_89 = tpu.memref_squeeze %dma_wait3A_88 : memref<1x128x32xbf16, #tpu.memory_space<vmem>> -> memref<128x32xbf16, #tpu.memory_space<vmem>>
        %dma_wait3A_90 = arith.constant 0 : i32
        %dma_wait3A_91 = tpu.memref_slice %arg7[%add3A_78, %dma_wait3A_90] : memref<79x128xi32, #tpu.memory_space<vmem>> -> memref<1x128xi32, #tpu.memory_space<vmem>>
        %dma_wait3A_92 = tpu.memref_squeeze %dma_wait3A_91 : memref<1x128xi32, #tpu.memory_space<vmem>> -> memref<128xi32, #tpu.memory_space<vmem>>
        %dma_wait3A_93 = arith.constant 0 : i32
        %dma_wait3A_94 = arith.constant 0 : i32
        %dma_wait3A_95 = tpu.memref_slice %arg9[%dma_wait3A_93, %dma_wait3A_94] : memref<10240x32xbf16, #tpu.memory_space<vmem_shared>> -> memref<10240x32xbf16, #tpu.memory_space<vmem_shared>>
        %dma_wait3A_96 = tpu.memref_slice %arg11[%rem3A_86] : memref<12x!tpu.dma_semaphore, #tpu.memory_space<semaphore_mem>> -> memref<1x!tpu.dma_semaphore, #tpu.memory_space<semaphore_mem>>
        %dma_wait3A_97 = tpu.memref_squeeze %dma_wait3A_96 : memref<1x!tpu.dma_semaphore, #tpu.memory_space<semaphore_mem>> -> memref<!tpu.dma_semaphore, #tpu.memory_space<semaphore_mem>>
        tpu.wait_indirect_dma semaphore(%dma_wait3A_97 : memref<!tpu.dma_semaphore, #tpu.memory_space<semaphore_mem>>) src(%dma_wait3A_89 : memref<128x32xbf16, #tpu.memory_space<vmem>>) dst(%dma_wait3A_95 : memref<10240x32xbf16, #tpu.memory_space<vmem_shared>>)
      } else {
      }
    }
    %while3A_69 = arith.constant 1 : i32
    scf.for %while3A_75 = %while3A_67 to %while3A_63 step %while3A_69  : i32 {
      %sub3A_76 = arith.constant 12 : i32
      %sub3A_77 = arith.subi %min3A, %sub3A_76 : i32
      %add3A_78 = arith.addi %sub3A_77, %while3A_75 : i32
      %sub3A_79 = arith.constant 12 : i32
      %sub3A_80 = arith.subi %min3A, %sub3A_79 : i32
      %max3A_81 = arith.constant 0 : i32
      %max3A_82 = arith.maxsi %sub3A_80, %max3A_81 : i32
      %ge3A = arith.cmpi sge, %add3A_78, %max3A_82 : i32
      %convert_element_type3A_83 = arith.extui %ge3A : i1 to i32
      %cond3A_84 = arith.constant 0 : i32
      %cond3A_85 = arith.cmpi ne, %convert_element_type3A_83, %cond3A_84 : i32
      scf.if %cond3A_85 {
        %rem3A = arith.constant 12 : i32
        %rem3A_86 = arith.remsi %add3A_78, %rem3A : i32
        %dma_wait3A = arith.constant 0 : i32
        %dma_wait3A_87 = arith.constant 0 : i32
        %dma_wait3A_88 = tpu.memref_slice %arg8[%rem3A_86, %dma_wait3A, %dma_wait3A_87] : memref<12x128x32xbf16, #tpu.memory_space<vmem>> -> memref<1x128x32xbf16, #tpu.memory_space<vmem>>
        %dma_wait3A_89 = tpu.memref_squeeze %dma_wait3A_88 : memref<1x128x32xbf16, #tpu.memory_space<vmem>> -> memref<128x32xbf16, #tpu.memory_space<vmem>>
        %dma_wait3A_90 = arith.constant 0 : i32
        %dma_wait3A_91 = tpu.memref_slice %arg7[%add3A_78, %dma_wait3A_90] : memref<79x128xi32, #tpu.memory_space<vmem>> -> memref<1x128xi32, #tpu.memory_space<vmem>>
        %dma_wait3A_92 = tpu.memref_squeeze %dma_wait3A_91 : memref<1x128xi32, #tpu.memory_space<vmem>> -> memref<128xi32, #tpu.memory_space<vmem>>
        %dma_wait3A_93 = arith.constant 0 : i32
        %dma_wait3A_94 = arith.constant 0 : i32
        %dma_wait3A_95 = tpu.memref_slice %arg9[%dma_wait3A_93, %dma_wait3A_94] : memref<10240x32xbf16, #tpu.memory_space<vmem_shared>> -> memref<10240x32xbf16, #tpu.memory_space<vmem_shared>>
        %dma_wait3A_96 = tpu.memref_slice %arg11[%rem3A_86] : memref<12x!tpu.dma_semaphore, #tpu.memory_space<semaphore_mem>> -> memref<1x!tpu.dma_semaphore, #tpu.memory_space<semaphore_mem>>
        %dma_wait3A_97 = tpu.memref_squeeze %dma_wait3A_96 : memref<1x!tpu.dma_semaphore, #tpu.memory_space<semaphore_mem>> -> memref<!tpu.dma_semaphore, #tpu.memory_space<semaphore_mem>>
        tpu.wait_indirect_dma semaphore(%dma_wait3A_97 : memref<!tpu.dma_semaphore, #tpu.memory_space<semaphore_mem>>) src(%dma_wait3A_89 : memref<128x32xbf16, #tpu.memory_space<vmem>>) dst(%dma_wait3A_95 : memref<10240x32xbf16, #tpu.memory_space<vmem_shared>>)
      } else {
      }
    }
    %barrier3A_70 = arith.constant 0 : index
    tpu.barrier barrier_id(%barrier3A_70)
    %mul3A_71 = arith.constant 640 : i32
    %mul3A_72 = arith.muli %arg1, %mul3A_71 : i32
    %mul3A_73 = arith.constant 640 : i32
    %mul3A_74 = arith.muli %arg1, %mul3A_73 : i32
    "tpu.region"() ({
      %run_scoped3A = tpu.sem_alloc : memref<!tpu.dma_semaphore, #tpu.memory_space<semaphore_mem>>
      %dma_start3A = arith.constant 0 : i32
      %dma_start3A_75 = tpu.memref_slice %arg5[%arg0, %mul3A_74, %dma_start3A] : memref<2x10240x32xbf16, #tpu.memory_space<hbm>> -> memref<1x640x32xbf16, #tpu.memory_space<hbm>>
      %dma_start3A_76 = tpu.memref_squeeze %dma_start3A_75 : memref<1x640x32xbf16, #tpu.memory_space<hbm>> -> memref<640x32xbf16, #tpu.memory_space<hbm>>
      %dma_start3A_77 = arith.constant 0 : i32
      %dma_start3A_78 = tpu.memref_slice %arg9[%mul3A_72, %dma_start3A_77] : memref<10240x32xbf16, #tpu.memory_space<vmem_shared>> -> memref<640x32xbf16, #tpu.memory_space<vmem_shared>>
      tpu.enqueue_dma source(%dma_start3A_78 : memref<640x32xbf16, #tpu.memory_space<vmem_shared>>) target(%dma_start3A_76 : memref<640x32xbf16, #tpu.memory_space<hbm>>) target_semaphore(%run_scoped3A : memref<!tpu.dma_semaphore, #tpu.memory_space<semaphore_mem>>)
      %dma_wait3A = arith.constant 0 : i32
      %dma_wait3A_79 = tpu.memref_slice %arg5[%arg0, %mul3A_74, %dma_wait3A] : memref<2x10240x32xbf16, #tpu.memory_space<hbm>> -> memref<1x640x32xbf16, #tpu.memory_space<hbm>>
      %dma_wait3A_80 = tpu.memref_squeeze %dma_wait3A_79 : memref<1x640x32xbf16, #tpu.memory_space<hbm>> -> memref<640x32xbf16, #tpu.memory_space<hbm>>
      %dma_wait3A_81 = arith.constant 0 : i32
      %dma_wait3A_82 = tpu.memref_slice %arg9[%mul3A_72, %dma_wait3A_81] : memref<10240x32xbf16, #tpu.memory_space<vmem_shared>> -> memref<640x32xbf16, #tpu.memory_space<vmem_shared>>
      tpu.wait_dma2 semaphore(%run_scoped3A : memref<!tpu.dma_semaphore, #tpu.memory_space<semaphore_mem>>) src(%dma_wait3A_82 : memref<640x32xbf16, #tpu.memory_space<vmem_shared>>) dst(%dma_wait3A_80 : memref<640x32xbf16, #tpu.memory_space<hbm>>)
      tpu.yield
    }) : () -> ()
    return
  }
}

#map = affine_map<(d0, d1) -> (0, 0)>
#map1 = affine_map<(d0, d1) -> (0, 0, 0)>
module attributes {stable_mosaic.version = 14 : i64} {
  func.func @scat_kernel(%arg0: i32, %arg1: i32, %arg2: memref<10240x32xbf16, #tpu.memory_space<hbm>>, %arg3: memref<2x2500x128xi32, #tpu.memory_space<hbm>>, %arg4: memref<640x32xbf16, #tpu.memory_space<hbm>>, %arg5: memref<2x10240x32xbf16, #tpu.memory_space<hbm>>, %arg6: memref<79x128xi32, #tpu.memory_space<vmem>>, %arg7: memref<79x128xi32, #tpu.memory_space<vmem>>, %arg8: memref<12x128x32xbf16, #tpu.memory_space<vmem>>, %arg9: memref<10240x32xbf16, #tpu.memory_space<vmem_shared>>, %arg10: memref<12x!tpu.dma_semaphore, #tpu.memory_space<semaphore_mem>>, %arg11: memref<12x!tpu.dma_semaphore, #tpu.memory_space<semaphore_mem>>) attributes {dimension_semantics = [#tpu.dimension_semantics<core_parallel>, #tpu.dimension_semantics<subcore_parallel>], iteration_bounds = array<i64: 2, 16>, scalar_prefetch = 0 : i64, scratch_operands = 6 : i64, tpu.core_type = #tpu.core_type<sc_vector_subcore>, window_params = [{transform_indices = #map}, {transform_indices = #map1}, {transform_indices = #map}, {transform_indices = #map1}]} {
    %mul3A = arith.constant 16 : i32
    %mul3A_0 = arith.muli %arg0, %mul3A : i32
    %add3A = arith.addi %mul3A_0, %arg1 : i32
    %mul3A_1 = arith.constant 79 : i32
    %mul3A_2 = arith.muli %add3A, %mul3A_1 : i32
    %sub3A = arith.constant 2500 : i32
    %sub3A_3 = arith.subi %sub3A, %mul3A_2 : i32
    %jit3A = arith.constant 0 : i32
    %jit3A_4 = arith.constant 79 : i32
    %max3A = arith.maxsi %jit3A, %sub3A_3 : i32
    %min3A = arith.minsi %jit3A_4, %max3A : i32
    %mul3A_5 = arith.constant 640 : i32
    %mul3A_6 = arith.muli %arg1, %mul3A_5 : i32
    "tpu.region"() ({
      %run_scoped3A = tpu.sem_alloc : memref<!tpu.dma_semaphore, #tpu.memory_space<semaphore_mem>>
      %dma_start3A = arith.constant 0 : i32
      %dma_start3A_75 = tpu.memref_slice %arg9[%mul3A_6, %dma_start3A] : memref<10240x32xbf16, #tpu.memory_space<vmem_shared>> -> memref<640x32xbf16, #tpu.memory_space<vmem_shared>>
      tpu.enqueue_dma source(%arg4 : memref<640x32xbf16, #tpu.memory_space<hbm>>) target(%dma_start3A_75 : memref<640x32xbf16, #tpu.memory_space<vmem_shared>>) target_semaphore(%run_scoped3A : memref<!tpu.dma_semaphore, #tpu.memory_space<semaphore_mem>>)
      %dma_wait3A = arith.constant 0 : i32
      %dma_wait3A_76 = tpu.memref_slice %arg9[%mul3A_6, %dma_wait3A] : memref<10240x32xbf16, #tpu.memory_space<vmem_shared>> -> memref<640x32xbf16, #tpu.memory_space<vmem_shared>>
      tpu.wait_dma2 semaphore(%run_scoped3A : memref<!tpu.dma_semaphore, #tpu.memory_space<semaphore_mem>>) src(%arg4 : memref<640x32xbf16, #tpu.memory_space<hbm>>) dst(%dma_wait3A_76 : memref<640x32xbf16, #tpu.memory_space<vmem_shared>>)
      tpu.yield
    }) : () -> ()
    %lt3A = arith.constant 31 : i32
    %lt3A_7 = arith.cmpi slt, %add3A, %lt3A : i32
    %convert_element_type3A = arith.extui %lt3A_7 : i1 to i32
    %cond3A = arith.constant 0 : i32
    %cond3A_8 = arith.cmpi ne, %convert_element_type3A, %cond3A : i32
    scf.if %cond3A_8 {
      %mul3A_75 = arith.constant 79 : i32
      %mul3A_76 = arith.muli %add3A, %mul3A_75 : i32
      %run_scoped3A = arith.constant 0 : i32
      "tpu.region"() ({
        %run_scoped3A_77 = tpu.sem_alloc : memref<!tpu.dma_semaphore, #tpu.memory_space<semaphore_mem>>
        %dma_start3A = arith.constant 0 : i32
        %dma_start3A_78 = tpu.memref_slice %arg3[%run_scoped3A, %mul3A_76, %dma_start3A] : memref<2x2500x128xi32, #tpu.memory_space<hbm>> -> memref<1x79x128xi32, #tpu.memory_space<hbm>>
        %dma_start3A_79 = tpu.memref_squeeze %dma_start3A_78 : memref<1x79x128xi32, #tpu.memory_space<hbm>> -> memref<79x128xi32, #tpu.memory_space<hbm>>
        %dma_start3A_80 = arith.constant 0 : i32
        %dma_start3A_81 = tpu.memref_slice %arg3[%run_scoped3A, %mul3A_76, %dma_start3A_80] : memref<2x2500x128xi32, #tpu.memory_space<hbm>> -> memref<1x79x128xi32, #tpu.memory_space<hbm>>
        %dma_start3A_82 = tpu.memref_squeeze %dma_start3A_81 : memref<1x79x128xi32, #tpu.memory_space<hbm>> -> memref<79x128xi32, #tpu.memory_space<hbm>>
        tpu.enqueue_dma source(%dma_start3A_82 : memref<79x128xi32, #tpu.memory_space<hbm>>) target(%arg6 : memref<79x128xi32, #tpu.memory_space<vmem>>) target_semaphore(%run_scoped3A_77 : memref<!tpu.dma_semaphore, #tpu.memory_space<semaphore_mem>>)
        %dma_wait3A = arith.constant 0 : i32
        %dma_wait3A_83 = tpu.memref_slice %arg3[%run_scoped3A, %mul3A_76, %dma_wait3A] : memref<2x2500x128xi32, #tpu.memory_space<hbm>> -> memref<1x79x128xi32, #tpu.memory_space<hbm>>
        %dma_wait3A_84 = tpu.memref_squeeze %dma_wait3A_83 : memref<1x79x128xi32, #tpu.memory_space<hbm>> -> memref<79x128xi32, #tpu.memory_space<hbm>>
        %dma_wait3A_85 = arith.constant 0 : i32
        %dma_wait3A_86 = tpu.memref_slice %arg3[%run_scoped3A, %mul3A_76, %dma_wait3A_85] : memref<2x2500x128xi32, #tpu.memory_space<hbm>> -> memref<1x79x128xi32, #tpu.memory_space<hbm>>
        %dma_wait3A_87 = tpu.memref_squeeze %dma_wait3A_86 : memref<1x79x128xi32, #tpu.memory_space<hbm>> -> memref<79x128xi32, #tpu.memory_space<hbm>>
        tpu.wait_dma2 semaphore(%run_scoped3A_77 : memref<!tpu.dma_semaphore, #tpu.memory_space<semaphore_mem>>) src(%dma_wait3A_87 : memref<79x128xi32, #tpu.memory_space<hbm>>) dst(%arg6 : memref<79x128xi32, #tpu.memory_space<vmem>>)
        tpu.yield
      }) : () -> ()
    } else {
    }
    %eq3A = arith.constant 31 : i32
    %eq3A_9 = arith.cmpi eq, %add3A, %eq3A : i32
    %convert_element_type3A_10 = arith.extui %eq3A_9 : i1 to i32
    %cond3A_11 = arith.constant 0 : i32
    %cond3A_12 = arith.cmpi ne, %convert_element_type3A_10, %cond3A_11 : i32
    scf.if %cond3A_12 {
      %run_scoped3A = arith.constant 0 : i32
      "tpu.region"() ({
        %run_scoped3A_75 = tpu.sem_alloc : memref<!tpu.dma_semaphore, #tpu.memory_space<semaphore_mem>>
        %dma_start3A = arith.constant 0 : i32
        %dma_start3A_76 = arith.constant 0 : i32
        %dma_start3A_77 = tpu.memref_slice %arg6[%dma_start3A, %dma_start3A_76] : memref<79x128xi32, #tpu.memory_space<vmem>> -> memref<51x128xi32, #tpu.memory_space<vmem>>
        %dma_start3A_78 = arith.constant 2449 : i32
        %dma_start3A_79 = arith.constant 0 : i32
        %dma_start3A_80 = tpu.memref_slice %arg3[%run_scoped3A, %dma_start3A_78, %dma_start3A_79] : memref<2x2500x128xi32, #tpu.memory_space<hbm>> -> memref<1x51x128xi32, #tpu.memory_space<hbm>>
        %dma_start3A_81 = tpu.memref_squeeze %dma_start3A_80 : memref<1x51x128xi32, #tpu.memory_space<hbm>> -> memref<51x128xi32, #tpu.memory_space<hbm>>
        %dma_start3A_82 = arith.constant 0 : i32
        %dma_start3A_83 = arith.constant 0 : i32
        %dma_start3A_84 = tpu.memref_slice %arg6[%dma_start3A_82, %dma_start3A_83] : memref<79x128xi32, #tpu.memory_space<vmem>> -> memref<51x128xi32, #tpu.memory_space<vmem>>
        %dma_start3A_85 = arith.constant 2449 : i32
        %dma_start3A_86 = arith.constant 0 : i32
        %dma_start3A_87 = tpu.memref_slice %arg3[%run_scoped3A, %dma_start3A_85, %dma_start3A_86] : memref<2x2500x128xi32, #tpu.memory_space<hbm>> -> memref<1x51x128xi32, #tpu.memory_space<hbm>>
        %dma_start3A_88 = tpu.memref_squeeze %dma_start3A_87 : memref<1x51x128xi32, #tpu.memory_space<hbm>> -> memref<51x128xi32, #tpu.memory_space<hbm>>
        tpu.enqueue_dma source(%dma_start3A_88 : memref<51x128xi32, #tpu.memory_space<hbm>>) target(%dma_start3A_84 : memref<51x128xi32, #tpu.memory_space<vmem>>) target_semaphore(%run_scoped3A_75 : memref<!tpu.dma_semaphore, #tpu.memory_space<semaphore_mem>>)
        %dma_wait3A = arith.constant 0 : i32
        %dma_wait3A_89 = arith.constant 0 : i32
        %dma_wait3A_90 = tpu.memref_slice %arg6[%dma_wait3A, %dma_wait3A_89] : memref<79x128xi32, #tpu.memory_space<vmem>> -> memref<51x128xi32, #tpu.memory_space<vmem>>
        %dma_wait3A_91 = arith.constant 2449 : i32
        %dma_wait3A_92 = arith.constant 0 : i32
        %dma_wait3A_93 = tpu.memref_slice %arg3[%run_scoped3A, %dma_wait3A_91, %dma_wait3A_92] : memref<2x2500x128xi32, #tpu.memory_space<hbm>> -> memref<1x51x128xi32, #tpu.memory_space<hbm>>
        %dma_wait3A_94 = tpu.memref_squeeze %dma_wait3A_93 : memref<1x51x128xi32, #tpu.memory_space<hbm>> -> memref<51x128xi32, #tpu.memory_space<hbm>>
        %dma_wait3A_95 = arith.constant 0 : i32
        %dma_wait3A_96 = arith.constant 0 : i32
        %dma_wait3A_97 = tpu.memref_slice %arg6[%dma_wait3A_95, %dma_wait3A_96] : memref<79x128xi32, #tpu.memory_space<vmem>> -> memref<51x128xi32, #tpu.memory_space<vmem>>
        %dma_wait3A_98 = arith.constant 2449 : i32
        %dma_wait3A_99 = arith.constant 0 : i32
        %dma_wait3A_100 = tpu.memref_slice %arg3[%run_scoped3A, %dma_wait3A_98, %dma_wait3A_99] : memref<2x2500x128xi32, #tpu.memory_space<hbm>> -> memref<1x51x128xi32, #tpu.memory_space<hbm>>
        %dma_wait3A_101 = tpu.memref_squeeze %dma_wait3A_100 : memref<1x51x128xi32, #tpu.memory_space<hbm>> -> memref<51x128xi32, #tpu.memory_space<hbm>>
        tpu.wait_dma2 semaphore(%run_scoped3A_75 : memref<!tpu.dma_semaphore, #tpu.memory_space<semaphore_mem>>) src(%dma_wait3A_101 : memref<51x128xi32, #tpu.memory_space<hbm>>) dst(%dma_wait3A_97 : memref<51x128xi32, #tpu.memory_space<vmem>>)
        tpu.yield
      }) : () -> ()
    } else {
    }
    %lt3A_13 = arith.constant 31 : i32
    %lt3A_14 = arith.cmpi slt, %add3A, %lt3A_13 : i32
    %convert_element_type3A_15 = arith.extui %lt3A_14 : i1 to i32
    %cond3A_16 = arith.constant 0 : i32
    %cond3A_17 = arith.cmpi ne, %convert_element_type3A_15, %cond3A_16 : i32
    scf.if %cond3A_17 {
      %mul3A_75 = arith.constant 79 : i32
      %mul3A_76 = arith.muli %add3A, %mul3A_75 : i32
      %run_scoped3A = arith.constant 1 : i32
      "tpu.region"() ({
        %run_scoped3A_77 = tpu.sem_alloc : memref<!tpu.dma_semaphore, #tpu.memory_space<semaphore_mem>>
        %dma_start3A = arith.constant 0 : i32
        %dma_start3A_78 = tpu.memref_slice %arg3[%run_scoped3A, %mul3A_76, %dma_start3A] : memref<2x2500x128xi32, #tpu.memory_space<hbm>> -> memref<1x79x128xi32, #tpu.memory_space<hbm>>
        %dma_start3A_79 = tpu.memref_squeeze %dma_start3A_78 : memref<1x79x128xi32, #tpu.memory_space<hbm>> -> memref<79x128xi32, #tpu.memory_space<hbm>>
        %dma_start3A_80 = arith.constant 0 : i32
        %dma_start3A_81 = tpu.memref_slice %arg3[%run_scoped3A, %mul3A_76, %dma_start3A_80] : memref<2x2500x128xi32, #tpu.memory_space<hbm>> -> memref<1x79x128xi32, #tpu.memory_space<hbm>>
        %dma_start3A_82 = tpu.memref_squeeze %dma_start3A_81 : memref<1x79x128xi32, #tpu.memory_space<hbm>> -> memref<79x128xi32, #tpu.memory_space<hbm>>
        tpu.enqueue_dma source(%dma_start3A_82 : memref<79x128xi32, #tpu.memory_space<hbm>>) target(%arg7 : memref<79x128xi32, #tpu.memory_space<vmem>>) target_semaphore(%run_scoped3A_77 : memref<!tpu.dma_semaphore, #tpu.memory_space<semaphore_mem>>)
        %dma_wait3A = arith.constant 0 : i32
        %dma_wait3A_83 = tpu.memref_slice %arg3[%run_scoped3A, %mul3A_76, %dma_wait3A] : memref<2x2500x128xi32, #tpu.memory_space<hbm>> -> memref<1x79x128xi32, #tpu.memory_space<hbm>>
        %dma_wait3A_84 = tpu.memref_squeeze %dma_wait3A_83 : memref<1x79x128xi32, #tpu.memory_space<hbm>> -> memref<79x128xi32, #tpu.memory_space<hbm>>
        %dma_wait3A_85 = arith.constant 0 : i32
        %dma_wait3A_86 = tpu.memref_slice %arg3[%run_scoped3A, %mul3A_76, %dma_wait3A_85] : memref<2x2500x128xi32, #tpu.memory_space<hbm>> -> memref<1x79x128xi32, #tpu.memory_space<hbm>>
        %dma_wait3A_87 = tpu.memref_squeeze %dma_wait3A_86 : memref<1x79x128xi32, #tpu.memory_space<hbm>> -> memref<79x128xi32, #tpu.memory_space<hbm>>
        tpu.wait_dma2 semaphore(%run_scoped3A_77 : memref<!tpu.dma_semaphore, #tpu.memory_space<semaphore_mem>>) src(%dma_wait3A_87 : memref<79x128xi32, #tpu.memory_space<hbm>>) dst(%arg7 : memref<79x128xi32, #tpu.memory_space<vmem>>)
        tpu.yield
      }) : () -> ()
    } else {
    }
    %eq3A_18 = arith.constant 31 : i32
    %eq3A_19 = arith.cmpi eq, %add3A, %eq3A_18 : i32
    %convert_element_type3A_20 = arith.extui %eq3A_19 : i1 to i32
    %cond3A_21 = arith.constant 0 : i32
    %cond3A_22 = arith.cmpi ne, %convert_element_type3A_20, %cond3A_21 : i32
    scf.if %cond3A_22 {
      %run_scoped3A = arith.constant 1 : i32
      "tpu.region"() ({
        %run_scoped3A_75 = tpu.sem_alloc : memref<!tpu.dma_semaphore, #tpu.memory_space<semaphore_mem>>
        %dma_start3A = arith.constant 0 : i32
        %dma_start3A_76 = arith.constant 0 : i32
        %dma_start3A_77 = tpu.memref_slice %arg7[%dma_start3A, %dma_start3A_76] : memref<79x128xi32, #tpu.memory_space<vmem>> -> memref<51x128xi32, #tpu.memory_space<vmem>>
        %dma_start3A_78 = arith.constant 2449 : i32
        %dma_start3A_79 = arith.constant 0 : i32
        %dma_start3A_80 = tpu.memref_slice %arg3[%run_scoped3A, %dma_start3A_78, %dma_start3A_79] : memref<2x2500x128xi32, #tpu.memory_space<hbm>> -> memref<1x51x128xi32, #tpu.memory_space<hbm>>
        %dma_start3A_81 = tpu.memref_squeeze %dma_start3A_80 : memref<1x51x128xi32, #tpu.memory_space<hbm>> -> memref<51x128xi32, #tpu.memory_space<hbm>>
        %dma_start3A_82 = arith.constant 0 : i32
        %dma_start3A_83 = arith.constant 0 : i32
        %dma_start3A_84 = tpu.memref_slice %arg7[%dma_start3A_82, %dma_start3A_83] : memref<79x128xi32, #tpu.memory_space<vmem>> -> memref<51x128xi32, #tpu.memory_space<vmem>>
        %dma_start3A_85 = arith.constant 2449 : i32
        %dma_start3A_86 = arith.constant 0 : i32
        %dma_start3A_87 = tpu.memref_slice %arg3[%run_scoped3A, %dma_start3A_85, %dma_start3A_86] : memref<2x2500x128xi32, #tpu.memory_space<hbm>> -> memref<1x51x128xi32, #tpu.memory_space<hbm>>
        %dma_start3A_88 = tpu.memref_squeeze %dma_start3A_87 : memref<1x51x128xi32, #tpu.memory_space<hbm>> -> memref<51x128xi32, #tpu.memory_space<hbm>>
        tpu.enqueue_dma source(%dma_start3A_88 : memref<51x128xi32, #tpu.memory_space<hbm>>) target(%dma_start3A_84 : memref<51x128xi32, #tpu.memory_space<vmem>>) target_semaphore(%run_scoped3A_75 : memref<!tpu.dma_semaphore, #tpu.memory_space<semaphore_mem>>)
        %dma_wait3A = arith.constant 0 : i32
        %dma_wait3A_89 = arith.constant 0 : i32
        %dma_wait3A_90 = tpu.memref_slice %arg7[%dma_wait3A, %dma_wait3A_89] : memref<79x128xi32, #tpu.memory_space<vmem>> -> memref<51x128xi32, #tpu.memory_space<vmem>>
        %dma_wait3A_91 = arith.constant 2449 : i32
        %dma_wait3A_92 = arith.constant 0 : i32
        %dma_wait3A_93 = tpu.memref_slice %arg3[%run_scoped3A, %dma_wait3A_91, %dma_wait3A_92] : memref<2x2500x128xi32, #tpu.memory_space<hbm>> -> memref<1x51x128xi32, #tpu.memory_space<hbm>>
        %dma_wait3A_94 = tpu.memref_squeeze %dma_wait3A_93 : memref<1x51x128xi32, #tpu.memory_space<hbm>> -> memref<51x128xi32, #tpu.memory_space<hbm>>
        %dma_wait3A_95 = arith.constant 0 : i32
        %dma_wait3A_96 = arith.constant 0 : i32
        %dma_wait3A_97 = tpu.memref_slice %arg7[%dma_wait3A_95, %dma_wait3A_96] : memref<79x128xi32, #tpu.memory_space<vmem>> -> memref<51x128xi32, #tpu.memory_space<vmem>>
        %dma_wait3A_98 = arith.constant 2449 : i32
        %dma_wait3A_99 = arith.constant 0 : i32
        %dma_wait3A_100 = tpu.memref_slice %arg3[%run_scoped3A, %dma_wait3A_98, %dma_wait3A_99] : memref<2x2500x128xi32, #tpu.memory_space<hbm>> -> memref<1x51x128xi32, #tpu.memory_space<hbm>>
        %dma_wait3A_101 = tpu.memref_squeeze %dma_wait3A_100 : memref<1x51x128xi32, #tpu.memory_space<hbm>> -> memref<51x128xi32, #tpu.memory_space<hbm>>
        tpu.wait_dma2 semaphore(%run_scoped3A_75 : memref<!tpu.dma_semaphore, #tpu.memory_space<semaphore_mem>>) src(%dma_wait3A_101 : memref<51x128xi32, #tpu.memory_space<hbm>>) dst(%dma_wait3A_97 : memref<51x128xi32, #tpu.memory_space<vmem>>)
        tpu.yield
      }) : () -> ()
    } else {
    }
    %barrier3A = arith.constant 0 : index
    tpu.barrier barrier_id(%barrier3A)
    %gt3A = arith.constant 0 : i32
    %gt3A_23 = arith.cmpi sgt, %min3A, %gt3A : i32
    %convert_element_type3A_24 = arith.extui %gt3A_23 : i1 to i32
    %cond3A_25 = arith.constant 0 : i32
    %cond3A_26 = arith.cmpi ne, %convert_element_type3A_24, %cond3A_25 : i32
    scf.if %cond3A_26 {
      %dma_start3A = arith.constant 0 : i32
      %dma_start3A_75 = arith.constant 0 : i32
      %dma_start3A_76 = arith.constant 0 : i32
      %dma_start3A_77 = arith.constant 0 : i32
      %dma_start3A_78 = arith.constant 0 : i32
      %dma_start3A_79 = tpu.memref_slice %arg8[%dma_start3A_75, %dma_start3A_77, %dma_start3A_78] : memref<12x128x32xbf16, #tpu.memory_space<vmem>> -> memref<1x128x32xbf16, #tpu.memory_space<vmem>>
      %dma_start3A_80 = tpu.memref_squeeze %dma_start3A_79 : memref<1x128x32xbf16, #tpu.memory_space<vmem>> -> memref<128x32xbf16, #tpu.memory_space<vmem>>
      %dma_start3A_81 = arith.constant 0 : i32
      %dma_start3A_82 = tpu.memref_slice %arg6[%dma_start3A, %dma_start3A_81] : memref<79x128xi32, #tpu.memory_space<vmem>> -> memref<1x128xi32, #tpu.memory_space<vmem>>
      %dma_start3A_83 = tpu.memref_squeeze %dma_start3A_82 : memref<1x128xi32, #tpu.memory_space<vmem>> -> memref<128xi32, #tpu.memory_space<vmem>>
      %dma_start3A_84 = arith.constant 0 : i32
      %dma_start3A_85 = arith.constant 0 : i32
      %dma_start3A_86 = tpu.memref_slice %arg2[%dma_start3A_84, %dma_start3A_85] : memref<10240x32xbf16, #tpu.memory_space<hbm>> -> memref<10240x32xbf16, #tpu.memory_space<hbm>>
      %dma_start3A_87 = tpu.memref_slice %arg10[%dma_start3A_76] : memref<12x!tpu.dma_semaphore, #tpu.memory_space<semaphore_mem>> -> memref<1x!tpu.dma_semaphore, #tpu.memory_space<semaphore_mem>>
      %dma_start3A_88 = tpu.memref_squeeze %dma_start3A_87 : memref<1x!tpu.dma_semaphore, #tpu.memory_space<semaphore_mem>> -> memref<!tpu.dma_semaphore, #tpu.memory_space<semaphore_mem>>
      tpu.enqueue_indirect_dma source(%dma_start3A_86 : memref<10240x32xbf16, #tpu.memory_space<hbm>>) target(%dma_start3A_80 : memref<128x32xbf16, #tpu.memory_space<vmem>>) offsets(%dma_start3A_83 : memref<128xi32, #tpu.memory_space<vmem>>) semaphore(%dma_start3A_88 : memref<!tpu.dma_semaphore, #tpu.memory_space<semaphore_mem>>)
    } else {
    }
    %gt3A_27 = arith.constant 1 : i32
    %gt3A_28 = arith.cmpi sgt, %min3A, %gt3A_27 : i32
    %convert_element_type3A_29 = arith.extui %gt3A_28 : i1 to i32
    %cond3A_30 = arith.constant 0 : i32
    %cond3A_31 = arith.cmpi ne, %convert_element_type3A_29, %cond3A_30 : i32
    scf.if %cond3A_31 {
      %dma_start3A = arith.constant 1 : i32
      %dma_start3A_75 = arith.constant 1 : i32
      %dma_start3A_76 = arith.constant 1 : i32
      %dma_start3A_77 = arith.constant 0 : i32
      %dma_start3A_78 = arith.constant 0 : i32
      %dma_start3A_79 = tpu.memref_slice %arg8[%dma_start3A_75, %dma_start3A_77, %dma_start3A_78] : memref<12x128x32xbf16, #tpu.memory_space<vmem>> -> memref<1x128x32xbf16, #tpu.memory_space<vmem>>
      %dma_start3A_80 = tpu.memref_squeeze %dma_start3A_79 : memref<1x128x32xbf16, #tpu.memory_space<vmem>> -> memref<128x32xbf16, #tpu.memory_space<vmem>>
      %dma_start3A_81 = arith.constant 0 : i32
      %dma_start3A_82 = tpu.memref_slice %arg6[%dma_start3A, %dma_start3A_81] : memref<79x128xi32, #tpu.memory_space<vmem>> -> memref<1x128xi32, #tpu.memory_space<vmem>>
      %dma_start3A_83 = tpu.memref_squeeze %dma_start3A_82 : memref<1x128xi32, #tpu.memory_space<vmem>> -> memref<128xi32, #tpu.memory_space<vmem>>
      %dma_start3A_84 = arith.constant 0 : i32
      %dma_start3A_85 = arith.constant 0 : i32
      %dma_start3A_86 = tpu.memref_slice %arg2[%dma_start3A_84, %dma_start3A_85] : memref<10240x32xbf16, #tpu.memory_space<hbm>> -> memref<10240x32xbf16, #tpu.memory_space<hbm>>
      %dma_start3A_87 = tpu.memref_slice %arg10[%dma_start3A_76] : memref<12x!tpu.dma_semaphore, #tpu.memory_space<semaphore_mem>> -> memref<1x!tpu.dma_semaphore, #tpu.memory_space<semaphore_mem>>
      %dma_start3A_88 = tpu.memref_squeeze %dma_start3A_87 : memref<1x!tpu.dma_semaphore, #tpu.memory_space<semaphore_mem>> -> memref<!tpu.dma_semaphore, #tpu.memory_space<semaphore_mem>>
      tpu.enqueue_indirect_dma source(%dma_start3A_86 : memref<10240x32xbf16, #tpu.memory_space<hbm>>) target(%dma_start3A_80 : memref<128x32xbf16, #tpu.memory_space<vmem>>) offsets(%dma_start3A_83 : memref<128xi32, #tpu.memory_space<vmem>>) semaphore(%dma_start3A_88 : memref<!tpu.dma_semaphore, #tpu.memory_space<semaphore_mem>>)
    } else {
    }
    %gt3A_32 = arith.constant 2 : i32
    %gt3A_33 = arith.cmpi sgt, %min3A, %gt3A_32 : i32
    %convert_element_type3A_34 = arith.extui %gt3A_33 : i1 to i32
    %cond3A_35 = arith.constant 0 : i32
    %cond3A_36 = arith.cmpi ne, %convert_element_type3A_34, %cond3A_35 : i32
    scf.if %cond3A_36 {
      %dma_start3A = arith.constant 2 : i32
      %dma_start3A_75 = arith.constant 2 : i32
      %dma_start3A_76 = arith.constant 2 : i32
      %dma_start3A_77 = arith.constant 0 : i32
      %dma_start3A_78 = arith.constant 0 : i32
      %dma_start3A_79 = tpu.memref_slice %arg8[%dma_start3A_75, %dma_start3A_77, %dma_start3A_78] : memref<12x128x32xbf16, #tpu.memory_space<vmem>> -> memref<1x128x32xbf16, #tpu.memory_space<vmem>>
      %dma_start3A_80 = tpu.memref_squeeze %dma_start3A_79 : memref<1x128x32xbf16, #tpu.memory_space<vmem>> -> memref<128x32xbf16, #tpu.memory_space<vmem>>
      %dma_start3A_81 = arith.constant 0 : i32
      %dma_start3A_82 = tpu.memref_slice %arg6[%dma_start3A, %dma_start3A_81] : memref<79x128xi32, #tpu.memory_space<vmem>> -> memref<1x128xi32, #tpu.memory_space<vmem>>
      %dma_start3A_83 = tpu.memref_squeeze %dma_start3A_82 : memref<1x128xi32, #tpu.memory_space<vmem>> -> memref<128xi32, #tpu.memory_space<vmem>>
      %dma_start3A_84 = arith.constant 0 : i32
      %dma_start3A_85 = arith.constant 0 : i32
      %dma_start3A_86 = tpu.memref_slice %arg2[%dma_start3A_84, %dma_start3A_85] : memref<10240x32xbf16, #tpu.memory_space<hbm>> -> memref<10240x32xbf16, #tpu.memory_space<hbm>>
      %dma_start3A_87 = tpu.memref_slice %arg10[%dma_start3A_76] : memref<12x!tpu.dma_semaphore, #tpu.memory_space<semaphore_mem>> -> memref<1x!tpu.dma_semaphore, #tpu.memory_space<semaphore_mem>>
      %dma_start3A_88 = tpu.memref_squeeze %dma_start3A_87 : memref<1x!tpu.dma_semaphore, #tpu.memory_space<semaphore_mem>> -> memref<!tpu.dma_semaphore, #tpu.memory_space<semaphore_mem>>
      tpu.enqueue_indirect_dma source(%dma_start3A_86 : memref<10240x32xbf16, #tpu.memory_space<hbm>>) target(%dma_start3A_80 : memref<128x32xbf16, #tpu.memory_space<vmem>>) offsets(%dma_start3A_83 : memref<128xi32, #tpu.memory_space<vmem>>) semaphore(%dma_start3A_88 : memref<!tpu.dma_semaphore, #tpu.memory_space<semaphore_mem>>)
    } else {
    }
    %gt3A_37 = arith.constant 3 : i32
    %gt3A_38 = arith.cmpi sgt, %min3A, %gt3A_37 : i32
    %convert_element_type3A_39 = arith.extui %gt3A_38 : i1 to i32
    %cond3A_40 = arith.constant 0 : i32
    %cond3A_41 = arith.cmpi ne, %convert_element_type3A_39, %cond3A_40 : i32
    scf.if %cond3A_41 {
      %dma_start3A = arith.constant 3 : i32
      %dma_start3A_75 = arith.constant 3 : i32
      %dma_start3A_76 = arith.constant 3 : i32
      %dma_start3A_77 = arith.constant 0 : i32
      %dma_start3A_78 = arith.constant 0 : i32
      %dma_start3A_79 = tpu.memref_slice %arg8[%dma_start3A_75, %dma_start3A_77, %dma_start3A_78] : memref<12x128x32xbf16, #tpu.memory_space<vmem>> -> memref<1x128x32xbf16, #tpu.memory_space<vmem>>
      %dma_start3A_80 = tpu.memref_squeeze %dma_start3A_79 : memref<1x128x32xbf16, #tpu.memory_space<vmem>> -> memref<128x32xbf16, #tpu.memory_space<vmem>>
      %dma_start3A_81 = arith.constant 0 : i32
      %dma_start3A_82 = tpu.memref_slice %arg6[%dma_start3A, %dma_start3A_81] : memref<79x128xi32, #tpu.memory_space<vmem>> -> memref<1x128xi32, #tpu.memory_space<vmem>>
      %dma_start3A_83 = tpu.memref_squeeze %dma_start3A_82 : memref<1x128xi32, #tpu.memory_space<vmem>> -> memref<128xi32, #tpu.memory_space<vmem>>
      %dma_start3A_84 = arith.constant 0 : i32
      %dma_start3A_85 = arith.constant 0 : i32
      %dma_start3A_86 = tpu.memref_slice %arg2[%dma_start3A_84, %dma_start3A_85] : memref<10240x32xbf16, #tpu.memory_space<hbm>> -> memref<10240x32xbf16, #tpu.memory_space<hbm>>
      %dma_start3A_87 = tpu.memref_slice %arg10[%dma_start3A_76] : memref<12x!tpu.dma_semaphore, #tpu.memory_space<semaphore_mem>> -> memref<1x!tpu.dma_semaphore, #tpu.memory_space<semaphore_mem>>
      %dma_start3A_88 = tpu.memref_squeeze %dma_start3A_87 : memref<1x!tpu.dma_semaphore, #tpu.memory_space<semaphore_mem>> -> memref<!tpu.dma_semaphore, #tpu.memory_space<semaphore_mem>>
      tpu.enqueue_indirect_dma source(%dma_start3A_86 : memref<10240x32xbf16, #tpu.memory_space<hbm>>) target(%dma_start3A_80 : memref<128x32xbf16, #tpu.memory_space<vmem>>) offsets(%dma_start3A_83 : memref<128xi32, #tpu.memory_space<vmem>>) semaphore(%dma_start3A_88 : memref<!tpu.dma_semaphore, #tpu.memory_space<semaphore_mem>>)
    } else {
    }
    %gt3A_42 = arith.constant 4 : i32
    %gt3A_43 = arith.cmpi sgt, %min3A, %gt3A_42 : i32
    %convert_element_type3A_44 = arith.extui %gt3A_43 : i1 to i32
    %cond3A_45 = arith.constant 0 : i32
    %cond3A_46 = arith.cmpi ne, %convert_element_type3A_44, %cond3A_45 : i32
    scf.if %cond3A_46 {
      %dma_start3A = arith.constant 4 : i32
      %dma_start3A_75 = arith.constant 4 : i32
      %dma_start3A_76 = arith.constant 4 : i32
      %dma_start3A_77 = arith.constant 0 : i32
      %dma_start3A_78 = arith.constant 0 : i32
      %dma_start3A_79 = tpu.memref_slice %arg8[%dma_start3A_75, %dma_start3A_77, %dma_start3A_78] : memref<12x128x32xbf16, #tpu.memory_space<vmem>> -> memref<1x128x32xbf16, #tpu.memory_space<vmem>>
      %dma_start3A_80 = tpu.memref_squeeze %dma_start3A_79 : memref<1x128x32xbf16, #tpu.memory_space<vmem>> -> memref<128x32xbf16, #tpu.memory_space<vmem>>
      %dma_start3A_81 = arith.constant 0 : i32
      %dma_start3A_82 = tpu.memref_slice %arg6[%dma_start3A, %dma_start3A_81] : memref<79x128xi32, #tpu.memory_space<vmem>> -> memref<1x128xi32, #tpu.memory_space<vmem>>
      %dma_start3A_83 = tpu.memref_squeeze %dma_start3A_82 : memref<1x128xi32, #tpu.memory_space<vmem>> -> memref<128xi32, #tpu.memory_space<vmem>>
      %dma_start3A_84 = arith.constant 0 : i32
      %dma_start3A_85 = arith.constant 0 : i32
      %dma_start3A_86 = tpu.memref_slice %arg2[%dma_start3A_84, %dma_start3A_85] : memref<10240x32xbf16, #tpu.memory_space<hbm>> -> memref<10240x32xbf16, #tpu.memory_space<hbm>>
      %dma_start3A_87 = tpu.memref_slice %arg10[%dma_start3A_76] : memref<12x!tpu.dma_semaphore, #tpu.memory_space<semaphore_mem>> -> memref<1x!tpu.dma_semaphore, #tpu.memory_space<semaphore_mem>>
      %dma_start3A_88 = tpu.memref_squeeze %dma_start3A_87 : memref<1x!tpu.dma_semaphore, #tpu.memory_space<semaphore_mem>> -> memref<!tpu.dma_semaphore, #tpu.memory_space<semaphore_mem>>
      tpu.enqueue_indirect_dma source(%dma_start3A_86 : memref<10240x32xbf16, #tpu.memory_space<hbm>>) target(%dma_start3A_80 : memref<128x32xbf16, #tpu.memory_space<vmem>>) offsets(%dma_start3A_83 : memref<128xi32, #tpu.memory_space<vmem>>) semaphore(%dma_start3A_88 : memref<!tpu.dma_semaphore, #tpu.memory_space<semaphore_mem>>)
    } else {
    }
    %gt3A_47 = arith.constant 5 : i32
    %gt3A_48 = arith.cmpi sgt, %min3A, %gt3A_47 : i32
    %convert_element_type3A_49 = arith.extui %gt3A_48 : i1 to i32
    %cond3A_50 = arith.constant 0 : i32
    %cond3A_51 = arith.cmpi ne, %convert_element_type3A_49, %cond3A_50 : i32
    scf.if %cond3A_51 {
      %dma_start3A = arith.constant 5 : i32
      %dma_start3A_75 = arith.constant 5 : i32
      %dma_start3A_76 = arith.constant 5 : i32
      %dma_start3A_77 = arith.constant 0 : i32
      %dma_start3A_78 = arith.constant 0 : i32
      %dma_start3A_79 = tpu.memref_slice %arg8[%dma_start3A_75, %dma_start3A_77, %dma_start3A_78] : memref<12x128x32xbf16, #tpu.memory_space<vmem>> -> memref<1x128x32xbf16, #tpu.memory_space<vmem>>
      %dma_start3A_80 = tpu.memref_squeeze %dma_start3A_79 : memref<1x128x32xbf16, #tpu.memory_space<vmem>> -> memref<128x32xbf16, #tpu.memory_space<vmem>>
      %dma_start3A_81 = arith.constant 0 : i32
      %dma_start3A_82 = tpu.memref_slice %arg6[%dma_start3A, %dma_start3A_81] : memref<79x128xi32, #tpu.memory_space<vmem>> -> memref<1x128xi32, #tpu.memory_space<vmem>>
      %dma_start3A_83 = tpu.memref_squeeze %dma_start3A_82 : memref<1x128xi32, #tpu.memory_space<vmem>> -> memref<128xi32, #tpu.memory_space<vmem>>
      %dma_start3A_84 = arith.constant 0 : i32
      %dma_start3A_85 = arith.constant 0 : i32
      %dma_start3A_86 = tpu.memref_slice %arg2[%dma_start3A_84, %dma_start3A_85] : memref<10240x32xbf16, #tpu.memory_space<hbm>> -> memref<10240x32xbf16, #tpu.memory_space<hbm>>
      %dma_start3A_87 = tpu.memref_slice %arg10[%dma_start3A_76] : memref<12x!tpu.dma_semaphore, #tpu.memory_space<semaphore_mem>> -> memref<1x!tpu.dma_semaphore, #tpu.memory_space<semaphore_mem>>
      %dma_start3A_88 = tpu.memref_squeeze %dma_start3A_87 : memref<1x!tpu.dma_semaphore, #tpu.memory_space<semaphore_mem>> -> memref<!tpu.dma_semaphore, #tpu.memory_space<semaphore_mem>>
      tpu.enqueue_indirect_dma source(%dma_start3A_86 : memref<10240x32xbf16, #tpu.memory_space<hbm>>) target(%dma_start3A_80 : memref<128x32xbf16, #tpu.memory_space<vmem>>) offsets(%dma_start3A_83 : memref<128xi32, #tpu.memory_space<vmem>>) semaphore(%dma_start3A_88 : memref<!tpu.dma_semaphore, #tpu.memory_space<semaphore_mem>>)
    } else {
    }
    %scan3A = arith.constant 0 : i32
    %scan3A_52 = arith.constant 0 : i32
    %scan3A_53 = arith.constant 79 : i32
    %scan3A_54 = arith.addi %scan3A_52, %scan3A_53 : i32
    %scan3A_55 = arith.constant 1 : i32
    scf.for %scan3A_75 = %scan3A_52 to %scan3A_54 step %scan3A_55  : i32 {
      %rem3A = arith.constant 12 : i32
      %rem3A_76 = arith.remsi %scan3A_75, %rem3A : i32
      %lt3A_77 = arith.cmpi slt, %scan3A_75, %min3A : i32
      %convert_element_type3A_78 = arith.extui %lt3A_77 : i1 to i32
      %cond3A_79 = arith.constant 0 : i32
      %cond3A_80 = arith.cmpi ne, %convert_element_type3A_78, %cond3A_79 : i32
      scf.if %cond3A_80 {
        %dma_wait3A = arith.constant 0 : i32
        %dma_wait3A_81 = arith.constant 0 : i32
        %dma_wait3A_82 = tpu.memref_slice %arg8[%rem3A_76, %dma_wait3A, %dma_wait3A_81] : memref<12x128x32xbf16, #tpu.memory_space<vmem>> -> memref<1x128x32xbf16, #tpu.memory_space<vmem>>
        %dma_wait3A_83 = tpu.memref_squeeze %dma_wait3A_82 : memref<1x128x32xbf16, #tpu.memory_space<vmem>> -> memref<128x32xbf16, #tpu.memory_space<vmem>>
        %dma_wait3A_84 = arith.constant 0 : i32
        %dma_wait3A_85 = tpu.memref_slice %arg6[%scan3A_75, %dma_wait3A_84] : memref<79x128xi32, #tpu.memory_space<vmem>> -> memref<1x128xi32, #tpu.memory_space<vmem>>
        %dma_wait3A_86 = tpu.memref_squeeze %dma_wait3A_85 : memref<1x128xi32, #tpu.memory_space<vmem>> -> memref<128xi32, #tpu.memory_space<vmem>>
        %dma_wait3A_87 = arith.constant 0 : i32
        %dma_wait3A_88 = arith.constant 0 : i32
        %dma_wait3A_89 = tpu.memref_slice %arg2[%dma_wait3A_87, %dma_wait3A_88] : memref<10240x32xbf16, #tpu.memory_space<hbm>> -> memref<10240x32xbf16, #tpu.memory_space<hbm>>
        %dma_wait3A_90 = tpu.memref_slice %arg10[%rem3A_76] : memref<12x!tpu.dma_semaphore, #tpu.memory_space<semaphore_mem>> -> memref<1x!tpu.dma_semaphore, #tpu.memory_space<semaphore_mem>>
        %dma_wait3A_91 = tpu.memref_squeeze %dma_wait3A_90 : memref<1x!tpu.dma_semaphore, #tpu.memory_space<semaphore_mem>> -> memref<!tpu.dma_semaphore, #tpu.memory_space<semaphore_mem>>
        tpu.wait_indirect_dma semaphore(%dma_wait3A_91 : memref<!tpu.dma_semaphore, #tpu.memory_space<semaphore_mem>>) src(%dma_wait3A_89 : memref<10240x32xbf16, #tpu.memory_space<hbm>>) dst(%dma_wait3A_83 : memref<128x32xbf16, #tpu.memory_space<vmem>>)
        %dma_start3A = arith.constant 0 : i32
        %dma_start3A_92 = arith.constant 0 : i32
        %dma_start3A_93 = tpu.memref_slice %arg8[%rem3A_76, %dma_start3A, %dma_start3A_92] : memref<12x128x32xbf16, #tpu.memory_space<vmem>> -> memref<1x128x32xbf16, #tpu.memory_space<vmem>>
        %dma_start3A_94 = tpu.memref_squeeze %dma_start3A_93 : memref<1x128x32xbf16, #tpu.memory_space<vmem>> -> memref<128x32xbf16, #tpu.memory_space<vmem>>
        %dma_start3A_95 = arith.constant 0 : i32
        %dma_start3A_96 = tpu.memref_slice %arg7[%scan3A_75, %dma_start3A_95] : memref<79x128xi32, #tpu.memory_space<vmem>> -> memref<1x128xi32, #tpu.memory_space<vmem>>
        %dma_start3A_97 = tpu.memref_squeeze %dma_start3A_96 : memref<1x128xi32, #tpu.memory_space<vmem>> -> memref<128xi32, #tpu.memory_space<vmem>>
        %dma_start3A_98 = arith.constant 0 : i32
        %dma_start3A_99 = arith.constant 0 : i32
        %dma_start3A_100 = tpu.memref_slice %arg9[%dma_start3A_98, %dma_start3A_99] : memref<10240x32xbf16, #tpu.memory_space<vmem_shared>> -> memref<10240x32xbf16, #tpu.memory_space<vmem_shared>>
        %dma_start3A_101 = tpu.memref_slice %arg11[%rem3A_76] : memref<12x!tpu.dma_semaphore, #tpu.memory_space<semaphore_mem>> -> memref<1x!tpu.dma_semaphore, #tpu.memory_space<semaphore_mem>>
        %dma_start3A_102 = tpu.memref_squeeze %dma_start3A_101 : memref<1x!tpu.dma_semaphore, #tpu.memory_space<semaphore_mem>> -> memref<!tpu.dma_semaphore, #tpu.memory_space<semaphore_mem>>
        tpu.enqueue_indirect_dma source(%dma_start3A_94 : memref<128x32xbf16, #tpu.memory_space<vmem>>) target(%dma_start3A_100 : memref<10240x32xbf16, #tpu.memory_space<vmem_shared>>) offsets(%dma_start3A_97 : memref<128xi32, #tpu.memory_space<vmem>>) semaphore(%dma_start3A_102 : memref<!tpu.dma_semaphore, #tpu.memory_space<semaphore_mem>>) {add = true}
        %add3A_103 = arith.constant 6 : i32
        %add3A_104 = arith.addi %scan3A_75, %add3A_103 : i32
        %rem3A_105 = arith.constant 12 : i32
        %rem3A_106 = arith.remsi %add3A_104, %rem3A_105 : i32
        %lt3A_107 = arith.cmpi slt, %add3A_104, %min3A : i32
        %convert_element_type3A_108 = arith.extui %lt3A_107 : i1 to i32
        %cond3A_109 = arith.constant 0 : i32
        %cond3A_110 = arith.cmpi ne, %convert_element_type3A_108, %cond3A_109 : i32
        scf.if %cond3A_110 {
          %ge3A = arith.constant 12 : i32
          %ge3A_111 = arith.cmpi sge, %add3A_104, %ge3A : i32
          %convert_element_type3A_112 = arith.extui %ge3A_111 : i1 to i32
          %cond3A_113 = arith.constant 0 : i32
          %cond3A_114 = arith.cmpi ne, %convert_element_type3A_112, %cond3A_113 : i32
          scf.if %cond3A_114 {
            %sub3A_127 = arith.constant 12 : i32
            %sub3A_128 = arith.subi %add3A_104, %sub3A_127 : i32
            %dma_wait3A_129 = arith.constant 0 : i32
            %dma_wait3A_130 = arith.constant 0 : i32
            %dma_wait3A_131 = tpu.memref_slice %arg8[%rem3A_106, %dma_wait3A_129, %dma_wait3A_130] : memref<12x128x32xbf16, #tpu.memory_space<vmem>> -> memref<1x128x32xbf16, #tpu.memory_space<vmem>>
            %dma_wait3A_132 = tpu.memref_squeeze %dma_wait3A_131 : memref<1x128x32xbf16, #tpu.memory_space<vmem>> -> memref<128x32xbf16, #tpu.memory_space<vmem>>
            %dma_wait3A_133 = arith.constant 0 : i32
            %dma_wait3A_134 = tpu.memref_slice %arg7[%sub3A_128, %dma_wait3A_133] : memref<79x128xi32, #tpu.memory_space<vmem>> -> memref<1x128xi32, #tpu.memory_space<vmem>>
            %dma_wait3A_135 = tpu.memref_squeeze %dma_wait3A_134 : memref<1x128xi32, #tpu.memory_space<vmem>> -> memref<128xi32, #tpu.memory_space<vmem>>
            %dma_wait3A_136 = arith.constant 0 : i32
            %dma_wait3A_137 = arith.constant 0 : i32
            %dma_wait3A_138 = tpu.memref_slice %arg9[%dma_wait3A_136, %dma_wait3A_137] : memref<10240x32xbf16, #tpu.memory_space<vmem_shared>> -> memref<10240x32xbf16, #tpu.memory_space<vmem_shared>>
            %dma_wait3A_139 = tpu.memref_slice %arg11[%rem3A_106] : memref<12x!tpu.dma_semaphore, #tpu.memory_space<semaphore_mem>> -> memref<1x!tpu.dma_semaphore, #tpu.memory_space<semaphore_mem>>
            %dma_wait3A_140 = tpu.memref_squeeze %dma_wait3A_139 : memref<1x!tpu.dma_semaphore, #tpu.memory_space<semaphore_mem>> -> memref<!tpu.dma_semaphore, #tpu.memory_space<semaphore_mem>>
            tpu.wait_indirect_dma semaphore(%dma_wait3A_140 : memref<!tpu.dma_semaphore, #tpu.memory_space<semaphore_mem>>) src(%dma_wait3A_132 : memref<128x32xbf16, #tpu.memory_space<vmem>>) dst(%dma_wait3A_138 : memref<10240x32xbf16, #tpu.memory_space<vmem_shared>>)
          } else {
          }
          %dma_start3A_115 = arith.constant 0 : i32
          %dma_start3A_116 = arith.constant 0 : i32
          %dma_start3A_117 = tpu.memref_slice %arg8[%rem3A_106, %dma_start3A_115, %dma_start3A_116] : memref<12x128x32xbf16, #tpu.memory_space<vmem>> -> memref<1x128x32xbf16, #tpu.memory_space<vmem>>
          %dma_start3A_118 = tpu.memref_squeeze %dma_start3A_117 : memref<1x128x32xbf16, #tpu.memory_space<vmem>> -> memref<128x32xbf16, #tpu.memory_space<vmem>>
          %dma_start3A_119 = arith.constant 0 : i32
          %dma_start3A_120 = tpu.memref_slice %arg6[%add3A_104, %dma_start3A_119] : memref<79x128xi32, #tpu.memory_space<vmem>> -> memref<1x128xi32, #tpu.memory_space<vmem>>
          %dma_start3A_121 = tpu.memref_squeeze %dma_start3A_120 : memref<1x128xi32, #tpu.memory_space<vmem>> -> memref<128xi32, #tpu.memory_space<vmem>>
          %dma_start3A_122 = arith.constant 0 : i32
          %dma_start3A_123 = arith.constant 0 : i32
          %dma_start3A_124 = tpu.memref_slice %arg2[%dma_start3A_122, %dma_start3A_123] : memref<10240x32xbf16, #tpu.memory_space<hbm>> -> memref<10240x32xbf16, #tpu.memory_space<hbm>>
          %dma_start3A_125 = tpu.memref_slice %arg10[%rem3A_106] : memref<12x!tpu.dma_semaphore, #tpu.memory_space<semaphore_mem>> -> memref<1x!tpu.dma_semaphore, #tpu.memory_space<semaphore_mem>>
          %dma_start3A_126 = tpu.memref_squeeze %dma_start3A_125 : memref<1x!tpu.dma_semaphore, #tpu.memory_space<semaphore_mem>> -> memref<!tpu.dma_semaphore, #tpu.memory_space<semaphore_mem>>
          tpu.enqueue_indirect_dma source(%dma_start3A_124 : memref<10240x32xbf16, #tpu.memory_space<hbm>>) target(%dma_start3A_118 : memref<128x32xbf16, #tpu.memory_space<vmem>>) offsets(%dma_start3A_121 : memref<128xi32, #tpu.memory_space<vmem>>) semaphore(%dma_start3A_126 : memref<!tpu.dma_semaphore, #tpu.memory_space<semaphore_mem>>)
        } else {
        }
      } else {
      }
    }
    %scan3A_56 = arith.constant 79 : i32
    %sub3A_57 = arith.constant 12 : i32
    %sub3A_58 = arith.subi %sub3A_57, %min3A : i32
    %max3A_59 = arith.constant 0 : i32
    %max3A_60 = arith.maxsi %sub3A_58, %max3A_59 : i32
    %while3A = arith.constant 0 : i32
    %while3A_61 = arith.constant 12 : i32
    %while3A_62 = arith.subi %while3A_61, %max3A_60 : i32
    %while3A_63 = arith.addi %max3A_60, %while3A_62 : i32
    %while3A_64 = arith.constant 1 : i32
    %while3A_65 = arith.divsi %while3A_62, %while3A_64 : i32
    %while3A_66 = arith.muli %while3A_65, %while3A_64 : i32
    %while3A_67 = arith.addi %max3A_60, %while3A_66 : i32
    %while3A_68 = arith.constant 1 : i32
    scf.for %while3A_75 = %max3A_60 to %while3A_67 step %while3A_68  : i32 {
      %sub3A_76 = arith.constant 12 : i32
      %sub3A_77 = arith.subi %min3A, %sub3A_76 : i32
      %add3A_78 = arith.addi %sub3A_77, %while3A_75 : i32
      %sub3A_79 = arith.constant 12 : i32
      %sub3A_80 = arith.subi %min3A, %sub3A_79 : i32
      %max3A_81 = arith.constant 0 : i32
      %max3A_82 = arith.maxsi %sub3A_80, %max3A_81 : i32
      %ge3A = arith.cmpi sge, %add3A_78, %max3A_82 : i32
      %convert_element_type3A_83 = arith.extui %ge3A : i1 to i32
      %cond3A_84 = arith.constant 0 : i32
      %cond3A_85 = arith.cmpi ne, %convert_element_type3A_83, %cond3A_84 : i32
      scf.if %cond3A_85 {
        %rem3A = arith.constant 12 : i32
        %rem3A_86 = arith.remsi %add3A_78, %rem3A : i32
        %dma_wait3A = arith.constant 0 : i32
        %dma_wait3A_87 = arith.constant 0 : i32
        %dma_wait3A_88 = tpu.memref_slice %arg8[%rem3A_86, %dma_wait3A, %dma_wait3A_87] : memref<12x128x32xbf16, #tpu.memory_space<vmem>> -> memref<1x128x32xbf16, #tpu.memory_space<vmem>>
        %dma_wait3A_89 = tpu.memref_squeeze %dma_wait3A_88 : memref<1x128x32xbf16, #tpu.memory_space<vmem>> -> memref<128x32xbf16, #tpu.memory_space<vmem>>
        %dma_wait3A_90 = arith.constant 0 : i32
        %dma_wait3A_91 = tpu.memref_slice %arg7[%add3A_78, %dma_wait3A_90] : memref<79x128xi32, #tpu.memory_space<vmem>> -> memref<1x128xi32, #tpu.memory_space<vmem>>
        %dma_wait3A_92 = tpu.memref_squeeze %dma_wait3A_91 : memref<1x128xi32, #tpu.memory_space<vmem>> -> memref<128xi32, #tpu.memory_space<vmem>>
        %dma_wait3A_93 = arith.constant 0 : i32
        %dma_wait3A_94 = arith.constant 0 : i32
        %dma_wait3A_95 = tpu.memref_slice %arg9[%dma_wait3A_93, %dma_wait3A_94] : memref<10240x32xbf16, #tpu.memory_space<vmem_shared>> -> memref<10240x32xbf16, #tpu.memory_space<vmem_shared>>
        %dma_wait3A_96 = tpu.memref_slice %arg11[%rem3A_86] : memref<12x!tpu.dma_semaphore, #tpu.memory_space<semaphore_mem>> -> memref<1x!tpu.dma_semaphore, #tpu.memory_space<semaphore_mem>>
        %dma_wait3A_97 = tpu.memref_squeeze %dma_wait3A_96 : memref<1x!tpu.dma_semaphore, #tpu.memory_space<semaphore_mem>> -> memref<!tpu.dma_semaphore, #tpu.memory_space<semaphore_mem>>
        tpu.wait_indirect_dma semaphore(%dma_wait3A_97 : memref<!tpu.dma_semaphore, #tpu.memory_space<semaphore_mem>>) src(%dma_wait3A_89 : memref<128x32xbf16, #tpu.memory_space<vmem>>) dst(%dma_wait3A_95 : memref<10240x32xbf16, #tpu.memory_space<vmem_shared>>)
      } else {
      }
    }
    %while3A_69 = arith.constant 1 : i32
    scf.for %while3A_75 = %while3A_67 to %while3A_63 step %while3A_69  : i32 {
      %sub3A_76 = arith.constant 12 : i32
      %sub3A_77 = arith.subi %min3A, %sub3A_76 : i32
      %add3A_78 = arith.addi %sub3A_77, %while3A_75 : i32
      %sub3A_79 = arith.constant 12 : i32
      %sub3A_80 = arith.subi %min3A, %sub3A_79 : i32
      %max3A_81 = arith.constant 0 : i32
      %max3A_82 = arith.maxsi %sub3A_80, %max3A_81 : i32
      %ge3A = arith.cmpi sge, %add3A_78, %max3A_82 : i32
      %convert_element_type3A_83 = arith.extui %ge3A : i1 to i32
      %cond3A_84 = arith.constant 0 : i32
      %cond3A_85 = arith.cmpi ne, %convert_element_type3A_83, %cond3A_84 : i32
      scf.if %cond3A_85 {
        %rem3A = arith.constant 12 : i32
        %rem3A_86 = arith.remsi %add3A_78, %rem3A : i32
        %dma_wait3A = arith.constant 0 : i32
        %dma_wait3A_87 = arith.constant 0 : i32
        %dma_wait3A_88 = tpu.memref_slice %arg8[%rem3A_86, %dma_wait3A, %dma_wait3A_87] : memref<12x128x32xbf16, #tpu.memory_space<vmem>> -> memref<1x128x32xbf16, #tpu.memory_space<vmem>>
        %dma_wait3A_89 = tpu.memref_squeeze %dma_wait3A_88 : memref<1x128x32xbf16, #tpu.memory_space<vmem>> -> memref<128x32xbf16, #tpu.memory_space<vmem>>
        %dma_wait3A_90 = arith.constant 0 : i32
        %dma_wait3A_91 = tpu.memref_slice %arg7[%add3A_78, %dma_wait3A_90] : memref<79x128xi32, #tpu.memory_space<vmem>> -> memref<1x128xi32, #tpu.memory_space<vmem>>
        %dma_wait3A_92 = tpu.memref_squeeze %dma_wait3A_91 : memref<1x128xi32, #tpu.memory_space<vmem>> -> memref<128xi32, #tpu.memory_space<vmem>>
        %dma_wait3A_93 = arith.constant 0 : i32
        %dma_wait3A_94 = arith.constant 0 : i32
        %dma_wait3A_95 = tpu.memref_slice %arg9[%dma_wait3A_93, %dma_wait3A_94] : memref<10240x32xbf16, #tpu.memory_space<vmem_shared>> -> memref<10240x32xbf16, #tpu.memory_space<vmem_shared>>
        %dma_wait3A_96 = tpu.memref_slice %arg11[%rem3A_86] : memref<12x!tpu.dma_semaphore, #tpu.memory_space<semaphore_mem>> -> memref<1x!tpu.dma_semaphore, #tpu.memory_space<semaphore_mem>>
        %dma_wait3A_97 = tpu.memref_squeeze %dma_wait3A_96 : memref<1x!tpu.dma_semaphore, #tpu.memory_space<semaphore_mem>> -> memref<!tpu.dma_semaphore, #tpu.memory_space<semaphore_mem>>
        tpu.wait_indirect_dma semaphore(%dma_wait3A_97 : memref<!tpu.dma_semaphore, #tpu.memory_space<semaphore_mem>>) src(%dma_wait3A_89 : memref<128x32xbf16, #tpu.memory_space<vmem>>) dst(%dma_wait3A_95 : memref<10240x32xbf16, #tpu.memory_space<vmem_shared>>)
      } else {
      }
    }
    %barrier3A_70 = arith.constant 0 : index
    tpu.barrier barrier_id(%barrier3A_70)
    %mul3A_71 = arith.constant 640 : i32
    %mul3A_72 = arith.muli %arg1, %mul3A_71 : i32
    %mul3A_73 = arith.constant 640 : i32
    %mul3A_74 = arith.muli %arg1, %mul3A_73 : i32
    "tpu.region"() ({
      %run_scoped3A = tpu.sem_alloc : memref<!tpu.dma_semaphore, #tpu.memory_space<semaphore_mem>>
      %dma_start3A = arith.constant 0 : i32
      %dma_start3A_75 = tpu.memref_slice %arg5[%arg0, %mul3A_74, %dma_start3A] : memref<2x10240x32xbf16, #tpu.memory_space<hbm>> -> memref<1x640x32xbf16, #tpu.memory_space<hbm>>
      %dma_start3A_76 = tpu.memref_squeeze %dma_start3A_75 : memref<1x640x32xbf16, #tpu.memory_space<hbm>> -> memref<640x32xbf16, #tpu.memory_space<hbm>>
      %dma_start3A_77 = arith.constant 0 : i32
      %dma_start3A_78 = tpu.memref_slice %arg9[%mul3A_72, %dma_start3A_77] : memref<10240x32xbf16, #tpu.memory_space<vmem_shared>> -> memref<640x32xbf16, #tpu.memory_space<vmem_shared>>
      tpu.enqueue_dma source(%dma_start3A_78 : memref<640x32xbf16, #tpu.memory_space<vmem_shared>>) target(%dma_start3A_76 : memref<640x32xbf16, #tpu.memory_space<hbm>>) target_semaphore(%run_scoped3A : memref<!tpu.dma_semaphore, #tpu.memory_space<semaphore_mem>>)
      %dma_wait3A = arith.constant 0 : i32
      %dma_wait3A_79 = tpu.memref_slice %arg5[%arg0, %mul3A_74, %dma_wait3A] : memref<2x10240x32xbf16, #tpu.memory_space<hbm>> -> memref<1x640x32xbf16, #tpu.memory_space<hbm>>
      %dma_wait3A_80 = tpu.memref_squeeze %dma_wait3A_79 : memref<1x640x32xbf16, #tpu.memory_space<hbm>> -> memref<640x32xbf16, #tpu.memory_space<hbm>>
      %dma_wait3A_81 = arith.constant 0 : i32
      %dma_wait3A_82 = tpu.memref_slice %arg9[%mul3A_72, %dma_wait3A_81] : memref<10240x32xbf16, #tpu.memory_space<vmem_shared>> -> memref<640x32xbf16, #tpu.memory_space<vmem_shared>>
      tpu.wait_dma2 semaphore(%run_scoped3A : memref<!tpu.dma_semaphore, #tpu.memory_space<semaphore_mem>>) src(%dma_wait3A_82 : memref<640x32xbf16, #tpu.memory_space<vmem_shared>>) dst(%dma_wait3A_80 : memref<640x32xbf16, #tpu.memory_space<hbm>>)
      tpu.yield
    }) : () -> ()
    return
  }
}

#map = affine_map<(d0, d1) -> (0, 0, 0)>
#map1 = affine_map<(d0, d1) -> (0, 0)>
module attributes {stable_mosaic.version = 14 : i64} {
  func.func @deg_kernel(%arg0: i32, %arg1: i32, %arg2: memref<2x2500x128xi32, #tpu.memory_space<hbm>>, %arg3: memref<640x16xf32, #tpu.memory_space<hbm>>, %arg4: memref<128x16xf32, #tpu.memory_space<hbm>>, %arg5: memref<2x10240x16xf32, #tpu.memory_space<hbm>>, %arg6: memref<79x128xi32, #tpu.memory_space<vmem>>, %arg7: memref<128x16xf32, #tpu.memory_space<vmem>>, %arg8: memref<10240x16xf32, #tpu.memory_space<vmem_shared>>) attributes {dimension_semantics = [#tpu.dimension_semantics<core_parallel>, #tpu.dimension_semantics<subcore_parallel>], iteration_bounds = array<i64: 2, 16>, scalar_prefetch = 0 : i64, scratch_operands = 3 : i64, tpu.core_type = #tpu.core_type<sc_vector_subcore>, window_params = [{transform_indices = #map}, {transform_indices = #map1}, {transform_indices = #map1}, {transform_indices = #map}]} {
    %mul3A = arith.constant 16 : i32
    %mul3A_0 = arith.muli %arg0, %mul3A : i32
    %add3A = arith.addi %mul3A_0, %arg1 : i32
    %mul3A_1 = arith.constant 79 : i32
    %mul3A_2 = arith.muli %add3A, %mul3A_1 : i32
    %sub3A = arith.constant 2500 : i32
    %sub3A_3 = arith.subi %sub3A, %mul3A_2 : i32
    %jit3A = arith.constant 0 : i32
    %jit3A_4 = arith.constant 79 : i32
    %max3A = arith.maxsi %jit3A, %sub3A_3 : i32
    %min3A = arith.minsi %jit3A_4, %max3A : i32
    "tpu.region"() ({
      %run_scoped3A = tpu.sem_alloc : memref<!tpu.dma_semaphore, #tpu.memory_space<semaphore_mem>>
      tpu.enqueue_dma source(%arg4 : memref<128x16xf32, #tpu.memory_space<hbm>>) target(%arg7 : memref<128x16xf32, #tpu.memory_space<vmem>>) target_semaphore(%run_scoped3A : memref<!tpu.dma_semaphore, #tpu.memory_space<semaphore_mem>>)
      tpu.wait_dma2 semaphore(%run_scoped3A : memref<!tpu.dma_semaphore, #tpu.memory_space<semaphore_mem>>) src(%arg4 : memref<128x16xf32, #tpu.memory_space<hbm>>) dst(%arg7 : memref<128x16xf32, #tpu.memory_space<vmem>>)
      tpu.yield
    }) : () -> ()
    %mul3A_5 = arith.constant 640 : i32
    %mul3A_6 = arith.muli %arg1, %mul3A_5 : i32
    "tpu.region"() ({
      %run_scoped3A = tpu.sem_alloc : memref<!tpu.dma_semaphore, #tpu.memory_space<semaphore_mem>>
      %dma_start3A = arith.constant 0 : i32
      %dma_start3A_23 = tpu.memref_slice %arg8[%mul3A_6, %dma_start3A] : memref<10240x16xf32, #tpu.memory_space<vmem_shared>> -> memref<640x16xf32, #tpu.memory_space<vmem_shared>>
      tpu.enqueue_dma source(%arg3 : memref<640x16xf32, #tpu.memory_space<hbm>>) target(%dma_start3A_23 : memref<640x16xf32, #tpu.memory_space<vmem_shared>>) target_semaphore(%run_scoped3A : memref<!tpu.dma_semaphore, #tpu.memory_space<semaphore_mem>>)
      %dma_wait3A = arith.constant 0 : i32
      %dma_wait3A_24 = tpu.memref_slice %arg8[%mul3A_6, %dma_wait3A] : memref<10240x16xf32, #tpu.memory_space<vmem_shared>> -> memref<640x16xf32, #tpu.memory_space<vmem_shared>>
      tpu.wait_dma2 semaphore(%run_scoped3A : memref<!tpu.dma_semaphore, #tpu.memory_space<semaphore_mem>>) src(%arg3 : memref<640x16xf32, #tpu.memory_space<hbm>>) dst(%dma_wait3A_24 : memref<640x16xf32, #tpu.memory_space<vmem_shared>>)
      tpu.yield
    }) : () -> ()
    %lt3A = arith.constant 31 : i32
    %lt3A_7 = arith.cmpi slt, %add3A, %lt3A : i32
    %convert_element_type3A = arith.extui %lt3A_7 : i1 to i32
    %cond3A = arith.constant 0 : i32
    %cond3A_8 = arith.cmpi ne, %convert_element_type3A, %cond3A : i32
    scf.if %cond3A_8 {
      %mul3A_23 = arith.constant 79 : i32
      %mul3A_24 = arith.muli %add3A, %mul3A_23 : i32
      %run_scoped3A = arith.constant 1 : i32
      "tpu.region"() ({
        %run_scoped3A_25 = tpu.sem_alloc : memref<!tpu.dma_semaphore, #tpu.memory_space<semaphore_mem>>
        %dma_start3A = arith.constant 0 : i32
        %dma_start3A_26 = tpu.memref_slice %arg2[%run_scoped3A, %mul3A_24, %dma_start3A] : memref<2x2500x128xi32, #tpu.memory_space<hbm>> -> memref<1x79x128xi32, #tpu.memory_space<hbm>>
        %dma_start3A_27 = tpu.memref_squeeze %dma_start3A_26 : memref<1x79x128xi32, #tpu.memory_space<hbm>> -> memref<79x128xi32, #tpu.memory_space<hbm>>
        %dma_start3A_28 = arith.constant 0 : i32
        %dma_start3A_29 = tpu.memref_slice %arg2[%run_scoped3A, %mul3A_24, %dma_start3A_28] : memref<2x2500x128xi32, #tpu.memory_space<hbm>> -> memref<1x79x128xi32, #tpu.memory_space<hbm>>
        %dma_start3A_30 = tpu.memref_squeeze %dma_start3A_29 : memref<1x79x128xi32, #tpu.memory_space<hbm>> -> memref<79x128xi32, #tpu.memory_space<hbm>>
        tpu.enqueue_dma source(%dma_start3A_30 : memref<79x128xi32, #tpu.memory_space<hbm>>) target(%arg6 : memref<79x128xi32, #tpu.memory_space<vmem>>) target_semaphore(%run_scoped3A_25 : memref<!tpu.dma_semaphore, #tpu.memory_space<semaphore_mem>>)
        %dma_wait3A = arith.constant 0 : i32
        %dma_wait3A_31 = tpu.memref_slice %arg2[%run_scoped3A, %mul3A_24, %dma_wait3A] : memref<2x2500x128xi32, #tpu.memory_space<hbm>> -> memref<1x79x128xi32, #tpu.memory_space<hbm>>
        %dma_wait3A_32 = tpu.memref_squeeze %dma_wait3A_31 : memref<1x79x128xi32, #tpu.memory_space<hbm>> -> memref<79x128xi32, #tpu.memory_space<hbm>>
        %dma_wait3A_33 = arith.constant 0 : i32
        %dma_wait3A_34 = tpu.memref_slice %arg2[%run_scoped3A, %mul3A_24, %dma_wait3A_33] : memref<2x2500x128xi32, #tpu.memory_space<hbm>> -> memref<1x79x128xi32, #tpu.memory_space<hbm>>
        %dma_wait3A_35 = tpu.memref_squeeze %dma_wait3A_34 : memref<1x79x128xi32, #tpu.memory_space<hbm>> -> memref<79x128xi32, #tpu.memory_space<hbm>>
        tpu.wait_dma2 semaphore(%run_scoped3A_25 : memref<!tpu.dma_semaphore, #tpu.memory_space<semaphore_mem>>) src(%dma_wait3A_35 : memref<79x128xi32, #tpu.memory_space<hbm>>) dst(%arg6 : memref<79x128xi32, #tpu.memory_space<vmem>>)
        tpu.yield
      }) : () -> ()
    } else {
    }
    %eq3A = arith.constant 31 : i32
    %eq3A_9 = arith.cmpi eq, %add3A, %eq3A : i32
    %convert_element_type3A_10 = arith.extui %eq3A_9 : i1 to i32
    %cond3A_11 = arith.constant 0 : i32
    %cond3A_12 = arith.cmpi ne, %convert_element_type3A_10, %cond3A_11 : i32
    scf.if %cond3A_12 {
      %run_scoped3A = arith.constant 1 : i32
      "tpu.region"() ({
        %run_scoped3A_23 = tpu.sem_alloc : memref<!tpu.dma_semaphore, #tpu.memory_space<semaphore_mem>>
        %dma_start3A = arith.constant 0 : i32
        %dma_start3A_24 = arith.constant 0 : i32
        %dma_start3A_25 = tpu.memref_slice %arg6[%dma_start3A, %dma_start3A_24] : memref<79x128xi32, #tpu.memory_space<vmem>> -> memref<51x128xi32, #tpu.memory_space<vmem>>
        %dma_start3A_26 = arith.constant 2449 : i32
        %dma_start3A_27 = arith.constant 0 : i32
        %dma_start3A_28 = tpu.memref_slice %arg2[%run_scoped3A, %dma_start3A_26, %dma_start3A_27] : memref<2x2500x128xi32, #tpu.memory_space<hbm>> -> memref<1x51x128xi32, #tpu.memory_space<hbm>>
        %dma_start3A_29 = tpu.memref_squeeze %dma_start3A_28 : memref<1x51x128xi32, #tpu.memory_space<hbm>> -> memref<51x128xi32, #tpu.memory_space<hbm>>
        %dma_start3A_30 = arith.constant 0 : i32
        %dma_start3A_31 = arith.constant 0 : i32
        %dma_start3A_32 = tpu.memref_slice %arg6[%dma_start3A_30, %dma_start3A_31] : memref<79x128xi32, #tpu.memory_space<vmem>> -> memref<51x128xi32, #tpu.memory_space<vmem>>
        %dma_start3A_33 = arith.constant 2449 : i32
        %dma_start3A_34 = arith.constant 0 : i32
        %dma_start3A_35 = tpu.memref_slice %arg2[%run_scoped3A, %dma_start3A_33, %dma_start3A_34] : memref<2x2500x128xi32, #tpu.memory_space<hbm>> -> memref<1x51x128xi32, #tpu.memory_space<hbm>>
        %dma_start3A_36 = tpu.memref_squeeze %dma_start3A_35 : memref<1x51x128xi32, #tpu.memory_space<hbm>> -> memref<51x128xi32, #tpu.memory_space<hbm>>
        tpu.enqueue_dma source(%dma_start3A_36 : memref<51x128xi32, #tpu.memory_space<hbm>>) target(%dma_start3A_32 : memref<51x128xi32, #tpu.memory_space<vmem>>) target_semaphore(%run_scoped3A_23 : memref<!tpu.dma_semaphore, #tpu.memory_space<semaphore_mem>>)
        %dma_wait3A = arith.constant 0 : i32
        %dma_wait3A_37 = arith.constant 0 : i32
        %dma_wait3A_38 = tpu.memref_slice %arg6[%dma_wait3A, %dma_wait3A_37] : memref<79x128xi32, #tpu.memory_space<vmem>> -> memref<51x128xi32, #tpu.memory_space<vmem>>
        %dma_wait3A_39 = arith.constant 2449 : i32
        %dma_wait3A_40 = arith.constant 0 : i32
        %dma_wait3A_41 = tpu.memref_slice %arg2[%run_scoped3A, %dma_wait3A_39, %dma_wait3A_40] : memref<2x2500x128xi32, #tpu.memory_space<hbm>> -> memref<1x51x128xi32, #tpu.memory_space<hbm>>
        %dma_wait3A_42 = tpu.memref_squeeze %dma_wait3A_41 : memref<1x51x128xi32, #tpu.memory_space<hbm>> -> memref<51x128xi32, #tpu.memory_space<hbm>>
        %dma_wait3A_43 = arith.constant 0 : i32
        %dma_wait3A_44 = arith.constant 0 : i32
        %dma_wait3A_45 = tpu.memref_slice %arg6[%dma_wait3A_43, %dma_wait3A_44] : memref<79x128xi32, #tpu.memory_space<vmem>> -> memref<51x128xi32, #tpu.memory_space<vmem>>
        %dma_wait3A_46 = arith.constant 2449 : i32
        %dma_wait3A_47 = arith.constant 0 : i32
        %dma_wait3A_48 = tpu.memref_slice %arg2[%run_scoped3A, %dma_wait3A_46, %dma_wait3A_47] : memref<2x2500x128xi32, #tpu.memory_space<hbm>> -> memref<1x51x128xi32, #tpu.memory_space<hbm>>
        %dma_wait3A_49 = tpu.memref_squeeze %dma_wait3A_48 : memref<1x51x128xi32, #tpu.memory_space<hbm>> -> memref<51x128xi32, #tpu.memory_space<hbm>>
        tpu.wait_dma2 semaphore(%run_scoped3A_23 : memref<!tpu.dma_semaphore, #tpu.memory_space<semaphore_mem>>) src(%dma_wait3A_49 : memref<51x128xi32, #tpu.memory_space<hbm>>) dst(%dma_wait3A_45 : memref<51x128xi32, #tpu.memory_space<vmem>>)
        tpu.yield
      }) : () -> ()
    } else {
    }
    %barrier3A = arith.constant 0 : index
    tpu.barrier barrier_id(%barrier3A)
    %scan3A = arith.constant 0 : i32
    %scan3A_13 = arith.constant 0 : i32
    %scan3A_14 = arith.constant 79 : i32
    %scan3A_15 = arith.addi %scan3A_13, %scan3A_14 : i32
    %scan3A_16 = arith.constant 1 : i32
    scf.for %scan3A_23 = %scan3A_13 to %scan3A_15 step %scan3A_16  : i32 {
      %lt3A_24 = arith.cmpi slt, %scan3A_23, %min3A : i32
      %convert_element_type3A_25 = arith.extui %lt3A_24 : i1 to i32
      %cond3A_26 = arith.constant 0 : i32
      %cond3A_27 = arith.cmpi ne, %convert_element_type3A_25, %cond3A_26 : i32
      scf.if %cond3A_27 {
        "tpu.region"() ({
          %run_scoped3A = tpu.sem_alloc : memref<!tpu.dma_semaphore, #tpu.memory_space<semaphore_mem>>
          %dma_start3A = arith.constant 0 : i32
          %dma_start3A_28 = tpu.memref_slice %arg6[%scan3A_23, %dma_start3A] : memref<79x128xi32, #tpu.memory_space<vmem>> -> memref<1x128xi32, #tpu.memory_space<vmem>>
          %dma_start3A_29 = tpu.memref_squeeze %dma_start3A_28 : memref<1x128xi32, #tpu.memory_space<vmem>> -> memref<128xi32, #tpu.memory_space<vmem>>
          %dma_start3A_30 = arith.constant 0 : i32
          %dma_start3A_31 = arith.constant 0 : i32
          %dma_start3A_32 = tpu.memref_slice %arg8[%dma_start3A_30, %dma_start3A_31] : memref<10240x16xf32, #tpu.memory_space<vmem_shared>> -> memref<10240x16xf32, #tpu.memory_space<vmem_shared>>
          tpu.enqueue_indirect_dma source(%arg7 : memref<128x16xf32, #tpu.memory_space<vmem>>) target(%dma_start3A_32 : memref<10240x16xf32, #tpu.memory_space<vmem_shared>>) offsets(%dma_start3A_29 : memref<128xi32, #tpu.memory_space<vmem>>) semaphore(%run_scoped3A : memref<!tpu.dma_semaphore, #tpu.memory_space<semaphore_mem>>) {add = true}
          %dma_wait3A = arith.constant 0 : i32
          %dma_wait3A_33 = tpu.memref_slice %arg6[%scan3A_23, %dma_wait3A] : memref<79x128xi32, #tpu.memory_space<vmem>> -> memref<1x128xi32, #tpu.memory_space<vmem>>
          %dma_wait3A_34 = tpu.memref_squeeze %dma_wait3A_33 : memref<1x128xi32, #tpu.memory_space<vmem>> -> memref<128xi32, #tpu.memory_space<vmem>>
          %dma_wait3A_35 = arith.constant 0 : i32
          %dma_wait3A_36 = arith.constant 0 : i32
          %dma_wait3A_37 = tpu.memref_slice %arg8[%dma_wait3A_35, %dma_wait3A_36] : memref<10240x16xf32, #tpu.memory_space<vmem_shared>> -> memref<10240x16xf32, #tpu.memory_space<vmem_shared>>
          tpu.wait_indirect_dma semaphore(%run_scoped3A : memref<!tpu.dma_semaphore, #tpu.memory_space<semaphore_mem>>) src(%arg7 : memref<128x16xf32, #tpu.memory_space<vmem>>) dst(%dma_wait3A_37 : memref<10240x16xf32, #tpu.memory_space<vmem_shared>>)
          tpu.yield
        }) : () -> ()
      } else {
      }
    }
    %scan3A_17 = arith.constant 79 : i32
    %barrier3A_18 = arith.constant 0 : index
    tpu.barrier barrier_id(%barrier3A_18)
    %mul3A_19 = arith.constant 640 : i32
    %mul3A_20 = arith.muli %arg1, %mul3A_19 : i32
    %mul3A_21 = arith.constant 640 : i32
    %mul3A_22 = arith.muli %arg1, %mul3A_21 : i32
    "tpu.region"() ({
      %run_scoped3A = tpu.sem_alloc : memref<!tpu.dma_semaphore, #tpu.memory_space<semaphore_mem>>
      %dma_start3A = arith.constant 0 : i32
      %dma_start3A_23 = tpu.memref_slice %arg5[%arg0, %mul3A_22, %dma_start3A] : memref<2x10240x16xf32, #tpu.memory_space<hbm>> -> memref<1x640x16xf32, #tpu.memory_space<hbm>>
      %dma_start3A_24 = tpu.memref_squeeze %dma_start3A_23 : memref<1x640x16xf32, #tpu.memory_space<hbm>> -> memref<640x16xf32, #tpu.memory_space<hbm>>
      %dma_start3A_25 = arith.constant 0 : i32
      %dma_start3A_26 = tpu.memref_slice %arg8[%mul3A_20, %dma_start3A_25] : memref<10240x16xf32, #tpu.memory_space<vmem_shared>> -> memref<640x16xf32, #tpu.memory_space<vmem_shared>>
      tpu.enqueue_dma source(%dma_start3A_26 : memref<640x16xf32, #tpu.memory_space<vmem_shared>>) target(%dma_start3A_24 : memref<640x16xf32, #tpu.memory_space<hbm>>) target_semaphore(%run_scoped3A : memref<!tpu.dma_semaphore, #tpu.memory_space<semaphore_mem>>)
      %dma_wait3A = arith.constant 0 : i32
      %dma_wait3A_27 = tpu.memref_slice %arg5[%arg0, %mul3A_22, %dma_wait3A] : memref<2x10240x16xf32, #tpu.memory_space<hbm>> -> memref<1x640x16xf32, #tpu.memory_space<hbm>>
      %dma_wait3A_28 = tpu.memref_squeeze %dma_wait3A_27 : memref<1x640x16xf32, #tpu.memory_space<hbm>> -> memref<640x16xf32, #tpu.memory_space<hbm>>
      %dma_wait3A_29 = arith.constant 0 : i32
      %dma_wait3A_30 = tpu.memref_slice %arg8[%mul3A_20, %dma_wait3A_29] : memref<10240x16xf32, #tpu.memory_space<vmem_shared>> -> memref<640x16xf32, #tpu.memory_space<vmem_shared>>
      tpu.wait_dma2 semaphore(%run_scoped3A : memref<!tpu.dma_semaphore, #tpu.memory_space<semaphore_mem>>) src(%dma_wait3A_30 : memref<640x16xf32, #tpu.memory_space<vmem_shared>>) dst(%dma_wait3A_28 : memref<640x16xf32, #tpu.memory_space<hbm>>)
      tpu.yield
    }) : () -> ()
    return
  }
}

module attributes {stable_mosaic.version = 14 : i64} {
  func.func @body(%arg0: i32, %arg1: memref<512x512xf32, #tpu.memory_space<vmem>>, %arg2: memref<512x128xf32, #tpu.memory_space<vmem>>, %arg3: memref<512x128xf32, #tpu.memory_space<vmem>>) attributes {dimension_semantics = [#tpu.dimension_semantics<arbitrary>], iteration_bounds = array<i64: 5>, scalar_prefetch = 0 : i64, scratch_operands = 0 : i64, tpu.core_type = #tpu.core_type<tc>, window_params = [{transform_indices = @transform_0, window_bounds = array<i64: 512, 512>}, {pipeline_mode = #tpu.pipeline_mode<synchronous>, transform_indices = @transform_1, window_bounds = array<i64: 512, 128>}, {transform_indices = @transform_2, window_bounds = array<i64: 512, 128>}]} {
    %get3A = arith.constant 0 : index
    %get3A_0 = arith.constant 0 : index
    %get3A_1 = vector.load %arg1[%get3A, %get3A_0] : memref<512x512xf32, #tpu.memory_space<vmem>>, vector<512x512xf32>
    %get3A_2 = arith.constant 0 : index
    %get3A_3 = arith.constant 0 : index
    %get3A_4 = vector.load %arg2[%get3A_2, %get3A_3] : memref<512x128xf32, #tpu.memory_space<vmem>>, vector<512x128xf32>
    %dot_general3A = arith.constant dense<0.000000e+00> : vector<512x128xf32>
    %dot_general3A_5 = tpu.matmul %get3A_1, %get3A_4, %dot_general3A {dimension_numbers = #tpu.dot_dimension_numbers<[1], [0], [0], [1], [0, 0, 1, 1], [], []>, transpose_lhs_hint = false} : vector<512x512xf32>, vector<512x128xf32>, vector<512x128xf32> -> vector<512x128xf32>
    %swap3A = arith.constant 0 : index
    %swap3A_6 = arith.constant 0 : index
    %swap3A_7 = vector.load %arg3[%swap3A, %swap3A_6] : memref<512x128xf32, #tpu.memory_space<vmem>>, vector<512x128xf32>
    tpu.vector_store %arg3[%swap3A, %swap3A_6], %dot_general3A_5 {strides = array<i32>} : memref<512x128xf32, #tpu.memory_space<vmem>>, vector<512x128xf32>,
    return
  }
  func.func @transform_0(%arg0: i32) -> (i32, i32) {
    %c0_i32 = arith.constant 0 : i32
    %c0_i32_0 = arith.constant 0 : i32
    return %arg0, %c0_i32 : i32, i32
  }
  func.func @transform_1(%arg0: i32) -> (i32, i32) {
    %c0_i32 = arith.constant 0 : i32
    %c0_i32_0 = arith.constant 0 : i32
    %c0_i32_1 = arith.constant 0 : i32
    return %c0_i32, %c0_i32_0 : i32, i32
  }
  func.func @transform_2(%arg0: i32) -> (i32, i32) {
    %c0_i32 = arith.constant 0 : i32
    %c0_i32_0 = arith.constant 0 : i32
    return %arg0, %c0_i32 : i32, i32
  }
}

module attributes {stable_mosaic.version = 14 : i64} {
  func.func @body(%arg0: i32, %arg1: memref<512x128xf32, #tpu.memory_space<vmem>>, %arg2: memref<2x256x128xf32, #tpu.memory_space<vmem>>, %arg3: memref<512x128xbf16, #tpu.memory_space<vmem>>) attributes {dimension_semantics = [#tpu.dimension_semantics<arbitrary>], iteration_bounds = array<i64: 5>, scalar_prefetch = 0 : i64, scratch_operands = 0 : i64, tpu.core_type = #tpu.core_type<tc>, window_params = [{transform_indices = @transform_0, window_bounds = array<i64: 512, 128>}, {transform_indices = @transform_1, window_bounds = array<i64: 2, 256, 128>}, {transform_indices = @transform_2, window_bounds = array<i64: 512, 128>}]} {
    %get3A = arith.constant 0 : index
    %get3A_0 = arith.constant 0 : index
    %get3A_1 = arith.constant 0 : index
    %get3A_2 = vector.load %arg2[%get3A, %get3A_0, %get3A_1] : memref<2x256x128xf32, #tpu.memory_space<vmem>>, vector<1x256x128xf32>
    %get3A_3 = vector.shape_cast %get3A_2 : vector<1x256x128xf32> to vector<256x128xf32>
    %get3A_4 = arith.constant 1 : index
    %get3A_5 = arith.constant 0 : index
    %get3A_6 = arith.constant 0 : index
    %get3A_7 = vector.load %arg2[%get3A_4, %get3A_5, %get3A_6] : memref<2x256x128xf32, #tpu.memory_space<vmem>>, vector<1x256x128xf32>
    %get3A_8 = vector.shape_cast %get3A_7 : vector<1x256x128xf32> to vector<256x128xf32>
    %add3A = arith.addf %get3A_3, %get3A_8 : vector<256x128xf32>
    %iota3A = tpu.iota {dimensions = array<i32: 0>} : vector<512x256xi32>
    %iota3A_9 = tpu.iota {dimensions = array<i32: 1>} : vector<512x256xi32>
    %jit3A = arith.constant 2 : i32
    %eq3A = arith.constant 0 : i32
    %eq3A_10 = arith.cmpi eq, %jit3A, %eq3A : i32
    %jit3A_11 = arith.constant 1 : i32
    %select_n3A = arith.select %eq3A_10, %jit3A_11, %jit3A : i32
    %rem3A = vector.broadcast %select_n3A : i32 to vector<512x256xi32>
    %rem3A_12 = arith.remsi %iota3A, %rem3A : vector<512x256xi32>
    %ne3A = arith.constant 0 : i32
    %ne3A_13 = vector.broadcast %ne3A : i32 to vector<512x256xi32>
    %ne3A_14 = arith.cmpi ne, %rem3A_12, %ne3A_13 : vector<512x256xi32>
    %lt3A = arith.constant 0 : i32
    %lt3A_15 = vector.broadcast %lt3A : i32 to vector<512x256xi32>
    %lt3A_16 = arith.cmpi slt, %rem3A_12, %lt3A_15 : vector<512x256xi32>
    %lt3A_17 = arith.constant 0 : i32
    %lt3A_18 = arith.cmpi slt, %select_n3A, %lt3A_17 : i32
    %ne3A_19 = vector.broadcast %lt3A_18 : i1 to vector<512x256xi1>
    %ne3A_20 = vector.broadcast %ne3A_19 : vector<512x256xi1> to vector<512x256xi1>
    %ne3A_21 = arith.xori %lt3A_16, %ne3A_20 : vector<512x256xi1>
    %and3A = arith.andi %ne3A_21, %ne3A_14 : vector<512x256xi1>
    %add3A_22 = vector.broadcast %select_n3A : i32 to vector<512x256xi32>
    %add3A_23 = arith.addi %rem3A_12, %add3A_22 : vector<512x256xi32>
    %select_n3A_24 = arith.select %and3A, %add3A_23, %rem3A_12 : vector<512x256xi1>, vector<512x256xi32>
    %eq3A_25 = arith.constant 0 : i32
    %eq3A_26 = vector.broadcast %eq3A_25 : i32 to vector<512x256xi32>
    %eq3A_27 = arith.cmpi eq, %select_n3A_24, %eq3A_26 : vector<512x256xi32>
    %jit3A_28 = arith.constant 2 : i32
    %div3A = vector.broadcast %jit3A_28 : i32 to vector<512x256xi32>
    %div3A_29 = arith.divsi %iota3A, %div3A : vector<512x256xi32>
    %sign3A = arith.constant 0 : i32
    %sign3A_30 = vector.broadcast %sign3A : i32 to vector<512x256xi32>
    %sign3A_31 = arith.cmpi sgt, %iota3A, %sign3A_30 : vector<512x256xi32>
    %sign3A_32 = arith.extui %sign3A_31 : vector<512x256xi1> to vector<512x256xi32>
    %sign3A_33 = arith.constant 0 : i32
    %sign3A_34 = vector.broadcast %sign3A_33 : i32 to vector<512x256xi32>
    %sign3A_35 = arith.cmpi slt, %iota3A, %sign3A_34 : vector<512x256xi32>
    %sign3A_36 = arith.extui %sign3A_35 : vector<512x256xi1> to vector<512x256xi32>
    %sign3A_37 = arith.subi %sign3A_32, %sign3A_36 : vector<512x256xi32>
    %sign3A_38 = arith.constant 0 : i32
    %sign3A_39 = arith.cmpi sgt, %jit3A_28, %sign3A_38 : i32
    %sign3A_40 = arith.extui %sign3A_39 : i1 to i32
    %sign3A_41 = arith.constant 0 : i32
    %sign3A_42 = arith.cmpi slt, %jit3A_28, %sign3A_41 : i32
    %sign3A_43 = arith.extui %sign3A_42 : i1 to i32
    %sign3A_44 = arith.subi %sign3A_40, %sign3A_43 : i32
    %ne3A_45 = vector.broadcast %sign3A_44 : i32 to vector<512x256xi32>
    %ne3A_46 = arith.cmpi ne, %sign3A_37, %ne3A_45 : vector<512x256xi32>
    %rem3A_47 = vector.broadcast %jit3A_28 : i32 to vector<512x256xi32>
    %rem3A_48 = arith.remsi %iota3A, %rem3A_47 : vector<512x256xi32>
    %ne3A_49 = arith.constant 0 : i32
    %ne3A_50 = vector.broadcast %ne3A_49 : i32 to vector<512x256xi32>
    %ne3A_51 = arith.cmpi ne, %rem3A_48, %ne3A_50 : vector<512x256xi32>
    %and3A_52 = arith.andi %ne3A_46, %ne3A_51 : vector<512x256xi1>
    %sub3A = arith.constant 1 : i32
    %sub3A_53 = vector.broadcast %sub3A : i32 to vector<512x256xi32>
    %sub3A_54 = arith.subi %div3A_29, %sub3A_53 : vector<512x256xi32>
    %select_n3A_55 = arith.select %and3A_52, %sub3A_54, %div3A_29 : vector<512x256xi1>, vector<512x256xi32>
    %eq3A_56 = arith.cmpi eq, %iota3A_9, %select_n3A_55 : vector<512x256xi32>
    %and3A_57 = arith.andi %eq3A_27, %eq3A_56 : vector<512x256xi1>
    %jit3A_58 = arith.constant 1.000000e+00 : f32
    %jit3A_59 = arith.constant 0.000000e+00 : f32
    %broadcast_in_dim3A = vector.broadcast %jit3A_58 : f32 to vector<512x256xf32>
    %broadcast_in_dim3A_60 = vector.broadcast %jit3A_59 : f32 to vector<512x256xf32>
    %select_n3A_61 = arith.select %and3A_57, %broadcast_in_dim3A, %broadcast_in_dim3A_60 : vector<512x256xi1>, vector<512x256xf32>
    %jit3A_62 = arith.constant 2 : i32
    %eq3A_63 = arith.constant 0 : i32
    %eq3A_64 = arith.cmpi eq, %jit3A_62, %eq3A_63 : i32
    %jit3A_65 = arith.constant 1 : i32
    %select_n3A_66 = arith.select %eq3A_64, %jit3A_65, %jit3A_62 : i32
    %rem3A_67 = vector.broadcast %select_n3A_66 : i32 to vector<512x256xi32>
    %rem3A_68 = arith.remsi %iota3A, %rem3A_67 : vector<512x256xi32>
    %ne3A_69 = arith.constant 0 : i32
    %ne3A_70 = vector.broadcast %ne3A_69 : i32 to vector<512x256xi32>
    %ne3A_71 = arith.cmpi ne, %rem3A_68, %ne3A_70 : vector<512x256xi32>
    %lt3A_72 = arith.constant 0 : i32
    %lt3A_73 = vector.broadcast %lt3A_72 : i32 to vector<512x256xi32>
    %lt3A_74 = arith.cmpi slt, %rem3A_68, %lt3A_73 : vector<512x256xi32>
    %lt3A_75 = arith.constant 0 : i32
    %lt3A_76 = arith.cmpi slt, %select_n3A_66, %lt3A_75 : i32
    %ne3A_77 = vector.broadcast %lt3A_76 : i1 to vector<512x256xi1>
    %ne3A_78 = vector.broadcast %ne3A_77 : vector<512x256xi1> to vector<512x256xi1>
    %ne3A_79 = arith.xori %lt3A_74, %ne3A_78 : vector<512x256xi1>
    %and3A_80 = arith.andi %ne3A_79, %ne3A_71 : vector<512x256xi1>
    %add3A_81 = vector.broadcast %select_n3A_66 : i32 to vector<512x256xi32>
    %add3A_82 = arith.addi %rem3A_68, %add3A_81 : vector<512x256xi32>
    %select_n3A_83 = arith.select %and3A_80, %add3A_82, %rem3A_68 : vector<512x256xi1>, vector<512x256xi32>
    %eq3A_84 = arith.constant 1 : i32
    %eq3A_85 = vector.broadcast %eq3A_84 : i32 to vector<512x256xi32>
    %eq3A_86 = arith.cmpi eq, %select_n3A_83, %eq3A_85 : vector<512x256xi32>
    %jit3A_87 = arith.constant 2 : i32
    %div3A_88 = vector.broadcast %jit3A_87 : i32 to vector<512x256xi32>
    %div3A_89 = arith.divsi %iota3A, %div3A_88 : vector<512x256xi32>
    %sign3A_90 = arith.constant 0 : i32
    %sign3A_91 = vector.broadcast %sign3A_90 : i32 to vector<512x256xi32>
    %sign3A_92 = arith.cmpi sgt, %iota3A, %sign3A_91 : vector<512x256xi32>
    %sign3A_93 = arith.extui %sign3A_92 : vector<512x256xi1> to vector<512x256xi32>
    %sign3A_94 = arith.constant 0 : i32
    %sign3A_95 = vector.broadcast %sign3A_94 : i32 to vector<512x256xi32>
    %sign3A_96 = arith.cmpi slt, %iota3A, %sign3A_95 : vector<512x256xi32>
    %sign3A_97 = arith.extui %sign3A_96 : vector<512x256xi1> to vector<512x256xi32>
    %sign3A_98 = arith.subi %sign3A_93, %sign3A_97 : vector<512x256xi32>
    %sign3A_99 = arith.constant 0 : i32
    %sign3A_100 = arith.cmpi sgt, %jit3A_87, %sign3A_99 : i32
    %sign3A_101 = arith.extui %sign3A_100 : i1 to i32
    %sign3A_102 = arith.constant 0 : i32
    %sign3A_103 = arith.cmpi slt, %jit3A_87, %sign3A_102 : i32
    %sign3A_104 = arith.extui %sign3A_103 : i1 to i32
    %sign3A_105 = arith.subi %sign3A_101, %sign3A_104 : i32
    %ne3A_106 = vector.broadcast %sign3A_105 : i32 to vector<512x256xi32>
    %ne3A_107 = arith.cmpi ne, %sign3A_98, %ne3A_106 : vector<512x256xi32>
    %rem3A_108 = vector.broadcast %jit3A_87 : i32 to vector<512x256xi32>
    %rem3A_109 = arith.remsi %iota3A, %rem3A_108 : vector<512x256xi32>
    %ne3A_110 = arith.constant 0 : i32
    %ne3A_111 = vector.broadcast %ne3A_110 : i32 to vector<512x256xi32>
    %ne3A_112 = arith.cmpi ne, %rem3A_109, %ne3A_111 : vector<512x256xi32>
    %and3A_113 = arith.andi %ne3A_107, %ne3A_112 : vector<512x256xi1>
    %sub3A_114 = arith.constant 1 : i32
    %sub3A_115 = vector.broadcast %sub3A_114 : i32 to vector<512x256xi32>
    %sub3A_116 = arith.subi %div3A_89, %sub3A_115 : vector<512x256xi32>
    %select_n3A_117 = arith.select %and3A_113, %sub3A_116, %div3A_89 : vector<512x256xi1>, vector<512x256xi32>
    %eq3A_118 = arith.cmpi eq, %iota3A_9, %select_n3A_117 : vector<512x256xi32>
    %and3A_119 = arith.andi %eq3A_86, %eq3A_118 : vector<512x256xi1>
    %jit3A_120 = arith.constant 1.000000e+00 : f32
    %jit3A_121 = arith.constant 0.000000e+00 : f32
    %broadcast_in_dim3A_122 = vector.broadcast %jit3A_120 : f32 to vector<512x256xf32>
    %broadcast_in_dim3A_123 = vector.broadcast %jit3A_121 : f32 to vector<512x256xf32>
    %select_n3A_124 = arith.select %and3A_119, %broadcast_in_dim3A_122, %broadcast_in_dim3A_123 : vector<512x256xi1>, vector<512x256xf32>
    %dot_general3A = arith.constant dense<0.000000e+00> : vector<512x128xf32>
    %dot_general3A_125 = tpu.matmul %select_n3A_61, %add3A, %dot_general3A {dimension_numbers = #tpu.dot_dimension_numbers<[1], [0], [0], [1], [0, 0, 1, 1], [], []>, transpose_lhs_hint = false} : vector<512x256xf32>, vector<256x128xf32>, vector<512x128xf32> -> vector<512x128xf32>
    %dot_general3A_126 = arith.constant dense<0.000000e+00> : vector<512x128xf32>
    %dot_general3A_127 = tpu.matmul %select_n3A_124, %add3A, %dot_general3A_126 {dimension_numbers = #tpu.dot_dimension_numbers<[1], [0], [0], [1], [0, 0, 1, 1], [], []>, transpose_lhs_hint = false} : vector<512x256xf32>, vector<256x128xf32>, vector<512x128xf32> -> vector<512x128xf32>
    %iota3A_128 = tpu.iota {dimensions = array<i32: 0>} : vector<128x128xi32>
    %iota3A_129 = tpu.iota {dimensions = array<i32: 1>} : vector<128x128xi32>
    %jit3A_130 = arith.constant 32 : i32
    %div3A_131 = vector.broadcast %jit3A_130 : i32 to vector<128x128xi32>
    %div3A_132 = arith.divsi %iota3A_129, %div3A_131 : vector<128x128xi32>
    %sign3A_133 = arith.constant 0 : i32
    %sign3A_134 = vector.broadcast %sign3A_133 : i32 to vector<128x128xi32>
    %sign3A_135 = arith.cmpi sgt, %iota3A_129, %sign3A_134 : vector<128x128xi32>
    %sign3A_136 = arith.extui %sign3A_135 : vector<128x128xi1> to vector<128x128xi32>
    %sign3A_137 = arith.constant 0 : i32
    %sign3A_138 = vector.broadcast %sign3A_137 : i32 to vector<128x128xi32>
    %sign3A_139 = arith.cmpi slt, %iota3A_129, %sign3A_138 : vector<128x128xi32>
    %sign3A_140 = arith.extui %sign3A_139 : vector<128x128xi1> to vector<128x128xi32>
    %sign3A_141 = arith.subi %sign3A_136, %sign3A_140 : vector<128x128xi32>
    %sign3A_142 = arith.constant 0 : i32
    %sign3A_143 = arith.cmpi sgt, %jit3A_130, %sign3A_142 : i32
    %sign3A_144 = arith.extui %sign3A_143 : i1 to i32
    %sign3A_145 = arith.constant 0 : i32
    %sign3A_146 = arith.cmpi slt, %jit3A_130, %sign3A_145 : i32
    %sign3A_147 = arith.extui %sign3A_146 : i1 to i32
    %sign3A_148 = arith.subi %sign3A_144, %sign3A_147 : i32
    %ne3A_149 = vector.broadcast %sign3A_148 : i32 to vector<128x128xi32>
    %ne3A_150 = arith.cmpi ne, %sign3A_141, %ne3A_149 : vector<128x128xi32>
    %rem3A_151 = vector.broadcast %jit3A_130 : i32 to vector<128x128xi32>
    %rem3A_152 = arith.remsi %iota3A_129, %rem3A_151 : vector<128x128xi32>
    %ne3A_153 = arith.constant 0 : i32
    %ne3A_154 = vector.broadcast %ne3A_153 : i32 to vector<128x128xi32>
    %ne3A_155 = arith.cmpi ne, %rem3A_152, %ne3A_154 : vector<128x128xi32>
    %and3A_156 = arith.andi %ne3A_150, %ne3A_155 : vector<128x128xi1>
    %sub3A_157 = arith.constant 1 : i32
    %sub3A_158 = vector.broadcast %sub3A_157 : i32 to vector<128x128xi32>
    %sub3A_159 = arith.subi %div3A_132, %sub3A_158 : vector<128x128xi32>
    %select_n3A_160 = arith.select %and3A_156, %sub3A_159, %div3A_132 : vector<128x128xi1>, vector<128x128xi32>
    %mul3A = arith.constant 16 : i32
    %mul3A_161 = vector.broadcast %mul3A : i32 to vector<128x128xi32>
    %mul3A_162 = arith.muli %mul3A_161, %select_n3A_160 : vector<128x128xi32>
    %eq3A_163 = arith.cmpi eq, %iota3A_128, %mul3A_162 : vector<128x128xi32>
    %jit3A_164 = arith.constant 1.000000e+00 : f32
    %jit3A_165 = arith.constant 0.000000e+00 : f32
    %broadcast_in_dim3A_166 = vector.broadcast %jit3A_164 : f32 to vector<128x128xf32>
    %broadcast_in_dim3A_167 = vector.broadcast %jit3A_165 : f32 to vector<128x128xf32>
    %select_n3A_168 = arith.select %eq3A_163, %broadcast_in_dim3A_166, %broadcast_in_dim3A_167 : vector<128x128xi1>, vector<128x128xf32>
    %jit3A_169 = arith.constant 32 : i32
    %div3A_170 = vector.broadcast %jit3A_169 : i32 to vector<128x128xi32>
    %div3A_171 = arith.divsi %iota3A_129, %div3A_170 : vector<128x128xi32>
    %sign3A_172 = arith.constant 0 : i32
    %sign3A_173 = vector.broadcast %sign3A_172 : i32 to vector<128x128xi32>
    %sign3A_174 = arith.cmpi sgt, %iota3A_129, %sign3A_173 : vector<128x128xi32>
    %sign3A_175 = arith.extui %sign3A_174 : vector<128x128xi1> to vector<128x128xi32>
    %sign3A_176 = arith.constant 0 : i32
    %sign3A_177 = vector.broadcast %sign3A_176 : i32 to vector<128x128xi32>
    %sign3A_178 = arith.cmpi slt, %iota3A_129, %sign3A_177 : vector<128x128xi32>
    %sign3A_179 = arith.extui %sign3A_178 : vector<128x128xi1> to vector<128x128xi32>
    %sign3A_180 = arith.subi %sign3A_175, %sign3A_179 : vector<128x128xi32>
    %sign3A_181 = arith.constant 0 : i32
    %sign3A_182 = arith.cmpi sgt, %jit3A_169, %sign3A_181 : i32
    %sign3A_183 = arith.extui %sign3A_182 : i1 to i32
    %sign3A_184 = arith.constant 0 : i32
    %sign3A_185 = arith.cmpi slt, %jit3A_169, %sign3A_184 : i32
    %sign3A_186 = arith.extui %sign3A_185 : i1 to i32
    %sign3A_187 = arith.subi %sign3A_183, %sign3A_186 : i32
    %ne3A_188 = vector.broadcast %sign3A_187 : i32 to vector<128x128xi32>
    %ne3A_189 = arith.cmpi ne, %sign3A_180, %ne3A_188 : vector<128x128xi32>
    %rem3A_190 = vector.broadcast %jit3A_169 : i32 to vector<128x128xi32>
    %rem3A_191 = arith.remsi %iota3A_129, %rem3A_190 : vector<128x128xi32>
    %ne3A_192 = arith.constant 0 : i32
    %ne3A_193 = vector.broadcast %ne3A_192 : i32 to vector<128x128xi32>
    %ne3A_194 = arith.cmpi ne, %rem3A_191, %ne3A_193 : vector<128x128xi32>
    %and3A_195 = arith.andi %ne3A_189, %ne3A_194 : vector<128x128xi1>
    %sub3A_196 = arith.constant 1 : i32
    %sub3A_197 = vector.broadcast %sub3A_196 : i32 to vector<128x128xi32>
    %sub3A_198 = arith.subi %div3A_171, %sub3A_197 : vector<128x128xi32>
    %select_n3A_199 = arith.select %and3A_195, %sub3A_198, %div3A_171 : vector<128x128xi1>, vector<128x128xi32>
    %mul3A_200 = arith.constant 16 : i32
    %mul3A_201 = vector.broadcast %mul3A_200 : i32 to vector<128x128xi32>
    %mul3A_202 = arith.muli %mul3A_201, %select_n3A_199 : vector<128x128xi32>
    %add3A_203 = arith.constant 64 : i32
    %add3A_204 = vector.broadcast %add3A_203 : i32 to vector<128x128xi32>
    %add3A_205 = arith.addi %add3A_204, %mul3A_202 : vector<128x128xi32>
    %eq3A_206 = arith.cmpi eq, %iota3A_128, %add3A_205 : vector<128x128xi32>
    %jit3A_207 = arith.constant 1.000000e+00 : f32
    %jit3A_208 = arith.constant 0.000000e+00 : f32
    %broadcast_in_dim3A_209 = vector.broadcast %jit3A_207 : f32 to vector<128x128xf32>
    %broadcast_in_dim3A_210 = vector.broadcast %jit3A_208 : f32 to vector<128x128xf32>
    %select_n3A_211 = arith.select %eq3A_206, %broadcast_in_dim3A_209, %broadcast_in_dim3A_210 : vector<128x128xi1>, vector<128x128xf32>
    %dot_general3A_212 = arith.constant dense<0.000000e+00> : vector<512x128xf32>
    %dot_general3A_213 = tpu.matmul %dot_general3A_125, %select_n3A_168, %dot_general3A_212 {dimension_numbers = #tpu.dot_dimension_numbers<[1], [0], [0], [1], [0, 0, 1, 1], [], []>, transpose_lhs_hint = false} : vector<512x128xf32>, vector<128x128xf32>, vector<512x128xf32> -> vector<512x128xf32>
    %dot_general3A_214 = arith.constant dense<0.000000e+00> : vector<512x128xf32>
    %dot_general3A_215 = tpu.matmul %dot_general3A_127, %select_n3A_211, %dot_general3A_214 {dimension_numbers = #tpu.dot_dimension_numbers<[1], [0], [0], [1], [0, 0, 1, 1], [], []>, transpose_lhs_hint = false} : vector<512x128xf32>, vector<128x128xf32>, vector<512x128xf32> -> vector<512x128xf32>
    %add3A_216 = arith.addf %dot_general3A_213, %dot_general3A_215 : vector<512x128xf32>
    %add3A_217 = arith.constant 1.000000e+00 : f32
    %add3A_218 = vector.broadcast %add3A_217 : f32 to vector<512x128xf32>
    %add3A_219 = arith.addf %add3A_216, %add3A_218 : vector<512x128xf32>
    %rsqrt3A = math.rsqrt %add3A_219 : vector<512x128xf32>
    %get3A_220 = arith.constant 0 : index
    %get3A_221 = arith.constant 0 : index
    %get3A_222 = vector.load %arg1[%get3A_220, %get3A_221] : memref<512x128xf32, #tpu.memory_space<vmem>>, vector<512x128xf32>
    %mul3A_223 = arith.mulf %get3A_222, %rsqrt3A : vector<512x128xf32>
    %convert_element_type3A = arith.truncf %mul3A_223 : vector<512x128xf32> to vector<512x128xbf16>
    %swap3A = arith.constant 0 : index
    %swap3A_224 = arith.constant 0 : index
    %swap3A_225 = vector.load %arg3[%swap3A, %swap3A_224] : memref<512x128xbf16, #tpu.memory_space<vmem>>, vector<512x128xbf16>
    tpu.vector_store %arg3[%swap3A, %swap3A_224], %convert_element_type3A {strides = array<i32>} : memref<512x128xbf16, #tpu.memory_space<vmem>>, vector<512x128xbf16>,
    return
  }
  func.func @transform_0(%arg0: i32) -> (i32, i32) {
    %c0_i32 = arith.constant 0 : i32
    %c0_i32_0 = arith.constant 0 : i32
    return %arg0, %c0_i32 : i32, i32
  }
  func.func @transform_1(%arg0: i32) -> (i32, i32, i32) {
    %c0_i32 = arith.constant 0 : i32
    %c0_i32_0 = arith.constant 0 : i32
    %c0_i32_1 = arith.constant 0 : i32
    return %c0_i32, %arg0, %c0_i32_0 : i32, i32, i32
  }
  func.func @transform_2(%arg0: i32) -> (i32, i32) {
    %c0_i32 = arith.constant 0 : i32
    %c0_i32_0 = arith.constant 0 : i32
    return %arg0, %c0_i32 : i32, i32
  }
}

module attributes {stable_mosaic.version = 14 : i64} {
  func.func @body(%arg0: i32, %arg1: memref<2x512x128xbf16, #tpu.memory_space<vmem>>, %arg2: memref<512x128xbf16, #tpu.memory_space<vmem>>, %arg3: memref<2x256x128xf32, #tpu.memory_space<vmem>>, %arg4: memref<1x128xf32, #tpu.memory_space<vmem>>, %arg5: memref<128x128xf32, #tpu.memory_space<vmem>>, %arg6: memref<512x128xbf16, #tpu.memory_space<vmem>>) attributes {dimension_semantics = [#tpu.dimension_semantics<arbitrary>], iteration_bounds = array<i64: 5>, scalar_prefetch = 0 : i64, scratch_operands = 0 : i64, tpu.core_type = #tpu.core_type<tc>, window_params = [{transform_indices = @transform_0, window_bounds = array<i64: 2, 512, 128>}, {transform_indices = @transform_1, window_bounds = array<i64: 512, 128>}, {transform_indices = @transform_2, window_bounds = array<i64: 2, 256, 128>}, {pipeline_mode = #tpu.pipeline_mode<synchronous>, transform_indices = @transform_3, window_bounds = array<i64: 1, 128>}, {pipeline_mode = #tpu.pipeline_mode<synchronous>, transform_indices = @transform_4, window_bounds = array<i64: 128, 128>}, {transform_indices = @transform_5, window_bounds = array<i64: 512, 128>}]} {
    %get3A = arith.constant 0 : index
    %get3A_0 = arith.constant 0 : index
    %get3A_1 = arith.constant 0 : index
    %get3A_2 = vector.load %arg3[%get3A, %get3A_0, %get3A_1] : memref<2x256x128xf32, #tpu.memory_space<vmem>>, vector<1x256x128xf32>
    %get3A_3 = vector.shape_cast %get3A_2 : vector<1x256x128xf32> to vector<256x128xf32>
    %get3A_4 = arith.constant 1 : index
    %get3A_5 = arith.constant 0 : index
    %get3A_6 = arith.constant 0 : index
    %get3A_7 = vector.load %arg3[%get3A_4, %get3A_5, %get3A_6] : memref<2x256x128xf32, #tpu.memory_space<vmem>>, vector<1x256x128xf32>
    %get3A_8 = vector.shape_cast %get3A_7 : vector<1x256x128xf32> to vector<256x128xf32>
    %add3A = arith.addf %get3A_3, %get3A_8 : vector<256x128xf32>
    %iota3A = tpu.iota {dimensions = array<i32: 0>} : vector<512x256xi32>
    %iota3A_9 = tpu.iota {dimensions = array<i32: 1>} : vector<512x256xi32>
    %jit3A = arith.constant 2 : i32
    %eq3A = arith.constant 0 : i32
    %eq3A_10 = arith.cmpi eq, %jit3A, %eq3A : i32
    %jit3A_11 = arith.constant 1 : i32
    %select_n3A = arith.select %eq3A_10, %jit3A_11, %jit3A : i32
    %rem3A = vector.broadcast %select_n3A : i32 to vector<512x256xi32>
    %rem3A_12 = arith.remsi %iota3A, %rem3A : vector<512x256xi32>
    %ne3A = arith.constant 0 : i32
    %ne3A_13 = vector.broadcast %ne3A : i32 to vector<512x256xi32>
    %ne3A_14 = arith.cmpi ne, %rem3A_12, %ne3A_13 : vector<512x256xi32>
    %lt3A = arith.constant 0 : i32
    %lt3A_15 = vector.broadcast %lt3A : i32 to vector<512x256xi32>
    %lt3A_16 = arith.cmpi slt, %rem3A_12, %lt3A_15 : vector<512x256xi32>
    %lt3A_17 = arith.constant 0 : i32
    %lt3A_18 = arith.cmpi slt, %select_n3A, %lt3A_17 : i32
    %ne3A_19 = vector.broadcast %lt3A_18 : i1 to vector<512x256xi1>
    %ne3A_20 = vector.broadcast %ne3A_19 : vector<512x256xi1> to vector<512x256xi1>
    %ne3A_21 = arith.xori %lt3A_16, %ne3A_20 : vector<512x256xi1>
    %and3A = arith.andi %ne3A_21, %ne3A_14 : vector<512x256xi1>
    %add3A_22 = vector.broadcast %select_n3A : i32 to vector<512x256xi32>
    %add3A_23 = arith.addi %rem3A_12, %add3A_22 : vector<512x256xi32>
    %select_n3A_24 = arith.select %and3A, %add3A_23, %rem3A_12 : vector<512x256xi1>, vector<512x256xi32>
    %eq3A_25 = arith.constant 0 : i32
    %eq3A_26 = vector.broadcast %eq3A_25 : i32 to vector<512x256xi32>
    %eq3A_27 = arith.cmpi eq, %select_n3A_24, %eq3A_26 : vector<512x256xi32>
    %jit3A_28 = arith.constant 2 : i32
    %div3A = vector.broadcast %jit3A_28 : i32 to vector<512x256xi32>
    %div3A_29 = arith.divsi %iota3A, %div3A : vector<512x256xi32>
    %sign3A = arith.constant 0 : i32
    %sign3A_30 = vector.broadcast %sign3A : i32 to vector<512x256xi32>
    %sign3A_31 = arith.cmpi sgt, %iota3A, %sign3A_30 : vector<512x256xi32>
    %sign3A_32 = arith.extui %sign3A_31 : vector<512x256xi1> to vector<512x256xi32>
    %sign3A_33 = arith.constant 0 : i32
    %sign3A_34 = vector.broadcast %sign3A_33 : i32 to vector<512x256xi32>
    %sign3A_35 = arith.cmpi slt, %iota3A, %sign3A_34 : vector<512x256xi32>
    %sign3A_36 = arith.extui %sign3A_35 : vector<512x256xi1> to vector<512x256xi32>
    %sign3A_37 = arith.subi %sign3A_32, %sign3A_36 : vector<512x256xi32>
    %sign3A_38 = arith.constant 0 : i32
    %sign3A_39 = arith.cmpi sgt, %jit3A_28, %sign3A_38 : i32
    %sign3A_40 = arith.extui %sign3A_39 : i1 to i32
    %sign3A_41 = arith.constant 0 : i32
    %sign3A_42 = arith.cmpi slt, %jit3A_28, %sign3A_41 : i32
    %sign3A_43 = arith.extui %sign3A_42 : i1 to i32
    %sign3A_44 = arith.subi %sign3A_40, %sign3A_43 : i32
    %ne3A_45 = vector.broadcast %sign3A_44 : i32 to vector<512x256xi32>
    %ne3A_46 = arith.cmpi ne, %sign3A_37, %ne3A_45 : vector<512x256xi32>
    %rem3A_47 = vector.broadcast %jit3A_28 : i32 to vector<512x256xi32>
    %rem3A_48 = arith.remsi %iota3A, %rem3A_47 : vector<512x256xi32>
    %ne3A_49 = arith.constant 0 : i32
    %ne3A_50 = vector.broadcast %ne3A_49 : i32 to vector<512x256xi32>
    %ne3A_51 = arith.cmpi ne, %rem3A_48, %ne3A_50 : vector<512x256xi32>
    %and3A_52 = arith.andi %ne3A_46, %ne3A_51 : vector<512x256xi1>
    %sub3A = arith.constant 1 : i32
    %sub3A_53 = vector.broadcast %sub3A : i32 to vector<512x256xi32>
    %sub3A_54 = arith.subi %div3A_29, %sub3A_53 : vector<512x256xi32>
    %select_n3A_55 = arith.select %and3A_52, %sub3A_54, %div3A_29 : vector<512x256xi1>, vector<512x256xi32>
    %eq3A_56 = arith.cmpi eq, %iota3A_9, %select_n3A_55 : vector<512x256xi32>
    %and3A_57 = arith.andi %eq3A_27, %eq3A_56 : vector<512x256xi1>
    %jit3A_58 = arith.constant 1.000000e+00 : f32
    %jit3A_59 = arith.constant 0.000000e+00 : f32
    %broadcast_in_dim3A = vector.broadcast %jit3A_58 : f32 to vector<512x256xf32>
    %broadcast_in_dim3A_60 = vector.broadcast %jit3A_59 : f32 to vector<512x256xf32>
    %select_n3A_61 = arith.select %and3A_57, %broadcast_in_dim3A, %broadcast_in_dim3A_60 : vector<512x256xi1>, vector<512x256xf32>
    %jit3A_62 = arith.constant 2 : i32
    %eq3A_63 = arith.constant 0 : i32
    %eq3A_64 = arith.cmpi eq, %jit3A_62, %eq3A_63 : i32
    %jit3A_65 = arith.constant 1 : i32
    %select_n3A_66 = arith.select %eq3A_64, %jit3A_65, %jit3A_62 : i32
    %rem3A_67 = vector.broadcast %select_n3A_66 : i32 to vector<512x256xi32>
    %rem3A_68 = arith.remsi %iota3A, %rem3A_67 : vector<512x256xi32>
    %ne3A_69 = arith.constant 0 : i32
    %ne3A_70 = vector.broadcast %ne3A_69 : i32 to vector<512x256xi32>
    %ne3A_71 = arith.cmpi ne, %rem3A_68, %ne3A_70 : vector<512x256xi32>
    %lt3A_72 = arith.constant 0 : i32
    %lt3A_73 = vector.broadcast %lt3A_72 : i32 to vector<512x256xi32>
    %lt3A_74 = arith.cmpi slt, %rem3A_68, %lt3A_73 : vector<512x256xi32>
    %lt3A_75 = arith.constant 0 : i32
    %lt3A_76 = arith.cmpi slt, %select_n3A_66, %lt3A_75 : i32
    %ne3A_77 = vector.broadcast %lt3A_76 : i1 to vector<512x256xi1>
    %ne3A_78 = vector.broadcast %ne3A_77 : vector<512x256xi1> to vector<512x256xi1>
    %ne3A_79 = arith.xori %lt3A_74, %ne3A_78 : vector<512x256xi1>
    %and3A_80 = arith.andi %ne3A_79, %ne3A_71 : vector<512x256xi1>
    %add3A_81 = vector.broadcast %select_n3A_66 : i32 to vector<512x256xi32>
    %add3A_82 = arith.addi %rem3A_68, %add3A_81 : vector<512x256xi32>
    %select_n3A_83 = arith.select %and3A_80, %add3A_82, %rem3A_68 : vector<512x256xi1>, vector<512x256xi32>
    %eq3A_84 = arith.constant 1 : i32
    %eq3A_85 = vector.broadcast %eq3A_84 : i32 to vector<512x256xi32>
    %eq3A_86 = arith.cmpi eq, %select_n3A_83, %eq3A_85 : vector<512x256xi32>
    %jit3A_87 = arith.constant 2 : i32
    %div3A_88 = vector.broadcast %jit3A_87 : i32 to vector<512x256xi32>
    %div3A_89 = arith.divsi %iota3A, %div3A_88 : vector<512x256xi32>
    %sign3A_90 = arith.constant 0 : i32
    %sign3A_91 = vector.broadcast %sign3A_90 : i32 to vector<512x256xi32>
    %sign3A_92 = arith.cmpi sgt, %iota3A, %sign3A_91 : vector<512x256xi32>
    %sign3A_93 = arith.extui %sign3A_92 : vector<512x256xi1> to vector<512x256xi32>
    %sign3A_94 = arith.constant 0 : i32
    %sign3A_95 = vector.broadcast %sign3A_94 : i32 to vector<512x256xi32>
    %sign3A_96 = arith.cmpi slt, %iota3A, %sign3A_95 : vector<512x256xi32>
    %sign3A_97 = arith.extui %sign3A_96 : vector<512x256xi1> to vector<512x256xi32>
    %sign3A_98 = arith.subi %sign3A_93, %sign3A_97 : vector<512x256xi32>
    %sign3A_99 = arith.constant 0 : i32
    %sign3A_100 = arith.cmpi sgt, %jit3A_87, %sign3A_99 : i32
    %sign3A_101 = arith.extui %sign3A_100 : i1 to i32
    %sign3A_102 = arith.constant 0 : i32
    %sign3A_103 = arith.cmpi slt, %jit3A_87, %sign3A_102 : i32
    %sign3A_104 = arith.extui %sign3A_103 : i1 to i32
    %sign3A_105 = arith.subi %sign3A_101, %sign3A_104 : i32
    %ne3A_106 = vector.broadcast %sign3A_105 : i32 to vector<512x256xi32>
    %ne3A_107 = arith.cmpi ne, %sign3A_98, %ne3A_106 : vector<512x256xi32>
    %rem3A_108 = vector.broadcast %jit3A_87 : i32 to vector<512x256xi32>
    %rem3A_109 = arith.remsi %iota3A, %rem3A_108 : vector<512x256xi32>
    %ne3A_110 = arith.constant 0 : i32
    %ne3A_111 = vector.broadcast %ne3A_110 : i32 to vector<512x256xi32>
    %ne3A_112 = arith.cmpi ne, %rem3A_109, %ne3A_111 : vector<512x256xi32>
    %and3A_113 = arith.andi %ne3A_107, %ne3A_112 : vector<512x256xi1>
    %sub3A_114 = arith.constant 1 : i32
    %sub3A_115 = vector.broadcast %sub3A_114 : i32 to vector<512x256xi32>
    %sub3A_116 = arith.subi %div3A_89, %sub3A_115 : vector<512x256xi32>
    %select_n3A_117 = arith.select %and3A_113, %sub3A_116, %div3A_89 : vector<512x256xi1>, vector<512x256xi32>
    %eq3A_118 = arith.cmpi eq, %iota3A_9, %select_n3A_117 : vector<512x256xi32>
    %and3A_119 = arith.andi %eq3A_86, %eq3A_118 : vector<512x256xi1>
    %jit3A_120 = arith.constant 1.000000e+00 : f32
    %jit3A_121 = arith.constant 0.000000e+00 : f32
    %broadcast_in_dim3A_122 = vector.broadcast %jit3A_120 : f32 to vector<512x256xf32>
    %broadcast_in_dim3A_123 = vector.broadcast %jit3A_121 : f32 to vector<512x256xf32>
    %select_n3A_124 = arith.select %and3A_119, %broadcast_in_dim3A_122, %broadcast_in_dim3A_123 : vector<512x256xi1>, vector<512x256xf32>
    %dot_general3A = arith.constant dense<0.000000e+00> : vector<512x128xf32>
    %dot_general3A_125 = tpu.matmul %select_n3A_61, %add3A, %dot_general3A {dimension_numbers = #tpu.dot_dimension_numbers<[1], [0], [0], [1], [0, 0, 1, 1], [], []>, transpose_lhs_hint = false} : vector<512x256xf32>, vector<256x128xf32>, vector<512x128xf32> -> vector<512x128xf32>
    %dot_general3A_126 = arith.constant dense<0.000000e+00> : vector<512x128xf32>
    %dot_general3A_127 = tpu.matmul %select_n3A_124, %add3A, %dot_general3A_126 {dimension_numbers = #tpu.dot_dimension_numbers<[1], [0], [0], [1], [0, 0, 1, 1], [], []>, transpose_lhs_hint = false} : vector<512x256xf32>, vector<256x128xf32>, vector<512x128xf32> -> vector<512x128xf32>
    %iota3A_128 = tpu.iota {dimensions = array<i32: 0>} : vector<128x128xi32>
    %iota3A_129 = tpu.iota {dimensions = array<i32: 1>} : vector<128x128xi32>
    %jit3A_130 = arith.constant 32 : i32
    %div3A_131 = vector.broadcast %jit3A_130 : i32 to vector<128x128xi32>
    %div3A_132 = arith.divsi %iota3A_129, %div3A_131 : vector<128x128xi32>
    %sign3A_133 = arith.constant 0 : i32
    %sign3A_134 = vector.broadcast %sign3A_133 : i32 to vector<128x128xi32>
    %sign3A_135 = arith.cmpi sgt, %iota3A_129, %sign3A_134 : vector<128x128xi32>
    %sign3A_136 = arith.extui %sign3A_135 : vector<128x128xi1> to vector<128x128xi32>
    %sign3A_137 = arith.constant 0 : i32
    %sign3A_138 = vector.broadcast %sign3A_137 : i32 to vector<128x128xi32>
    %sign3A_139 = arith.cmpi slt, %iota3A_129, %sign3A_138 : vector<128x128xi32>
    %sign3A_140 = arith.extui %sign3A_139 : vector<128x128xi1> to vector<128x128xi32>
    %sign3A_141 = arith.subi %sign3A_136, %sign3A_140 : vector<128x128xi32>
    %sign3A_142 = arith.constant 0 : i32
    %sign3A_143 = arith.cmpi sgt, %jit3A_130, %sign3A_142 : i32
    %sign3A_144 = arith.extui %sign3A_143 : i1 to i32
    %sign3A_145 = arith.constant 0 : i32
    %sign3A_146 = arith.cmpi slt, %jit3A_130, %sign3A_145 : i32
    %sign3A_147 = arith.extui %sign3A_146 : i1 to i32
    %sign3A_148 = arith.subi %sign3A_144, %sign3A_147 : i32
    %ne3A_149 = vector.broadcast %sign3A_148 : i32 to vector<128x128xi32>
    %ne3A_150 = arith.cmpi ne, %sign3A_141, %ne3A_149 : vector<128x128xi32>
    %rem3A_151 = vector.broadcast %jit3A_130 : i32 to vector<128x128xi32>
    %rem3A_152 = arith.remsi %iota3A_129, %rem3A_151 : vector<128x128xi32>
    %ne3A_153 = arith.constant 0 : i32
    %ne3A_154 = vector.broadcast %ne3A_153 : i32 to vector<128x128xi32>
    %ne3A_155 = arith.cmpi ne, %rem3A_152, %ne3A_154 : vector<128x128xi32>
    %and3A_156 = arith.andi %ne3A_150, %ne3A_155 : vector<128x128xi1>
    %sub3A_157 = arith.constant 1 : i32
    %sub3A_158 = vector.broadcast %sub3A_157 : i32 to vector<128x128xi32>
    %sub3A_159 = arith.subi %div3A_132, %sub3A_158 : vector<128x128xi32>
    %select_n3A_160 = arith.select %and3A_156, %sub3A_159, %div3A_132 : vector<128x128xi1>, vector<128x128xi32>
    %mul3A = arith.constant 16 : i32
    %mul3A_161 = vector.broadcast %mul3A : i32 to vector<128x128xi32>
    %mul3A_162 = arith.muli %mul3A_161, %select_n3A_160 : vector<128x128xi32>
    %eq3A_163 = arith.cmpi eq, %iota3A_128, %mul3A_162 : vector<128x128xi32>
    %jit3A_164 = arith.constant 1.000000e+00 : f32
    %jit3A_165 = arith.constant 0.000000e+00 : f32
    %broadcast_in_dim3A_166 = vector.broadcast %jit3A_164 : f32 to vector<128x128xf32>
    %broadcast_in_dim3A_167 = vector.broadcast %jit3A_165 : f32 to vector<128x128xf32>
    %select_n3A_168 = arith.select %eq3A_163, %broadcast_in_dim3A_166, %broadcast_in_dim3A_167 : vector<128x128xi1>, vector<128x128xf32>
    %jit3A_169 = arith.constant 32 : i32
    %div3A_170 = vector.broadcast %jit3A_169 : i32 to vector<128x128xi32>
    %div3A_171 = arith.divsi %iota3A_129, %div3A_170 : vector<128x128xi32>
    %sign3A_172 = arith.constant 0 : i32
    %sign3A_173 = vector.broadcast %sign3A_172 : i32 to vector<128x128xi32>
    %sign3A_174 = arith.cmpi sgt, %iota3A_129, %sign3A_173 : vector<128x128xi32>
    %sign3A_175 = arith.extui %sign3A_174 : vector<128x128xi1> to vector<128x128xi32>
    %sign3A_176 = arith.constant 0 : i32
    %sign3A_177 = vector.broadcast %sign3A_176 : i32 to vector<128x128xi32>
    %sign3A_178 = arith.cmpi slt, %iota3A_129, %sign3A_177 : vector<128x128xi32>
    %sign3A_179 = arith.extui %sign3A_178 : vector<128x128xi1> to vector<128x128xi32>
    %sign3A_180 = arith.subi %sign3A_175, %sign3A_179 : vector<128x128xi32>
    %sign3A_181 = arith.constant 0 : i32
    %sign3A_182 = arith.cmpi sgt, %jit3A_169, %sign3A_181 : i32
    %sign3A_183 = arith.extui %sign3A_182 : i1 to i32
    %sign3A_184 = arith.constant 0 : i32
    %sign3A_185 = arith.cmpi slt, %jit3A_169, %sign3A_184 : i32
    %sign3A_186 = arith.extui %sign3A_185 : i1 to i32
    %sign3A_187 = arith.subi %sign3A_183, %sign3A_186 : i32
    %ne3A_188 = vector.broadcast %sign3A_187 : i32 to vector<128x128xi32>
    %ne3A_189 = arith.cmpi ne, %sign3A_180, %ne3A_188 : vector<128x128xi32>
    %rem3A_190 = vector.broadcast %jit3A_169 : i32 to vector<128x128xi32>
    %rem3A_191 = arith.remsi %iota3A_129, %rem3A_190 : vector<128x128xi32>
    %ne3A_192 = arith.constant 0 : i32
    %ne3A_193 = vector.broadcast %ne3A_192 : i32 to vector<128x128xi32>
    %ne3A_194 = arith.cmpi ne, %rem3A_191, %ne3A_193 : vector<128x128xi32>
    %and3A_195 = arith.andi %ne3A_189, %ne3A_194 : vector<128x128xi1>
    %sub3A_196 = arith.constant 1 : i32
    %sub3A_197 = vector.broadcast %sub3A_196 : i32 to vector<128x128xi32>
    %sub3A_198 = arith.subi %div3A_171, %sub3A_197 : vector<128x128xi32>
    %select_n3A_199 = arith.select %and3A_195, %sub3A_198, %div3A_171 : vector<128x128xi1>, vector<128x128xi32>
    %mul3A_200 = arith.constant 16 : i32
    %mul3A_201 = vector.broadcast %mul3A_200 : i32 to vector<128x128xi32>
    %mul3A_202 = arith.muli %mul3A_201, %select_n3A_199 : vector<128x128xi32>
    %add3A_203 = arith.constant 64 : i32
    %add3A_204 = vector.broadcast %add3A_203 : i32 to vector<128x128xi32>
    %add3A_205 = arith.addi %add3A_204, %mul3A_202 : vector<128x128xi32>
    %eq3A_206 = arith.cmpi eq, %iota3A_128, %add3A_205 : vector<128x128xi32>
    %jit3A_207 = arith.constant 1.000000e+00 : f32
    %jit3A_208 = arith.constant 0.000000e+00 : f32
    %broadcast_in_dim3A_209 = vector.broadcast %jit3A_207 : f32 to vector<128x128xf32>
    %broadcast_in_dim3A_210 = vector.broadcast %jit3A_208 : f32 to vector<128x128xf32>
    %select_n3A_211 = arith.select %eq3A_206, %broadcast_in_dim3A_209, %broadcast_in_dim3A_210 : vector<128x128xi1>, vector<128x128xf32>
    %dot_general3A_212 = arith.constant dense<0.000000e+00> : vector<512x128xf32>
    %dot_general3A_213 = tpu.matmul %dot_general3A_125, %select_n3A_168, %dot_general3A_212 {dimension_numbers = #tpu.dot_dimension_numbers<[1], [0], [0], [1], [0, 0, 1, 1], [], []>, transpose_lhs_hint = false} : vector<512x128xf32>, vector<128x128xf32>, vector<512x128xf32> -> vector<512x128xf32>
    %dot_general3A_214 = arith.constant dense<0.000000e+00> : vector<512x128xf32>
    %dot_general3A_215 = tpu.matmul %dot_general3A_127, %select_n3A_211, %dot_general3A_214 {dimension_numbers = #tpu.dot_dimension_numbers<[1], [0], [0], [1], [0, 0, 1, 1], [], []>, transpose_lhs_hint = false} : vector<512x128xf32>, vector<128x128xf32>, vector<512x128xf32> -> vector<512x128xf32>
    %add3A_216 = arith.addf %dot_general3A_213, %dot_general3A_215 : vector<512x128xf32>
    %add3A_217 = arith.constant 1.000000e+00 : f32
    %add3A_218 = vector.broadcast %add3A_217 : f32 to vector<512x128xf32>
    %add3A_219 = arith.addf %add3A_216, %add3A_218 : vector<512x128xf32>
    %rsqrt3A = math.rsqrt %add3A_219 : vector<512x128xf32>
    %get3A_220 = arith.constant 0 : index
    %get3A_221 = arith.constant 0 : index
    %get3A_222 = arith.constant 0 : index
    %get3A_223 = vector.load %arg1[%get3A_220, %get3A_221, %get3A_222] : memref<2x512x128xbf16, #tpu.memory_space<vmem>>, vector<1x512x128xbf16>
    %get3A_224 = vector.shape_cast %get3A_223 : vector<1x512x128xbf16> to vector<512x128xbf16>
    %get3A_225 = arith.constant 1 : index
    %get3A_226 = arith.constant 0 : index
    %get3A_227 = arith.constant 0 : index
    %get3A_228 = vector.load %arg1[%get3A_225, %get3A_226, %get3A_227] : memref<2x512x128xbf16, #tpu.memory_space<vmem>>, vector<1x512x128xbf16>
    %get3A_229 = vector.shape_cast %get3A_228 : vector<1x512x128xbf16> to vector<512x128xbf16>
    %add3A_230 = arith.addf %get3A_224, %get3A_229 : vector<512x128xbf16>
    %get3A_231 = arith.constant 0 : index
    %get3A_232 = arith.constant 0 : index
    %get3A_233 = vector.load %arg2[%get3A_231, %get3A_232] : memref<512x128xbf16, #tpu.memory_space<vmem>>, vector<512x128xbf16>
    %add3A_234 = arith.addf %add3A_230, %get3A_233 : vector<512x128xbf16>
    %convert_element_type3A = arith.extf %add3A_234 : vector<512x128xbf16> to vector<512x128xf32>
    %mul3A_235 = arith.mulf %convert_element_type3A, %rsqrt3A : vector<512x128xf32>
    %get3A_236 = arith.constant 0 : index
    %get3A_237 = arith.constant 0 : index
    %get3A_238 = vector.load %arg4[%get3A_236, %get3A_237] : memref<1x128xf32, #tpu.memory_space<vmem>>, vector<1x128xf32>
    %add3A_239 = vector.broadcast %get3A_238 : vector<1x128xf32> to vector<512x128xf32>
    %add3A_240 = arith.addf %mul3A_235, %add3A_239 : vector<512x128xf32>
    %max3A = arith.constant 0.000000e+00 : f32
    %max3A_241 = vector.broadcast %max3A : f32 to vector<512x128xf32>
    %max3A_242 = arith.maximumf %add3A_240, %max3A_241 : vector<512x128xf32>
    %get3A_243 = arith.constant 0 : index
    %get3A_244 = arith.constant 0 : index
    %get3A_245 = vector.load %arg5[%get3A_243, %get3A_244] : memref<128x128xf32, #tpu.memory_space<vmem>>, vector<128x128xf32>
    %dot_general3A_246 = arith.constant dense<0.000000e+00> : vector<512x128xf32>
    %dot_general3A_247 = tpu.matmul %max3A_242, %get3A_245, %dot_general3A_246 {dimension_numbers = #tpu.dot_dimension_numbers<[1], [0], [0], [1], [0, 0, 1, 1], [], []>, transpose_lhs_hint = false} : vector<512x128xf32>, vector<128x128xf32>, vector<512x128xf32> -> vector<512x128xf32>
    %mul3A_248 = arith.mulf %dot_general3A_247, %rsqrt3A : vector<512x128xf32>
    %convert_element_type3A_249 = arith.truncf %mul3A_248 : vector<512x128xf32> to vector<512x128xbf16>
    %swap3A = arith.constant 0 : index
    %swap3A_250 = arith.constant 0 : index
    %swap3A_251 = vector.load %arg6[%swap3A, %swap3A_250] : memref<512x128xbf16, #tpu.memory_space<vmem>>, vector<512x128xbf16>
    tpu.vector_store %arg6[%swap3A, %swap3A_250], %convert_element_type3A_249 {strides = array<i32>} : memref<512x128xbf16, #tpu.memory_space<vmem>>, vector<512x128xbf16>,
    return
  }
  func.func @transform_0(%arg0: i32) -> (i32, i32, i32) {
    %c0_i32 = arith.constant 0 : i32
    %c0_i32_0 = arith.constant 0 : i32
    %c0_i32_1 = arith.constant 0 : i32
    return %c0_i32, %arg0, %c0_i32_0 : i32, i32, i32
  }
  func.func @transform_1(%arg0: i32) -> (i32, i32) {
    %c0_i32 = arith.constant 0 : i32
    %c0_i32_0 = arith.constant 0 : i32
    return %arg0, %c0_i32 : i32, i32
  }
  func.func @transform_2(%arg0: i32) -> (i32, i32, i32) {
    %c0_i32 = arith.constant 0 : i32
    %c0_i32_0 = arith.constant 0 : i32
    %c0_i32_1 = arith.constant 0 : i32
    return %c0_i32, %arg0, %c0_i32_0 : i32, i32, i32
  }
  func.func @transform_3(%arg0: i32) -> (i32, i32) {
    %c0_i32 = arith.constant 0 : i32
    %c0_i32_0 = arith.constant 0 : i32
    %c0_i32_1 = arith.constant 0 : i32
    return %c0_i32, %c0_i32_0 : i32, i32
  }
  func.func @transform_4(%arg0: i32) -> (i32, i32) {
    %c0_i32 = arith.constant 0 : i32
    %c0_i32_0 = arith.constant 0 : i32
    %c0_i32_1 = arith.constant 0 : i32
    return %c0_i32, %c0_i32_0 : i32, i32
  }
  func.func @transform_5(%arg0: i32) -> (i32, i32) {
    %c0_i32 = arith.constant 0 : i32
    %c0_i32_0 = arith.constant 0 : i32
    return %arg0, %c0_i32 : i32, i32
  }
}

module attributes {stable_mosaic.version = 14 : i64} {
  func.func @body(%arg0: i32, %arg1: memref<2x512x128xbf16, #tpu.memory_space<vmem>>, %arg2: memref<512x128xbf16, #tpu.memory_space<vmem>>, %arg3: memref<2x256x128xf32, #tpu.memory_space<vmem>>, %arg4: memref<1x128xf32, #tpu.memory_space<vmem>>, %arg5: memref<128x32xf32, #tpu.memory_space<vmem>>, %arg6: memref<1x32xf32, #tpu.memory_space<vmem>>, %arg7: memref<512x32xf32, #tpu.memory_space<vmem>>) attributes {dimension_semantics = [#tpu.dimension_semantics<arbitrary>], iteration_bounds = array<i64: 5>, scalar_prefetch = 0 : i64, scratch_operands = 0 : i64, tpu.core_type = #tpu.core_type<tc>, window_params = [{transform_indices = @transform_0, window_bounds = array<i64: 2, 512, 128>}, {transform_indices = @transform_1, window_bounds = array<i64: 512, 128>}, {transform_indices = @transform_2, window_bounds = array<i64: 2, 256, 128>}, {pipeline_mode = #tpu.pipeline_mode<synchronous>, transform_indices = @transform_3, window_bounds = array<i64: 1, 128>}, {pipeline_mode = #tpu.pipeline_mode<synchronous>, transform_indices = @transform_4, window_bounds = array<i64: 128, 32>}, {pipeline_mode = #tpu.pipeline_mode<synchronous>, transform_indices = @transform_5, window_bounds = array<i64: 1, 32>}, {transform_indices = @transform_6, window_bounds = array<i64: 512, 32>}]} {
    %get3A = arith.constant 0 : index
    %get3A_0 = arith.constant 0 : index
    %get3A_1 = arith.constant 0 : index
    %get3A_2 = vector.load %arg3[%get3A, %get3A_0, %get3A_1] : memref<2x256x128xf32, #tpu.memory_space<vmem>>, vector<1x256x128xf32>
    %get3A_3 = vector.shape_cast %get3A_2 : vector<1x256x128xf32> to vector<256x128xf32>
    %get3A_4 = arith.constant 1 : index
    %get3A_5 = arith.constant 0 : index
    %get3A_6 = arith.constant 0 : index
    %get3A_7 = vector.load %arg3[%get3A_4, %get3A_5, %get3A_6] : memref<2x256x128xf32, #tpu.memory_space<vmem>>, vector<1x256x128xf32>
    %get3A_8 = vector.shape_cast %get3A_7 : vector<1x256x128xf32> to vector<256x128xf32>
    %add3A = arith.addf %get3A_3, %get3A_8 : vector<256x128xf32>
    %iota3A = tpu.iota {dimensions = array<i32: 0>} : vector<512x256xi32>
    %iota3A_9 = tpu.iota {dimensions = array<i32: 1>} : vector<512x256xi32>
    %jit3A = arith.constant 2 : i32
    %eq3A = arith.constant 0 : i32
    %eq3A_10 = arith.cmpi eq, %jit3A, %eq3A : i32
    %jit3A_11 = arith.constant 1 : i32
    %select_n3A = arith.select %eq3A_10, %jit3A_11, %jit3A : i32
    %rem3A = vector.broadcast %select_n3A : i32 to vector<512x256xi32>
    %rem3A_12 = arith.remsi %iota3A, %rem3A : vector<512x256xi32>
    %ne3A = arith.constant 0 : i32
    %ne3A_13 = vector.broadcast %ne3A : i32 to vector<512x256xi32>
    %ne3A_14 = arith.cmpi ne, %rem3A_12, %ne3A_13 : vector<512x256xi32>
    %lt3A = arith.constant 0 : i32
    %lt3A_15 = vector.broadcast %lt3A : i32 to vector<512x256xi32>
    %lt3A_16 = arith.cmpi slt, %rem3A_12, %lt3A_15 : vector<512x256xi32>
    %lt3A_17 = arith.constant 0 : i32
    %lt3A_18 = arith.cmpi slt, %select_n3A, %lt3A_17 : i32
    %ne3A_19 = vector.broadcast %lt3A_18 : i1 to vector<512x256xi1>
    %ne3A_20 = vector.broadcast %ne3A_19 : vector<512x256xi1> to vector<512x256xi1>
    %ne3A_21 = arith.xori %lt3A_16, %ne3A_20 : vector<512x256xi1>
    %and3A = arith.andi %ne3A_21, %ne3A_14 : vector<512x256xi1>
    %add3A_22 = vector.broadcast %select_n3A : i32 to vector<512x256xi32>
    %add3A_23 = arith.addi %rem3A_12, %add3A_22 : vector<512x256xi32>
    %select_n3A_24 = arith.select %and3A, %add3A_23, %rem3A_12 : vector<512x256xi1>, vector<512x256xi32>
    %eq3A_25 = arith.constant 0 : i32
    %eq3A_26 = vector.broadcast %eq3A_25 : i32 to vector<512x256xi32>
    %eq3A_27 = arith.cmpi eq, %select_n3A_24, %eq3A_26 : vector<512x256xi32>
    %jit3A_28 = arith.constant 2 : i32
    %div3A = vector.broadcast %jit3A_28 : i32 to vector<512x256xi32>
    %div3A_29 = arith.divsi %iota3A, %div3A : vector<512x256xi32>
    %sign3A = arith.constant 0 : i32
    %sign3A_30 = vector.broadcast %sign3A : i32 to vector<512x256xi32>
    %sign3A_31 = arith.cmpi sgt, %iota3A, %sign3A_30 : vector<512x256xi32>
    %sign3A_32 = arith.extui %sign3A_31 : vector<512x256xi1> to vector<512x256xi32>
    %sign3A_33 = arith.constant 0 : i32
    %sign3A_34 = vector.broadcast %sign3A_33 : i32 to vector<512x256xi32>
    %sign3A_35 = arith.cmpi slt, %iota3A, %sign3A_34 : vector<512x256xi32>
    %sign3A_36 = arith.extui %sign3A_35 : vector<512x256xi1> to vector<512x256xi32>
    %sign3A_37 = arith.subi %sign3A_32, %sign3A_36 : vector<512x256xi32>
    %sign3A_38 = arith.constant 0 : i32
    %sign3A_39 = arith.cmpi sgt, %jit3A_28, %sign3A_38 : i32
    %sign3A_40 = arith.extui %sign3A_39 : i1 to i32
    %sign3A_41 = arith.constant 0 : i32
    %sign3A_42 = arith.cmpi slt, %jit3A_28, %sign3A_41 : i32
    %sign3A_43 = arith.extui %sign3A_42 : i1 to i32
    %sign3A_44 = arith.subi %sign3A_40, %sign3A_43 : i32
    %ne3A_45 = vector.broadcast %sign3A_44 : i32 to vector<512x256xi32>
    %ne3A_46 = arith.cmpi ne, %sign3A_37, %ne3A_45 : vector<512x256xi32>
    %rem3A_47 = vector.broadcast %jit3A_28 : i32 to vector<512x256xi32>
    %rem3A_48 = arith.remsi %iota3A, %rem3A_47 : vector<512x256xi32>
    %ne3A_49 = arith.constant 0 : i32
    %ne3A_50 = vector.broadcast %ne3A_49 : i32 to vector<512x256xi32>
    %ne3A_51 = arith.cmpi ne, %rem3A_48, %ne3A_50 : vector<512x256xi32>
    %and3A_52 = arith.andi %ne3A_46, %ne3A_51 : vector<512x256xi1>
    %sub3A = arith.constant 1 : i32
    %sub3A_53 = vector.broadcast %sub3A : i32 to vector<512x256xi32>
    %sub3A_54 = arith.subi %div3A_29, %sub3A_53 : vector<512x256xi32>
    %select_n3A_55 = arith.select %and3A_52, %sub3A_54, %div3A_29 : vector<512x256xi1>, vector<512x256xi32>
    %eq3A_56 = arith.cmpi eq, %iota3A_9, %select_n3A_55 : vector<512x256xi32>
    %and3A_57 = arith.andi %eq3A_27, %eq3A_56 : vector<512x256xi1>
    %jit3A_58 = arith.constant 1.000000e+00 : f32
    %jit3A_59 = arith.constant 0.000000e+00 : f32
    %broadcast_in_dim3A = vector.broadcast %jit3A_58 : f32 to vector<512x256xf32>
    %broadcast_in_dim3A_60 = vector.broadcast %jit3A_59 : f32 to vector<512x256xf32>
    %select_n3A_61 = arith.select %and3A_57, %broadcast_in_dim3A, %broadcast_in_dim3A_60 : vector<512x256xi1>, vector<512x256xf32>
    %jit3A_62 = arith.constant 2 : i32
    %eq3A_63 = arith.constant 0 : i32
    %eq3A_64 = arith.cmpi eq, %jit3A_62, %eq3A_63 : i32
    %jit3A_65 = arith.constant 1 : i32
    %select_n3A_66 = arith.select %eq3A_64, %jit3A_65, %jit3A_62 : i32
    %rem3A_67 = vector.broadcast %select_n3A_66 : i32 to vector<512x256xi32>
    %rem3A_68 = arith.remsi %iota3A, %rem3A_67 : vector<512x256xi32>
    %ne3A_69 = arith.constant 0 : i32
    %ne3A_70 = vector.broadcast %ne3A_69 : i32 to vector<512x256xi32>
    %ne3A_71 = arith.cmpi ne, %rem3A_68, %ne3A_70 : vector<512x256xi32>
    %lt3A_72 = arith.constant 0 : i32
    %lt3A_73 = vector.broadcast %lt3A_72 : i32 to vector<512x256xi32>
    %lt3A_74 = arith.cmpi slt, %rem3A_68, %lt3A_73 : vector<512x256xi32>
    %lt3A_75 = arith.constant 0 : i32
    %lt3A_76 = arith.cmpi slt, %select_n3A_66, %lt3A_75 : i32
    %ne3A_77 = vector.broadcast %lt3A_76 : i1 to vector<512x256xi1>
    %ne3A_78 = vector.broadcast %ne3A_77 : vector<512x256xi1> to vector<512x256xi1>
    %ne3A_79 = arith.xori %lt3A_74, %ne3A_78 : vector<512x256xi1>
    %and3A_80 = arith.andi %ne3A_79, %ne3A_71 : vector<512x256xi1>
    %add3A_81 = vector.broadcast %select_n3A_66 : i32 to vector<512x256xi32>
    %add3A_82 = arith.addi %rem3A_68, %add3A_81 : vector<512x256xi32>
    %select_n3A_83 = arith.select %and3A_80, %add3A_82, %rem3A_68 : vector<512x256xi1>, vector<512x256xi32>
    %eq3A_84 = arith.constant 1 : i32
    %eq3A_85 = vector.broadcast %eq3A_84 : i32 to vector<512x256xi32>
    %eq3A_86 = arith.cmpi eq, %select_n3A_83, %eq3A_85 : vector<512x256xi32>
    %jit3A_87 = arith.constant 2 : i32
    %div3A_88 = vector.broadcast %jit3A_87 : i32 to vector<512x256xi32>
    %div3A_89 = arith.divsi %iota3A, %div3A_88 : vector<512x256xi32>
    %sign3A_90 = arith.constant 0 : i32
    %sign3A_91 = vector.broadcast %sign3A_90 : i32 to vector<512x256xi32>
    %sign3A_92 = arith.cmpi sgt, %iota3A, %sign3A_91 : vector<512x256xi32>
    %sign3A_93 = arith.extui %sign3A_92 : vector<512x256xi1> to vector<512x256xi32>
    %sign3A_94 = arith.constant 0 : i32
    %sign3A_95 = vector.broadcast %sign3A_94 : i32 to vector<512x256xi32>
    %sign3A_96 = arith.cmpi slt, %iota3A, %sign3A_95 : vector<512x256xi32>
    %sign3A_97 = arith.extui %sign3A_96 : vector<512x256xi1> to vector<512x256xi32>
    %sign3A_98 = arith.subi %sign3A_93, %sign3A_97 : vector<512x256xi32>
    %sign3A_99 = arith.constant 0 : i32
    %sign3A_100 = arith.cmpi sgt, %jit3A_87, %sign3A_99 : i32
    %sign3A_101 = arith.extui %sign3A_100 : i1 to i32
    %sign3A_102 = arith.constant 0 : i32
    %sign3A_103 = arith.cmpi slt, %jit3A_87, %sign3A_102 : i32
    %sign3A_104 = arith.extui %sign3A_103 : i1 to i32
    %sign3A_105 = arith.subi %sign3A_101, %sign3A_104 : i32
    %ne3A_106 = vector.broadcast %sign3A_105 : i32 to vector<512x256xi32>
    %ne3A_107 = arith.cmpi ne, %sign3A_98, %ne3A_106 : vector<512x256xi32>
    %rem3A_108 = vector.broadcast %jit3A_87 : i32 to vector<512x256xi32>
    %rem3A_109 = arith.remsi %iota3A, %rem3A_108 : vector<512x256xi32>
    %ne3A_110 = arith.constant 0 : i32
    %ne3A_111 = vector.broadcast %ne3A_110 : i32 to vector<512x256xi32>
    %ne3A_112 = arith.cmpi ne, %rem3A_109, %ne3A_111 : vector<512x256xi32>
    %and3A_113 = arith.andi %ne3A_107, %ne3A_112 : vector<512x256xi1>
    %sub3A_114 = arith.constant 1 : i32
    %sub3A_115 = vector.broadcast %sub3A_114 : i32 to vector<512x256xi32>
    %sub3A_116 = arith.subi %div3A_89, %sub3A_115 : vector<512x256xi32>
    %select_n3A_117 = arith.select %and3A_113, %sub3A_116, %div3A_89 : vector<512x256xi1>, vector<512x256xi32>
    %eq3A_118 = arith.cmpi eq, %iota3A_9, %select_n3A_117 : vector<512x256xi32>
    %and3A_119 = arith.andi %eq3A_86, %eq3A_118 : vector<512x256xi1>
    %jit3A_120 = arith.constant 1.000000e+00 : f32
    %jit3A_121 = arith.constant 0.000000e+00 : f32
    %broadcast_in_dim3A_122 = vector.broadcast %jit3A_120 : f32 to vector<512x256xf32>
    %broadcast_in_dim3A_123 = vector.broadcast %jit3A_121 : f32 to vector<512x256xf32>
    %select_n3A_124 = arith.select %and3A_119, %broadcast_in_dim3A_122, %broadcast_in_dim3A_123 : vector<512x256xi1>, vector<512x256xf32>
    %dot_general3A = arith.constant dense<0.000000e+00> : vector<512x128xf32>
    %dot_general3A_125 = tpu.matmul %select_n3A_61, %add3A, %dot_general3A {dimension_numbers = #tpu.dot_dimension_numbers<[1], [0], [0], [1], [0, 0, 1, 1], [], []>, transpose_lhs_hint = false} : vector<512x256xf32>, vector<256x128xf32>, vector<512x128xf32> -> vector<512x128xf32>
    %dot_general3A_126 = arith.constant dense<0.000000e+00> : vector<512x128xf32>
    %dot_general3A_127 = tpu.matmul %select_n3A_124, %add3A, %dot_general3A_126 {dimension_numbers = #tpu.dot_dimension_numbers<[1], [0], [0], [1], [0, 0, 1, 1], [], []>, transpose_lhs_hint = false} : vector<512x256xf32>, vector<256x128xf32>, vector<512x128xf32> -> vector<512x128xf32>
    %iota3A_128 = tpu.iota {dimensions = array<i32: 0>} : vector<128x128xi32>
    %iota3A_129 = tpu.iota {dimensions = array<i32: 1>} : vector<128x128xi32>
    %jit3A_130 = arith.constant 32 : i32
    %div3A_131 = vector.broadcast %jit3A_130 : i32 to vector<128x128xi32>
    %div3A_132 = arith.divsi %iota3A_129, %div3A_131 : vector<128x128xi32>
    %sign3A_133 = arith.constant 0 : i32
    %sign3A_134 = vector.broadcast %sign3A_133 : i32 to vector<128x128xi32>
    %sign3A_135 = arith.cmpi sgt, %iota3A_129, %sign3A_134 : vector<128x128xi32>
    %sign3A_136 = arith.extui %sign3A_135 : vector<128x128xi1> to vector<128x128xi32>
    %sign3A_137 = arith.constant 0 : i32
    %sign3A_138 = vector.broadcast %sign3A_137 : i32 to vector<128x128xi32>
    %sign3A_139 = arith.cmpi slt, %iota3A_129, %sign3A_138 : vector<128x128xi32>
    %sign3A_140 = arith.extui %sign3A_139 : vector<128x128xi1> to vector<128x128xi32>
    %sign3A_141 = arith.subi %sign3A_136, %sign3A_140 : vector<128x128xi32>
    %sign3A_142 = arith.constant 0 : i32
    %sign3A_143 = arith.cmpi sgt, %jit3A_130, %sign3A_142 : i32
    %sign3A_144 = arith.extui %sign3A_143 : i1 to i32
    %sign3A_145 = arith.constant 0 : i32
    %sign3A_146 = arith.cmpi slt, %jit3A_130, %sign3A_145 : i32
    %sign3A_147 = arith.extui %sign3A_146 : i1 to i32
    %sign3A_148 = arith.subi %sign3A_144, %sign3A_147 : i32
    %ne3A_149 = vector.broadcast %sign3A_148 : i32 to vector<128x128xi32>
    %ne3A_150 = arith.cmpi ne, %sign3A_141, %ne3A_149 : vector<128x128xi32>
    %rem3A_151 = vector.broadcast %jit3A_130 : i32 to vector<128x128xi32>
    %rem3A_152 = arith.remsi %iota3A_129, %rem3A_151 : vector<128x128xi32>
    %ne3A_153 = arith.constant 0 : i32
    %ne3A_154 = vector.broadcast %ne3A_153 : i32 to vector<128x128xi32>
    %ne3A_155 = arith.cmpi ne, %rem3A_152, %ne3A_154 : vector<128x128xi32>
    %and3A_156 = arith.andi %ne3A_150, %ne3A_155 : vector<128x128xi1>
    %sub3A_157 = arith.constant 1 : i32
    %sub3A_158 = vector.broadcast %sub3A_157 : i32 to vector<128x128xi32>
    %sub3A_159 = arith.subi %div3A_132, %sub3A_158 : vector<128x128xi32>
    %select_n3A_160 = arith.select %and3A_156, %sub3A_159, %div3A_132 : vector<128x128xi1>, vector<128x128xi32>
    %mul3A = arith.constant 16 : i32
    %mul3A_161 = vector.broadcast %mul3A : i32 to vector<128x128xi32>
    %mul3A_162 = arith.muli %mul3A_161, %select_n3A_160 : vector<128x128xi32>
    %eq3A_163 = arith.cmpi eq, %iota3A_128, %mul3A_162 : vector<128x128xi32>
    %jit3A_164 = arith.constant 1.000000e+00 : f32
    %jit3A_165 = arith.constant 0.000000e+00 : f32
    %broadcast_in_dim3A_166 = vector.broadcast %jit3A_164 : f32 to vector<128x128xf32>
    %broadcast_in_dim3A_167 = vector.broadcast %jit3A_165 : f32 to vector<128x128xf32>
    %select_n3A_168 = arith.select %eq3A_163, %broadcast_in_dim3A_166, %broadcast_in_dim3A_167 : vector<128x128xi1>, vector<128x128xf32>
    %jit3A_169 = arith.constant 32 : i32
    %div3A_170 = vector.broadcast %jit3A_169 : i32 to vector<128x128xi32>
    %div3A_171 = arith.divsi %iota3A_129, %div3A_170 : vector<128x128xi32>
    %sign3A_172 = arith.constant 0 : i32
    %sign3A_173 = vector.broadcast %sign3A_172 : i32 to vector<128x128xi32>
    %sign3A_174 = arith.cmpi sgt, %iota3A_129, %sign3A_173 : vector<128x128xi32>
    %sign3A_175 = arith.extui %sign3A_174 : vector<128x128xi1> to vector<128x128xi32>
    %sign3A_176 = arith.constant 0 : i32
    %sign3A_177 = vector.broadcast %sign3A_176 : i32 to vector<128x128xi32>
    %sign3A_178 = arith.cmpi slt, %iota3A_129, %sign3A_177 : vector<128x128xi32>
    %sign3A_179 = arith.extui %sign3A_178 : vector<128x128xi1> to vector<128x128xi32>
    %sign3A_180 = arith.subi %sign3A_175, %sign3A_179 : vector<128x128xi32>
    %sign3A_181 = arith.constant 0 : i32
    %sign3A_182 = arith.cmpi sgt, %jit3A_169, %sign3A_181 : i32
    %sign3A_183 = arith.extui %sign3A_182 : i1 to i32
    %sign3A_184 = arith.constant 0 : i32
    %sign3A_185 = arith.cmpi slt, %jit3A_169, %sign3A_184 : i32
    %sign3A_186 = arith.extui %sign3A_185 : i1 to i32
    %sign3A_187 = arith.subi %sign3A_183, %sign3A_186 : i32
    %ne3A_188 = vector.broadcast %sign3A_187 : i32 to vector<128x128xi32>
    %ne3A_189 = arith.cmpi ne, %sign3A_180, %ne3A_188 : vector<128x128xi32>
    %rem3A_190 = vector.broadcast %jit3A_169 : i32 to vector<128x128xi32>
    %rem3A_191 = arith.remsi %iota3A_129, %rem3A_190 : vector<128x128xi32>
    %ne3A_192 = arith.constant 0 : i32
    %ne3A_193 = vector.broadcast %ne3A_192 : i32 to vector<128x128xi32>
    %ne3A_194 = arith.cmpi ne, %rem3A_191, %ne3A_193 : vector<128x128xi32>
    %and3A_195 = arith.andi %ne3A_189, %ne3A_194 : vector<128x128xi1>
    %sub3A_196 = arith.constant 1 : i32
    %sub3A_197 = vector.broadcast %sub3A_196 : i32 to vector<128x128xi32>
    %sub3A_198 = arith.subi %div3A_171, %sub3A_197 : vector<128x128xi32>
    %select_n3A_199 = arith.select %and3A_195, %sub3A_198, %div3A_171 : vector<128x128xi1>, vector<128x128xi32>
    %mul3A_200 = arith.constant 16 : i32
    %mul3A_201 = vector.broadcast %mul3A_200 : i32 to vector<128x128xi32>
    %mul3A_202 = arith.muli %mul3A_201, %select_n3A_199 : vector<128x128xi32>
    %add3A_203 = arith.constant 64 : i32
    %add3A_204 = vector.broadcast %add3A_203 : i32 to vector<128x128xi32>
    %add3A_205 = arith.addi %add3A_204, %mul3A_202 : vector<128x128xi32>
    %eq3A_206 = arith.cmpi eq, %iota3A_128, %add3A_205 : vector<128x128xi32>
    %jit3A_207 = arith.constant 1.000000e+00 : f32
    %jit3A_208 = arith.constant 0.000000e+00 : f32
    %broadcast_in_dim3A_209 = vector.broadcast %jit3A_207 : f32 to vector<128x128xf32>
    %broadcast_in_dim3A_210 = vector.broadcast %jit3A_208 : f32 to vector<128x128xf32>
    %select_n3A_211 = arith.select %eq3A_206, %broadcast_in_dim3A_209, %broadcast_in_dim3A_210 : vector<128x128xi1>, vector<128x128xf32>
    %dot_general3A_212 = arith.constant dense<0.000000e+00> : vector<512x128xf32>
    %dot_general3A_213 = tpu.matmul %dot_general3A_125, %select_n3A_168, %dot_general3A_212 {dimension_numbers = #tpu.dot_dimension_numbers<[1], [0], [0], [1], [0, 0, 1, 1], [], []>, transpose_lhs_hint = false} : vector<512x128xf32>, vector<128x128xf32>, vector<512x128xf32> -> vector<512x128xf32>
    %dot_general3A_214 = arith.constant dense<0.000000e+00> : vector<512x128xf32>
    %dot_general3A_215 = tpu.matmul %dot_general3A_127, %select_n3A_211, %dot_general3A_214 {dimension_numbers = #tpu.dot_dimension_numbers<[1], [0], [0], [1], [0, 0, 1, 1], [], []>, transpose_lhs_hint = false} : vector<512x128xf32>, vector<128x128xf32>, vector<512x128xf32> -> vector<512x128xf32>
    %add3A_216 = arith.addf %dot_general3A_213, %dot_general3A_215 : vector<512x128xf32>
    %add3A_217 = arith.constant 1.000000e+00 : f32
    %add3A_218 = vector.broadcast %add3A_217 : f32 to vector<512x128xf32>
    %add3A_219 = arith.addf %add3A_216, %add3A_218 : vector<512x128xf32>
    %rsqrt3A = math.rsqrt %add3A_219 : vector<512x128xf32>
    %get3A_220 = arith.constant 0 : index
    %get3A_221 = arith.constant 0 : index
    %get3A_222 = arith.constant 0 : index
    %get3A_223 = vector.load %arg1[%get3A_220, %get3A_221, %get3A_222] : memref<2x512x128xbf16, #tpu.memory_space<vmem>>, vector<1x512x128xbf16>
    %get3A_224 = vector.shape_cast %get3A_223 : vector<1x512x128xbf16> to vector<512x128xbf16>
    %get3A_225 = arith.constant 1 : index
    %get3A_226 = arith.constant 0 : index
    %get3A_227 = arith.constant 0 : index
    %get3A_228 = vector.load %arg1[%get3A_225, %get3A_226, %get3A_227] : memref<2x512x128xbf16, #tpu.memory_space<vmem>>, vector<1x512x128xbf16>
    %get3A_229 = vector.shape_cast %get3A_228 : vector<1x512x128xbf16> to vector<512x128xbf16>
    %add3A_230 = arith.addf %get3A_224, %get3A_229 : vector<512x128xbf16>
    %get3A_231 = arith.constant 0 : index
    %get3A_232 = arith.constant 0 : index
    %get3A_233 = vector.load %arg2[%get3A_231, %get3A_232] : memref<512x128xbf16, #tpu.memory_space<vmem>>, vector<512x128xbf16>
    %add3A_234 = arith.addf %add3A_230, %get3A_233 : vector<512x128xbf16>
    %convert_element_type3A = arith.extf %add3A_234 : vector<512x128xbf16> to vector<512x128xf32>
    %mul3A_235 = arith.mulf %convert_element_type3A, %rsqrt3A : vector<512x128xf32>
    %get3A_236 = arith.constant 0 : index
    %get3A_237 = arith.constant 0 : index
    %get3A_238 = vector.load %arg4[%get3A_236, %get3A_237] : memref<1x128xf32, #tpu.memory_space<vmem>>, vector<1x128xf32>
    %add3A_239 = vector.broadcast %get3A_238 : vector<1x128xf32> to vector<512x128xf32>
    %add3A_240 = arith.addf %mul3A_235, %add3A_239 : vector<512x128xf32>
    %max3A = arith.constant 0.000000e+00 : f32
    %max3A_241 = vector.broadcast %max3A : f32 to vector<512x128xf32>
    %max3A_242 = arith.maximumf %add3A_240, %max3A_241 : vector<512x128xf32>
    %get3A_243 = arith.constant 0 : index
    %get3A_244 = arith.constant 0 : index
    %get3A_245 = vector.load %arg5[%get3A_243, %get3A_244] : memref<128x32xf32, #tpu.memory_space<vmem>>, vector<128x32xf32>
    %dot_general3A_246 = arith.constant dense<0.000000e+00> : vector<512x32xf32>
    %dot_general3A_247 = tpu.matmul %max3A_242, %get3A_245, %dot_general3A_246 {dimension_numbers = #tpu.dot_dimension_numbers<[1], [0], [0], [1], [0, 0, 1, 1], [], []>, transpose_lhs_hint = false} : vector<512x128xf32>, vector<128x32xf32>, vector<512x32xf32> -> vector<512x32xf32>
    %get3A_248 = arith.constant 0 : index
    %get3A_249 = arith.constant 0 : index
    %get3A_250 = vector.load %arg6[%get3A_248, %get3A_249] : memref<1x32xf32, #tpu.memory_space<vmem>>, vector<1x32xf32>
    %add3A_251 = vector.broadcast %get3A_250 : vector<1x32xf32> to vector<512x32xf32>
    %add3A_252 = arith.addf %dot_general3A_247, %add3A_251 : vector<512x32xf32>
    %logistic3A = arith.negf %add3A_252 : vector<512x32xf32>
    %logistic3A_253 = math.exp %logistic3A : vector<512x32xf32>
    %logistic3A_254 = arith.constant 1.000000e+00 : f32
    %logistic3A_255 = vector.broadcast %logistic3A_254 : f32 to vector<512x32xf32>
    %logistic3A_256 = arith.addf %logistic3A_255, %logistic3A_253 : vector<512x32xf32>
    %logistic3A_257 = arith.divf %logistic3A_255, %logistic3A_256 : vector<512x32xf32>
    %swap3A = arith.constant 0 : index
    %swap3A_258 = arith.constant 0 : index
    %swap3A_259 = vector.load %arg7[%swap3A, %swap3A_258] : memref<512x32xf32, #tpu.memory_space<vmem>>, vector<512x32xf32>
    tpu.vector_store %arg7[%swap3A, %swap3A_258], %logistic3A_257 {strides = array<i32>} : memref<512x32xf32, #tpu.memory_space<vmem>>, vector<512x32xf32>,
    return
  }
  func.func @transform_0(%arg0: i32) -> (i32, i32, i32) {
    %c0_i32 = arith.constant 0 : i32
    %c0_i32_0 = arith.constant 0 : i32
    %c0_i32_1 = arith.constant 0 : i32
    return %c0_i32, %arg0, %c0_i32_0 : i32, i32, i32
  }
  func.func @transform_1(%arg0: i32) -> (i32, i32) {
    %c0_i32 = arith.constant 0 : i32
    %c0_i32_0 = arith.constant 0 : i32
    return %arg0, %c0_i32 : i32, i32
  }
  func.func @transform_2(%arg0: i32) -> (i32, i32, i32) {
    %c0_i32 = arith.constant 0 : i32
    %c0_i32_0 = arith.constant 0 : i32
    %c0_i32_1 = arith.constant 0 : i32
    return %c0_i32, %arg0, %c0_i32_0 : i32, i32, i32
  }
  func.func @transform_3(%arg0: i32) -> (i32, i32) {
    %c0_i32 = arith.constant 0 : i32
    %c0_i32_0 = arith.constant 0 : i32
    %c0_i32_1 = arith.constant 0 : i32
    return %c0_i32, %c0_i32_0 : i32, i32
  }
  func.func @transform_4(%arg0: i32) -> (i32, i32) {
    %c0_i32 = arith.constant 0 : i32
    %c0_i32_0 = arith.constant 0 : i32
    %c0_i32_1 = arith.constant 0 : i32
    return %c0_i32, %c0_i32_0 : i32, i32
  }
  func.func @transform_5(%arg0: i32) -> (i32, i32) {
    %c0_i32 = arith.constant 0 : i32
    %c0_i32_0 = arith.constant 0 : i32
    %c0_i32_1 = arith.constant 0 : i32
    return %c0_i32, %c0_i32_0 : i32, i32
  }
  func.func @transform_6(%arg0: i32) -> (i32, i32) {
    %c0_i32 = arith.constant 0 : i32
    %c0_i32_0 = arith.constant 0 : i32
    return %arg0, %c0_i32 : i32, i32
  }
}

</mosaic_0001>

<sc_bundles>
// kernel: kernel.12.cloned.1.call-start
scs
__scs_entry_jumppad:
0x0: {  	(pc) =	sbr.rel $0x88, $3  }
0x1: {  	(tag) =	ssettag $0x0;
	lr =	simm.s32 $0x1  }
0x2: {  	[smem:$0x3F99] =	sst lr;
	_ =	strace $0xD0000000  }
0x3: {  	_ = 	snop  }
0x4: {  	_ = 	snop  }
0x5: {  	_ = 	snop  }
0x6: {  	_ = 	snop  }
0x7: {  	_ = 	snop  }
__scs_overlays_trampoline_lowered:
0x8: {  	[smem:$0x3FA8] =	sst s0  }
0x9: {  	[smem:$0x3FA9] =	sst s1  }
0xa: {  	[smem:$0x3FAA] =	sst s2  }
0xb: {  	[smem:$0x3FAB] =	sst s3  }
0xc: {  	[smem:$0x3FAC] =	sst s4  }
0xd: {  	[smem:$0x3FAD] =	sst s5  }
0xe: {  	[smem:$0x3FAE] =	sst s6  }
0xf: {  	[smem:$0x3FAF] =	sst s7  }
0x10: {  	[smem:$0x3FB0] =	sst s8  }
0x11: {  	[smem:$0x3FB1] =	sst s9;
	s0 =	simm.s32 @!p0 $0x0  }
0x12: {  	s1 =	sld [smem:$0x3F97];
	s0 =	simm.s32 @p0 $0x1  }
0x13: {  	[smem:$0x3FB2] =	sst s0;
	s0 =	simm.s32 @!p1 $0x0  }
0x14: {  	s2 =	sld [smem:$0x3F96];
	s0 =	simm.s32 @p1 $0x1  }
0x15: {  	[smem:$0x3FB3] =	sst s0;
	s0 =	simm.s32 @!p2 $0x0  }
0x16: {  	s3 =	sld [smem:$0x3FDB];
	s0 =	simm.s32 @p2 $0x1  }
0x17: {  	s4 =	simm.s32 $0x1BF5;
	[smem:$0x3FB5] =	sst s0  }
0x18: {  	s0 =	sld [smem:$0x3F98];
	_ =	swait.ge [sflag:s4], $0x0  }
0x19: {  	s7 =	sld [smem:$0x3F99]  }
0x1a: {  	s8 =	sadd.s32 $0xFFFFE003, lr  }
0x1b: {  	s9 =	sadd.s32 $0xFFFFFEF7, lr;
	s5 =	simm.s32 $0xFFFFFFFF;
	p2 =	slt.u32 s8, $0xFFFFF086  }
0x1c: {  	p1 =	slt.u32 s9, $0xF7A;
	s5 =	simm.s32 @!p2 $0x0  }
0x1d: {  	s5 =	simm.s32 @p1 $0x1;
	p0 =	seq.s32 s7, s2  }
0x1e: {  	s7 =	smul.u32 @!p0 $0xF7A, s2;
	p2 =	seq.s32 @!p0 s5, $0x0  }
0x1f: {  	s9 =	smul.u32 $0xF7A, s1;
	s8 =	simm.s32 @!p0 $0x1BF5;
	p2 =	por !p2, p0  }
0x20: {  	[sflag:s8] =	ssyncset.s32 @!p0 $0xFFFFF086;
	s6 =	sadd.s32 @!p0 s3, s7;
	s7 =	simm.s32 @!p0 $0x108  }
0x21: {  	s3 =	sadd.s32 s3, s9;
	s6 =	sadd.s32 @!p0 $0x88, s6;
	s7 =	simm.s32 @p2 $0x1082  }
0x22: {  	[simem:s7], [sflag:s8] =	dma.local @!p0 [hbm:s6], $0xF7A  }
0x23: {  	s9 =	sor.u32 $0xD0000000, s2;
	s6 =	simm.s32 $0x108;
	_ =	swait.ge @!p0 [sflag:s8], $0x0  }
0x24: {  	s3 =	sadd.s32 $0x88, s3;
	s6 =	simm.s32 @!p1 $0x1082;
	[sflag:s4] =	ssyncset.s32 $0xFFFFF086  }
0x25: {  	[simem:s6], [sflag:s4] =	dma.local [hbm:s3], $0xF7A  }
0x26: {  	[smem:$0x3F99] =	sst s1;
	(tag) =	ssettag s2;
	_ =	strace s9  }
0x27: {  	s1 =	sld [smem:$0x3FA9]  }
0x28: {  	s2 =	sld [smem:$0x3FAA]  }
0x29: {  	s4 =	sld [smem:$0x3FAC]  }
0x2a: {  	p0 =	seq.s32 s5, $0x0;
	s5 =	sld [smem:$0x3FAD]  }
0x2b: {  	s6 =	sld [smem:$0x3FAE]  }
0x2c: {  	s7 =	sld [smem:$0x3FAF]  }
0x2d: {  	s3 =	simm.s32 $0x108;
	s8 =	sld [smem:$0x3FB0]  }
0x2e: {  	s3 =	simm.s32 @!p0 $0x1082;
	s9 =	sld [smem:$0x3FB1]  }
0x2f: {  	lr =	sadd.s32 s0, s3;
	s0 =	sld [smem:$0x3FA8]  }
0x30: {  	s3 =	sld [smem:$0x3FAB]  }
0x31: {  	[smem:$0x3FB4] =	sst s10  }
0x32: {  	s10 =	sld [smem:$0x3FB2];
	_ =	sdelay $0x3  }
0x33: {  	p0 =	seq.s32 s10, $0x1;
	s10 =	sld [smem:$0x3FB4];
	_ =	sdelay $0x3  }
0x34: {  	[smem:$0x3FB4] =	sst s10  }
0x35: {  	s10 =	sld [smem:$0x3FB3];
	_ =	sdelay $0x3  }
0x36: {  	p1 =	seq.s32 s10, $0x1;
	s10 =	sld [smem:$0x3FB4];
	_ =	sdelay $0x3  }
0x37: {  	[smem:$0x3FB4] =	sst s10  }
0x38: {  	s10 =	sld [smem:$0x3FB5]  }
0x39: {  	_ = 	snop;
	(pc) =	sbr.ind lr, $3  }
0x3a: {  	_ = 	snop  }
0x3b: {  	_ = 	snop  }
0x3c: {  	p2 =	seq.s32 s10, $0x1;
	s10 =	sld [smem:$0x3FB4]  }
0x3d: {  	_ =	shalt  }
0x3e: {  	_ =	shalt  }
0x3f: {  	_ =	shalt  }
0x40: {  	_ =	shalt  }
0x41: {  	_ =	shalt  }
0x42: {  	_ =	shalt  }
0x43: {  	_ =	shalt  }
0x44: {  	_ =	shalt  }
0x45: {  	_ =	shalt  }
0x46: {  	_ =	shalt  }
0x47: {  	_ =	shalt  }
0x48: {  	_ =	shalt  }
0x49: {  	_ =	shalt  }
0x4a: {  	_ =	shalt  }
0x4b: {  	_ =	shalt  }
0x4c: {  	_ =	shalt  }
0x4d: {  	_ =	shalt  }
0x4e: {  	_ =	shalt  }
0x4f: {  	_ =	shalt  }
0x50: {  	_ =	shalt  }
0x51: {  	_ =	shalt  }
0x52: {  	_ =	shalt  }
0x53: {  	_ =	shalt  }
0x54: {  	_ =	shalt  }
0x55: {  	_ =	shalt  }
0x56: {  	_ =	shalt  }
0x57: {  	_ =	shalt  }
0x58: {  	_ =	shalt  }
0x59: {  	_ =	shalt  }
0x5a: {  	_ =	shalt  }
0x5b: {  	_ =	shalt  }
0x5c: {  	_ =	shalt  }
0x5d: {  	_ =	shalt  }
0x5e: {  	_ =	shalt  }
0x5f: {  	_ =	shalt  }
0x60: {  	_ =	shalt  }
0x61: {  	_ =	shalt  }
0x62: {  	_ =	shalt  }
0x63: {  	_ =	shalt  }
0x64: {  	_ =	shalt  }
0x65: {  	_ =	shalt  }
0x66: {  	_ =	shalt  }
0x67: {  	_ =	shalt  }
0x68: {  	_ =	shalt  }
0x69: {  	_ =	shalt  }
0x6a: {  	_ =	shalt  }
0x6b: {  	_ =	shalt  }
0x6c: {  	_ =	shalt  }
0x6d: {  	_ =	shalt  }
0x6e: {  	_ =	shalt  }
0x6f: {  	_ =	shalt  }
0x70: {  	_ =	shalt  }
0x71: {  	_ =	shalt  }
0x72: {  	_ =	shalt  }
0x73: {  	_ =	shalt  }
0x74: {  	_ =	shalt  }
0x75: {  	_ =	shalt  }
0x76: {  	_ =	shalt  }
0x77: {  	_ =	shalt  }
0x78: {  	_ =	shalt  }
0x79: {  	_ =	shalt  }
0x7a: {  	_ =	shalt  }
0x7b: {  	_ =	shalt  }
0x7c: {  	_ =	shalt  }
0x7d: {  	_ =	shalt  }
0x7e: {  	_ =	shalt  }
0x7f: {  	_ =	shalt  }
0x80: {  	_ =	shalt  }
0x81: {  	_ =	shalt  }
0x82: {  	_ =	shalt  }
0x83: {  	_ =	shalt  }
0x84: {  	_ =	shalt  }
0x85: {  	_ =	shalt  }
0x86: {  	_ =	shalt  }
0x87: {  	_ =	shalt  }
.Lfunc_end0:
.L_simem_size_0:
called_computation.1_lowered:
.L_overlay_start_0:
0x88: {  	s2 =	sld [smem:$0x3FD9]  }
0x89: {  	s3 =	sld [smem:$0x3FFE];
	_ =	sdelay $0x1  }
0x8a: {  	s1 =	srdreg.scid  }
0x8b: {  	s0 =	sand.u32 $0x1, s1  }
0x8c: {  	s16 =	sshll.u32 s0, $0xA;
	s2 =	sadd.s32 s3, s2  }
0x8d: {  	s2 =	sadd.s32 s2, s16  }
0x8e: {  	[smem:$0x3FC0] =	sst s2  }
0x8f: {  	_ = 	snop  }
0x90: {  	(tm) =	ssettm $0x1  }
0x91: {  	s17 =	sld [smem:$0x3FFB];
	_ =	sdelay $0x3  }
0x92: {  	_ =	strace s17  }
0x93: {  	s2 =	sld [smem:$0x3FFC];
	_ =	sdelay $0x3  }
0x94: {  	_ =	strace s2  }
0x95: {  	s2 =	sld [smem:$0x3FFD];
	_ =	sdelay $0x3  }
0x96: {  	_ =	strace s2  }
0x97: {  	_ =	strace $0x8FFFFFFF  }
0x98: {  	s18 =	sld [smem:$0x3FDB];
	_ =	sdelay $0x1  }
0x99: {  	s19 =	simm.s32 $_scs_section_size  }
0x9a: {  	s4 =	simm.s32 $_size__tile_overlayer_lowered;
	s5 =	simm.s32 $_tile_overlayer_lowered  }
0x9b: {  	s22 =	simm.s32 $0x1BFF;
	s21 =	sshll.u32 s5, $0x1;
	s2 =	sadd.s32 s19, s18  }
0x9c: {  	s6 =	simm.s32 $0x0;
	s20 =	sshll.u32 s4, $0x1;
	s4 =	sadd.s32 s21, s2  }
0x9d: {  	[timem:s6], [sflag:s22] =	dma.local [hbm:s4], s20  }
0x9e: {  	_ =	swait.ge [sflag:s22], s20  }
0x9f: {  	s3 =	ssub.s32 $0x0, s20;
	[sflag:s22] =	ssyncset.done $0x0  }
0xa0: {  	[sflag:s22] =	ssyncadd.s32 s3;
	_ =	sdelay $0x1  }
0xa1: {  	s23 =	simm.s32 $0x1B8B  }
0xa2: {  	_ =	swait.ge [sflag:s23], $0x1  }
0xa3: {  	[sflag:s23] =	ssyncset.done $0x0  }
0xa4: {  	s25 =	simm.s32 $0x1B8E;
	s24 =	sld [smem:$0x3FFE];
	[sflag:s23] =	ssyncadd.s32 $0xFFFFFFFF  }
0xa5: {  	s26 =	simm.s32 $execute0_lowered;
	[smem:$0x3FD2] =	sst s25  }
0xa6: {  	s4 =	sshll.u32 s26, $0x1;
	_ =	strace $0x80000049;
	[dreg:$0x1] =	wrdreg $0xFFFFFFFF  }
0xa7: {  	s28 =	simm.s32 $_size_execute0_lowered;
	s2 =	sadd.s32 s2, s4;
	[dreg:$0x0] =	wrdreg $0x0  }
0xa8: {  	s4 =	sshll.u32 s28, $0x1;
	[dreg:$0x2] =	wrdreg s2  }
0xa9: {  	[dreg:$0x3] =	wrdreg s4  }
0xaa: {  	[dreg:$0x4] =	wrdreg $0xC0  }
0xab: {  	_ =	task [dreg:s6], $0x5FFFF  }
0xac: {  	[dreg:$0x1] =	wrdreg $0xFFFFFFFF  }
0xad: {  	[dreg:$0x0] =	wrdreg $0x60  }
0xae: {  	[dreg:$0x2] =	wrdreg s24  }
0xaf: {  	[dreg:$0x3] =	wrdreg $0xAF000  }
0xb0: {  	[dreg:$0x4] =	wrdreg $0x9  }
0xb1: {  	_ =	task.clear_ibuf [dreg:s6], $0x5FFFF;
	_ =	strace $0x90000049  }
0xb2: {  	s29 =	simm.s32 $0x9;
	_ =	strace $0x8000004B  }
0xb3: {  	_ =	swait.ge [sflag:s29], $0x1  }
0xb4: {  	[sflag:s29] =	ssyncadd.s32 $0xFFFFFFFF  }
0xb5: {  	_ =	strace $0x9000004B  }
0xb6: {  	_ =	sfence  }
0xb7: {  	s30 =	sld [smem:$0x0];
	_ =	sdelay $0x2  }
0xb8: {  	s31 =	sshll.u32 s1, $0xD;
	s1 =	sshrl.u32 s1, $0x2  }
0xb9: {  	s3 =	sand.u32 $0x4000, s31;
	s1 =	sadd.s32 s1, s30  }
0xba: {  	s0 =	sor.u32 s3, s0;
	s1 =	sshll.u32 s1, $0x11  }
0xbb: {  	s0 =	sor.u32 s1, s0  }
0xbc: {  	s0 =	sadd.s32 $0x8F2B, s0  }
0xbd: {  	[sflag:s0] =	ssyncadd.remote.s32 $0x1  }
0xbe: {  	_ =	sfence.sel $0xFFFF  }
0xbf: {  	[dreg:$0x0] =	wrdreg $0xFFFFFFFF;
	(pc) =	sbr.abs _section_cstart, $3  }
0xc0: {  	[dreg:$0x1] =	wrdreg $0xFFFFFFFF  }
0xc1: {  	_ =	task.clear_ibuf [dreg:s6], $0x2FFFF;
	_ =	strace $0x9FFFFFFF  }
0xc2: {  	(tm) =	ssettm $0x7FFFFFFF  }
0xc3: {  	_ =	shalt  }
tec
execute0_lowered:
.L_overlay_start_1:
0x0: {  	(tag) =	ssettag $0x1  }
0x1: {  	s0 =	rddreg [dreg:$0x0]  }
0x2: {  	s2 =	rddreg [dreg:$0x1];
	s1 =	srdreg.scid  }
0x3: {  	s3 =	stileid.u32;
	s4 =	simm.s32 $0x0;
	s19 =	simm.s32 $0x80  }
0x4: {  	s31 =	simm.s32 $0x0;
	s1 =	sand.u32 $0x1, s1;
	s8 =	smul.u32 $0x5000, s3  }
0x5: {  	[smem:$0x7FF] =	sst s4;
	s4 =	sadd.s32 $0x15C00, s0;
	s10 =	sadd.s32 $0x2200, s0  }
0x6: {  	s21 =	sadd.s32 $0x1FE00, s0;
	s24 =	smul.u32 $0x4F, s3;
	s25 =	sshll.u32 s3, $0x6  }
0x7: {  	s29 =	sadd.s32 $0xBB10, s0;
	s5 =	smul.u32 $0x50000, s1;
	s6 =	sshll.u32 s1, $0x4  }
0x8: {  	s9 =	ssub.s32 $0x2, s1;
	s1 =	smul.u32 $0x4F0, s1;
	s17 =	sor.u32 s3, s6  }
0x9: {  	_ =	strace $0x8000004A;
	[dreg:$0x3] =	wrdreg s21;
	s23 =	smul.u32 $0xFFFFFFB1, s17  }
0xa: {  	[dreg:$0x6] =	wrdreg s29;
	s12 =	sshrl.u32 s9, $0x1;
	s11 =	smul.u32 $0x4F0, s17  }
0xb: {  	s7 =	sadd.s32 s8, s5;
	s14 =	smul.u32 $0x2780, s17;
	s15 =	ssub.s32 s9, s12  }
0xc: {  	s8 =	sshrl.u32 s8, $0x1;
	s1 =	sadd.s32 s1, s24;
	s12 =	sadd.s32 $0x15750, s0  }
0xd: {  	p0 =	seq.s32 s17, $0x1F;
	s22 =	sshrl.u32 s7, $0x4;
	s18 =	sadd.s32 s8, s2  }
0xe: {  	s8 =	sor.u32 $0x1C19, s25;
	s1 =	ssub.s32 $0x9C4, s1;
	s13 =	sadd.s32 s22, s0  }
0xf: {  	s6 =	sadd.s32 $0x9C4, s23;
	s14 =	sshrl.u32 s14, $0x3;
	s26 =	sadd.s32 s10, s11  }
0x10: {  	s30 =	smin.u32 s1, $0x4F;
	s17 =	sshrl.u32 s18, $0x3;
	s18 =	simm.s32 $0x19  }
0x11: {  	s7 =	smin.u32 s6, $0x4F;
	[dreg:$0x4] =	wrdreg s26;
	s10 =	sadd.s32 s10, s14  }
0x12: {  	s13 =	sadd.s32 $0x20400, s13;
	s14 =	smax.u32 s15, $0x1;
	s28 =	sadd.s32 $0x9C40, s10  }
0x13: {  	s15 =	sadd.s32 $0x1, s30;
	s16 =	sadd.s32 $0xFFFFFFF4, s30;
	[dreg:$0x5] =	wrdreg s28  }
.LBB2_1:
0x14: {  	s0 =	rddreg [dreg:$0x3]  }
0x15: {  	[spmem:s17], [sflag:s8] =	dma.local [hbm:s0], $0x500  }
0x16: {  	_ =	swait.ge [sflag:s18], $0x500  }
0x17: {  	[sflag:s18] =	ssyncset.done $0x0  }
0x18: {  	s0 =	simm.s32 @p0 $0x0;
	s1 =	rddreg [dreg:$0x6];
	[sflag:s18] =	ssyncadd.s32 $0xFFFFFB00  }
0x19: {  	[tilespmem:s0], [sflag:$0x19] =	stream.linear.gather @p0 [hbm4b:s1+s0], $0x1980, $0x38;
	[tilespmem:$0xD700] =	vst v63  }
0x1a: {  	s1 =	simm.s32 @p0 $0x19  }
0x1b: {  	_ =	swait.ge @p0 [sflag:s1], $0x1980  }
0x1c: {  	[sflag:s1] =	ssyncset.done @p0 $0x0  }
0x1d: {  	s20 =	simm.s32 @p0 $0x2780;
	[sflag:s1] =	ssyncadd.s32 @p0 $0xFFFFE680  }
0x1e: {  	[tilespmem:s20], [sflag:$0x19] =	stream.linear.gather @p0 [hbm4b:s12+s0], $0x1980, $0x38;
	[tilespmem:$0xD700] =	vst v63  }
0x1f: {  	_ =	swait.ge @p0 [sflag:s1], $0x1980  }
0x20: {  	[sflag:s1] =	ssyncset.done @p0 $0x0  }
0x21: {  	s0 =	simm.s32 @!p0 $0x0;
	[sflag:s1] =	ssyncadd.s32 @p0 $0xFFFFE680;
	s1 =	rddreg [dreg:$0x4]  }
0x22: {  	[tilespmem:s0], [sflag:$0x19] =	stream.linear.gather @!p0 [hbm4b:s1+s0], $0x2780, $0x38;
	[tilespmem:$0xD700] =	vst v63  }
0x23: {  	s1 =	simm.s32 @!p0 $0x19  }
0x24: {  	s21 =	simm.s32 $0x5700;
	_ =	swait.ge @!p0 [sflag:s1], $0x2780  }
0x25: {  	s22 =	simm.s32 $0x100;
	s23 =	simm.s32 $0x5F00;
	[sflag:s1] =	ssyncset.done @!p0 $0x0  }
0x26: {  	s20 =	simm.s32 @!p0 $0x2780;
	s3 =	rddreg [dreg:$0x5];
	[sflag:s1] =	ssyncadd.s32 @!p0 $0xFFFFD880  }
0x27: {  	[tilespmem:s20], [sflag:$0x19] =	stream.linear.gather @!p0 [hbm4b:s3+s0], $0x2780, $0x38;
	[tilespmem:$0xD700] =	vst v63  }
0x28: {  	s24 =	simm.s32 $0x180;
	p1 =	sle.u32 s6, $0x0;
	_ =	swait.ge @!p0 [sflag:s1], $0x2780  }
0x29: {  	s25 =	simm.s32 $0x6700;
	p2 =	sle.u32 @!p1 s7, $0x6;
	[sflag:s1] =	ssyncset.done @!p0 $0x0  }
0x2a: {  	s26 =	simm.s32 $0x200;
	p3 =	por p2, p1;
	[sflag:s1] =	ssyncadd.s32 @!p0 $0xFFFFD880  }
0x2b: {  	s0 =	simm.s32 $0x0;
	s20 =	simm.s32 $0x4F00;
	[bflag:$0x0] =	sbarrier.arrive $0xFFFF  }
0x2c: {  	[tilespmem:s20], [sflag:$0x1] =	stream.indirect.gather [hbm4b:s4+s19], $0x10, s0, s19, $0xb8;
	[tilespmem:$0xD700] =	vst v63  }
0x2d: {  	s28 =	simm.s32 $0x6F00;
	p4 =	por @!p3 $0x1, $0x1;
	s0 =	smul.u32 @!p1 $0xAB, s0  }
0x2e: {  	[tilespmem:s21], [sflag:$0x2] =	stream.indirect.gather [hbm4b:s4+s19], $0x10, s19, s19, $0xb8;
	[tilespmem:$0xD700] =	vst v63  }
0x2f: {  	s29 =	simm.s32 $0x280;
	p2 =	por @!p1 p4, p2;
	s1 =	sshrl.u32 @!p1 s0, $0xB  }
0x30: {  	s30 =	simm.s32 $0x7700;
	p2 =	por p2, p1;
	s1 =	sand.u32 @!p1 $0x1F, s1  }
0x31: {  	[tilespmem:s23], [sflag:$0x3] =	stream.indirect.gather [hbm4b:s4+s19], $0x10, s22, s19, $0xb8;
	[tilespmem:$0xD700] =	vst v63  }
0x32: {  	s20 =	simm.s32 $0x300;
	s0 =	sadd.s32 @!p1 $0x402, s0;
	s23 =	smul.u32 @!p1 $0xC, s1  }
0x33: {  	[tilespmem:s25], [sflag:$0x4] =	stream.indirect.gather [hbm4b:s4+s19], $0x10, s24, s19, $0xb8;
	[tilespmem:$0xD700] =	vst v63  }
0x34: {  	s21 =	simm.s32 $0x2780;
	s0 =	sshrl.u32 @!p1 s0, $0xB;
	s23 =	ssub.s32 @!p1 $0x0, s23  }
0x35: {  	s0 =	sand.u32 @!p1 $0x1F, s0;
	s1 =	simm.s32 $0x1;
	s23 =	sand.u32 @!p1 $0xFF, s23  }
0x36: {  	[tilespmem:s28], [sflag:$0x5] =	stream.indirect.gather [hbm4b:s4+s19], $0x10, s26, s19, $0xb8;
	[tilespmem:$0xD700] =	vst v63  }
0x37: {  	s22 =	simm.s32 $0x2;
	s0 =	smul.u32 @!p1 $0xC, s0;
	s26 =	sadd.s32 @!p1 $0x1, s23  }
0x38: {  	[tilespmem:s30], [sflag:$0x6] =	stream.indirect.gather [hbm4b:s4+s19], $0x10, s29, s19, $0xb8;
	[tilespmem:$0xD700] =	vst v63  }
0x39: {  	s0 =	ssub.s32 @!p1 $0x6, s0;
	s25 =	sshll.u32 @!p1 s23, $0xB;
	_ =	swait.ge @!p1 [sflag:s26], $0x800  }
0x3a: {  	s23 =	sadd.s32 @!p1 $0xD, s23;
	s24 =	sand.u32 @!p1 $0xFF, s0;
	[sflag:s26] =	ssyncset.done @!p1 $0x0  }
0x3b: {  	s0 =	sadd.s32 @!p1 $0x4F00, s25;
	s25 =	simm.s32 @!p1 $0x80;
	[sflag:s26] =	ssyncadd.s32 @!p1 $0xFFFFF800  }
0x3c: {  	[spmem:s2] =	stream.indirect.scatter.add.bf16 @!p1 [tilespmem:s0], [sflag:s23], $0x10, s21, s25, $0xb8;
	[tilespmem:$0xD700] =	vst v63  }
0x3d: {  	s0 =	simm.s32 $0x380;
	s21 =	simm.s32 $0x2800;
	s23 =	sadd.s32 @!p2 $0xD, s24  }
0x3e: {  	p1 =	sle.u32 s6, $0x1;
	s25 =	sshll.u32 @!p3 s24, $0xB;
	_ =	swait.ge @!p2 [sflag:s23], $0x800  }
.LBB2_2:
0x3f: {  	s26 =	smul.u32 @!p1 $0xAB, s1  }
0x40: {  	s28 =	sadd.s32 @!p3 $0x1, s24;
	s29 =	smov.u32 s1;
	s1 =	smov.u32 s22  }
0x41: {  	s22 =	sadd.s32 $0x1, s22;
	s30 =	smov.u32 s20;
	p5 =	por p3, p3  }
0x42: {  	s20 =	smov.u32 s0;
	s3 =	smov.u32 s21;
	p4 =	sne.s32 s22, $0x4F  }
0x43: {  	s0 =	sadd.s32 $0x80, s0;
	s24 =	sshrl.u32 @!p1 s26, $0xB;
	s26 =	sadd.s32 @!p1 $0x402, s26  }
0x44: {  	s21 =	sadd.s32 $0x80, s21;
	s24 =	sand.u32 @!p1 $0x1F, s24;
	s26 =	sshrl.u32 @!p1 s26, $0xB  }
0x45: {  	s5 =	simm.s32 @!p5 $0x80;
	s24 =	smul.u32 @!p1 $0xC, s24;
	s26 =	sand.u32 @!p1 $0x1F, s26  }
0x46: {  	s9 =	sadd.s32 @!p1 $0x6, s29;
	s25 =	sadd.s32 @!p5 $0x4F00, s25;
	s26 =	smul.u32 @!p1 $0xC, s26  }
0x47: {  	p6 =	sge.u32 @!p1 s9, s7;
	s24 =	ssub.s32 @!p1 s29, s24;
	[sflag:s23] =	ssyncset.done @!p2 $0x0  }
0x48: {  	p3 =	por p6, p1;
	s24 =	sand.u32 @!p1 $0xFF, s24;
	s9 =	ssub.s32 @!p1 s9, s26  }
0x49: {  	s26 =	sshll.u32 @!p1 s24, $0xB;
	s10 =	sadd.s32 @!p1 $0x1, s24;
	[sflag:s23] =	ssyncadd.s32 @!p2 $0xFFFFF800  }
0x4a: {  	s11 =	sadd.s32 @!p1 $0xD, s24;
	s24 =	sand.u32 @!p1 $0xFF, s9;
	p2 =	slt.u32 @!p3 s29, $0x6  }
0x4b: {  	[tilespmem:s25], [sflag:s28] =	stream.indirect.gather @!p5 [hbm4b:s4+s5], $0x10, s30, s5, $0xb8;
	[tilespmem:$0xD700] =	vst v63  }
.Ltmp0:
0x4c: {  	p2 =	por @!p1 p2, p6;
	_ =	swait.ge @!p1 [sflag:s10], $0x800;
	(pc) =	sbr.rel @p4 .LBB2_2-.Ltmp0, $4  }
0x4d: {  	s5 =	sadd.s32 @!p1 $0x4F00, s26;
	p2 =	por p2, p1;
	[sflag:s10] =	ssyncset.done @!p1 $0x0  }
0x4e: {  	s9 =	simm.s32 @!p1 $0x80;
	s23 =	sadd.s32 @!p2 $0xD, s24;
	[sflag:s10] =	ssyncadd.s32 @!p1 $0xFFFFF800  }
0x4f: {  	[spmem:s2] =	stream.indirect.scatter.add.bf16 @!p1 [tilespmem:s5], [sflag:s11], $0x10, s3, s9, $0xb8;
	[tilespmem:$0xD700] =	vst v63  }
0x50: {  	s25 =	sshll.u32 @!p3 s24, $0xB;
	p1 =	sle.u32 s6, s1;
	_ =	swait.ge @!p2 [sflag:s23], $0x800  }
0x51: {  	s3 =	smul.u32 @!p1 $0xAB, s1;
	s9 =	sadd.s32 @!p3 $0x1, s24;
	p4 =	por p3, p3  }
0x52: {  	s11 =	sadd.s32 @!p1 $0x6, s1;
	[sflag:s23] =	ssyncset.done @!p2 $0x0;
	s10 =	simm.s32 @!p4 $0x80  }
0x53: {  	s22 =	sadd.s32 @!p4 $0x4F00, s25;
	[sflag:s23] =	ssyncadd.s32 @!p2 $0xFFFFF800;
	s5 =	sshrl.u32 @!p1 s3, $0xB  }
0x54: {  	[tilespmem:s22], [sflag:s9] =	stream.indirect.gather @!p4 [hbm4b:s4+s10], $0x10, s20, s10, $0xb8;
	[tilespmem:$0xD700] =	vst v63  }
0x55: {  	s28 =	smulhi.u32 $0xAAAAAAAB, s16;
	p5 =	sge.u32 @!p1 s11, s7;
	s5 =	sand.u32 @!p1 $0x1F, s5  }
0x56: {  	s3 =	sadd.s32 @!p1 $0x402, s3;
	p3 =	por p5, p1;
	s5 =	smul.u32 @!p1 $0xC, s5  }
0x57: {  	s9 =	simm.s32 @!p1 $0x80;
	s29 =	sshrl.u32 s28, $0x3;
	s3 =	sshrl.u32 @!p1 s3, $0xB  }
0x58: {  	p2 =	slt.u32 @!p3 s1, $0x6;
	s3 =	sand.u32 @!p1 $0x1F, s3;
	s5 =	ssub.s32 @!p1 s1, s5  }
0x59: {  	p2 =	por @!p1 p2, p5;
	s3 =	smul.u32 @!p1 $0xC, s3;
	s5 =	sand.u32 @!p1 $0xFF, s5  }
0x5a: {  	s20 =	sadd.s32 $0x1, s16;
	p2 =	por p2, p1;
	s24 =	sadd.s32 @!p1 $0x1, s5  }
0x5b: {  	s3 =	ssub.s32 @!p1 s11, s3;
	s11 =	sshll.u32 @!p1 s5, $0xB;
	_ =	swait.ge @!p1 [sflag:s24], $0x800  }
0x5c: {  	s5 =	sadd.s32 @!p1 $0xD, s5;
	s1 =	sand.u32 @!p1 $0xFF, s3;
	[sflag:s24] =	ssyncset.done @!p1 $0x0  }
0x5d: {  	s3 =	sadd.s32 @!p1 $0x4F00, s11;
	s10 =	sadd.s32 @!p2 $0xD, s1;
	[sflag:s24] =	ssyncadd.s32 @!p1 $0xFFFFF800  }
0x5e: {  	[spmem:s2] =	stream.indirect.scatter.add.bf16 @!p1 [tilespmem:s3], [sflag:s5], $0x10, s21, s9, $0xb8;
	[tilespmem:$0xD700] =	vst v63  }
0x5f: {  	s30 =	smul.u32 $0xFFFFFFD0, s29;
	s3 =	sshll.u32 @!p3 s1, $0xB;
	_ =	swait.ge @!p2 [sflag:s10], $0x800  }
0x60: {  	p1 =	por p3, p3;
	s1 =	sadd.s32 @!p3 $0x1, s1;
	[sflag:s10] =	ssyncset.done @!p2 $0x0  }
0x61: {  	s5 =	simm.s32 @!p1 $0x80;
	s3 =	sadd.s32 @!p1 $0x4F00, s3;
	[sflag:s10] =	ssyncadd.s32 @!p2 $0xFFFFF800  }
0x62: {  	[tilespmem:s3], [sflag:s1] =	stream.indirect.gather @!p1 [hbm4b:s4+s5], $0x10, s0, s5, $0xb8;
	[tilespmem:$0xD700] =	vst v63  }
0x63: {  	s21 =	sshra.s32 s30, $0x2;
	s0 =	simm.s32 $0xB;
	s1 =	smov.u32 s15  }
.LBB2_4:
0x64: {  	s3 =	smulhi.u32 $0xAAAAAAAB, s20;
	s5 =	sadd.s32 s21, s1;
	p1 =	sne.s32 s0, $0x1  }
.Ltmp1:
0x65: {  	s0 =	sadd.s32 $0xFFFFFFFF, s0;
	_ =	swait.ge [sflag:s5], $0x800;
	(pc) =	sbr.rel @p1 .LBB2_4-.Ltmp1, $3  }
0x66: {  	s3 =	sshrl.u32 s3, $0x3;
	[sflag:s5] =	ssyncset.done $0x0  }
0x67: {  	s3 =	smul.u32 $0xFFFFFFD0, s3;
	[sflag:s5] =	ssyncadd.s32 $0xFFFFF800;
	_ =	sdelay $0x1  }
0x68: {  	s20 =	sadd.s32 $0x1, s20;
	s1 =	sadd.s32 $0x1, s1;
	s21 =	sshra.s32 s3, $0x2  }
0x69: {  	s0 =	sadd.s32 s21, s1  }
0x6a: {  	_ =	swait.ge [sflag:s0], $0x800  }
0x6b: {  	s31 =	sadd.s32 $0x1, s31;
	[sflag:s0] =	ssyncset.done $0x0  }
0x6c: {  	p1 =	sne.s32 s31, s14;
	[sflag:s0] =	ssyncadd.s32 $0xFFFFF800  }
.Ltmp2:
0x6d: {  	[bflag:$0x0] =	sbarrier.arrive $0xFFFF;
	(pc) =	sbr.rel @p1 .LBB2_1-.Ltmp2, $4  }
0x6e: {  	[hbm:s13], [sflag:s8] =	dma.local [spmem:s17], $0x500  }
0x6f: {  	_ =	swait.ge [sflag:s18], $0x500  }
0x70: {  	[sflag:s18] =	ssyncset.done $0x0  }
0x71: {  	[sflag:s18] =	ssyncadd.s32 $0xFFFFFB00  }
0x72: {  	_ =	sfence.sel $0x180000  }
0x73: {  	[bflag:$0x0] =	sbarrier.arrive $0xFFFF  }
0x74: {  	_ =	strace $0x9000004A  }
0x75: {  	s0 =	stileid.u32;
	[bflag:$0x2] =	sbarrier.arrive $0xFFFF  }
0x76: {  	p0 =	sne.s32 s0, $0x0;
	s0 =	rddreg [dreg:$0x2]  }
0x77: {  	s0 =	sadd.s32 @!p0 $0x100000, s0  }
0x78: {  	[sflag:s0] =	ssyncadd.tile.s32 @!p0 $0x1;
	_ =	shalt  }
.Lfunc_end2:
_tile_overlayer_lowered:
.L_overlay_start_2:
0x79: {  	(tag) =	ssettag $0x2  }
0x7a: {  	s0 =	rddreg [dreg:$0x0];
	s2 =	stileid.u32  }
0x7b: {  	s1 =	rddreg [dreg:$0x1];
	p0 =	sne.s32 s2, $0x0  }
0x7c: {  	s3 =	rddreg [dreg:$0x2];
	[bflag:$0x3] =	sbarrier.arrive $0xFFFF;
	s2 =	simm.s32 @!p0 $0x1C19  }
0x7d: {  	[timem:s3], [sflag:s2] =	dma.local @!p0 [hbm:s0], s1  }
0x7e: {  	s0 =	simm.s32 @!p0 $0x19  }
0x7f: {  	_ =	swait.ge @!p0 [sflag:s0], s1  }
0x80: {  	s1 =	ssub.s32 @!p0 $0x0, s1;
	[sflag:s0] =	ssyncset.done @!p0 $0x0  }
0x81: {  	[sflag:s0] =	ssyncadd.s32 @!p0 s1  }
0x82: {  	[bflag:$0x3] =	sbarrier.arrive $0xFFFF  }
0x83: {  	_ =	shalt  }

// kernel: kernel.15.cloned.1.call-start
scs
__scs_entry_jumppad:
0x0: {  	(pc) =	sbr.rel $0x88, $3  }
0x1: {  	(tag) =	ssettag $0x0;
	lr =	simm.s32 $0x1  }
0x2: {  	[smem:$0x3F99] =	sst lr;
	_ =	strace $0xD0000000  }
0x3: {  	_ = 	snop  }
0x4: {  	_ = 	snop  }
0x5: {  	_ = 	snop  }
0x6: {  	_ = 	snop  }
0x7: {  	_ = 	snop  }
__scs_overlays_trampoline_lowered:
0x8: {  	[smem:$0x3FA8] =	sst s0  }
0x9: {  	[smem:$0x3FA9] =	sst s1  }
0xa: {  	[smem:$0x3FAA] =	sst s2  }
0xb: {  	[smem:$0x3FAB] =	sst s3  }
0xc: {  	[smem:$0x3FAC] =	sst s4  }
0xd: {  	[smem:$0x3FAD] =	sst s5  }
0xe: {  	[smem:$0x3FAE] =	sst s6  }
0xf: {  	[smem:$0x3FAF] =	sst s7  }
0x10: {  	[smem:$0x3FB0] =	sst s8  }
0x11: {  	[smem:$0x3FB1] =	sst s9;
	s0 =	simm.s32 @!p0 $0x0  }
0x12: {  	s1 =	sld [smem:$0x3F97];
	s0 =	simm.s32 @p0 $0x1  }
0x13: {  	[smem:$0x3FB2] =	sst s0;
	s0 =	simm.s32 @!p1 $0x0  }
0x14: {  	s2 =	sld [smem:$0x3F96];
	s0 =	simm.s32 @p1 $0x1  }
0x15: {  	[smem:$0x3FB3] =	sst s0;
	s0 =	simm.s32 @!p2 $0x0  }
0x16: {  	s3 =	sld [smem:$0x3FDB];
	s0 =	simm.s32 @p2 $0x1  }
0x17: {  	s4 =	simm.s32 $0x1BF5;
	[smem:$0x3FB5] =	sst s0  }
0x18: {  	s0 =	sld [smem:$0x3F98];
	_ =	swait.ge [sflag:s4], $0x0  }
0x19: {  	s7 =	sld [smem:$0x3F99]  }
0x1a: {  	s8 =	sadd.s32 $0xFFFFE003, lr  }
0x1b: {  	s9 =	sadd.s32 $0xFFFFFEF7, lr;
	s5 =	simm.s32 $0xFFFFFFFF;
	p2 =	slt.u32 s8, $0xFFFFF086  }
0x1c: {  	p1 =	slt.u32 s9, $0xF7A;
	s5 =	simm.s32 @!p2 $0x0  }
0x1d: {  	s5 =	simm.s32 @p1 $0x1;
	p0 =	seq.s32 s7, s2  }
0x1e: {  	s7 =	smul.u32 @!p0 $0xF7A, s2;
	p2 =	seq.s32 @!p0 s5, $0x0  }
0x1f: {  	s9 =	smul.u32 $0xF7A, s1;
	s8 =	simm.s32 @!p0 $0x1BF5;
	p2 =	por !p2, p0  }
0x20: {  	[sflag:s8] =	ssyncset.s32 @!p0 $0xFFFFF086;
	s6 =	sadd.s32 @!p0 s3, s7;
	s7 =	simm.s32 @!p0 $0x108  }
0x21: {  	s3 =	sadd.s32 s3, s9;
	s6 =	sadd.s32 @!p0 $0x88, s6;
	s7 =	simm.s32 @p2 $0x1082  }
0x22: {  	[simem:s7], [sflag:s8] =	dma.local @!p0 [hbm:s6], $0xF7A  }
0x23: {  	s9 =	sor.u32 $0xD0000000, s2;
	s6 =	simm.s32 $0x108;
	_ =	swait.ge @!p0 [sflag:s8], $0x0  }
0x24: {  	s3 =	sadd.s32 $0x88, s3;
	s6 =	simm.s32 @!p1 $0x1082;
	[sflag:s4] =	ssyncset.s32 $0xFFFFF086  }
0x25: {  	[simem:s6], [sflag:s4] =	dma.local [hbm:s3], $0xF7A  }
0x26: {  	[smem:$0x3F99] =	sst s1;
	(tag) =	ssettag s2;
	_ =	strace s9  }
0x27: {  	s1 =	sld [smem:$0x3FA9]  }
0x28: {  	s2 =	sld [smem:$0x3FAA]  }
0x29: {  	s4 =	sld [smem:$0x3FAC]  }
0x2a: {  	p0 =	seq.s32 s5, $0x0;
	s5 =	sld [smem:$0x3FAD]  }
0x2b: {  	s6 =	sld [smem:$0x3FAE]  }
0x2c: {  	s7 =	sld [smem:$0x3FAF]  }
0x2d: {  	s3 =	simm.s32 $0x108;
	s8 =	sld [smem:$0x3FB0]  }
0x2e: {  	s3 =	simm.s32 @!p0 $0x1082;
	s9 =	sld [smem:$0x3FB1]  }
0x2f: {  	lr =	sadd.s32 s0, s3;
	s0 =	sld [smem:$0x3FA8]  }
0x30: {  	s3 =	sld [smem:$0x3FAB]  }
0x31: {  	[smem:$0x3FB4] =	sst s10  }
0x32: {  	s10 =	sld [smem:$0x3FB2];
	_ =	sdelay $0x3  }
0x33: {  	p0 =	seq.s32 s10, $0x1;
	s10 =	sld [smem:$0x3FB4];
	_ =	sdelay $0x3  }
0x34: {  	[smem:$0x3FB4] =	sst s10  }
0x35: {  	s10 =	sld [smem:$0x3FB3];
	_ =	sdelay $0x3  }
0x36: {  	p1 =	seq.s32 s10, $0x1;
	s10 =	sld [smem:$0x3FB4];
	_ =	sdelay $0x3  }
0x37: {  	[smem:$0x3FB4] =	sst s10  }
0x38: {  	s10 =	sld [smem:$0x3FB5]  }
0x39: {  	_ = 	snop;
	(pc) =	sbr.ind lr, $3  }
0x3a: {  	_ = 	snop  }
0x3b: {  	_ = 	snop  }
0x3c: {  	p2 =	seq.s32 s10, $0x1;
	s10 =	sld [smem:$0x3FB4]  }
0x3d: {  	_ =	shalt  }
0x3e: {  	_ =	shalt  }
0x3f: {  	_ =	shalt  }
0x40: {  	_ =	shalt  }
0x41: {  	_ =	shalt  }
0x42: {  	_ =	shalt  }
0x43: {  	_ =	shalt  }
0x44: {  	_ =	shalt  }
0x45: {  	_ =	shalt  }
0x46: {  	_ =	shalt  }
0x47: {  	_ =	shalt  }
0x48: {  	_ =	shalt  }
0x49: {  	_ =	shalt  }
0x4a: {  	_ =	shalt  }
0x4b: {  	_ =	shalt  }
0x4c: {  	_ =	shalt  }
0x4d: {  	_ =	shalt  }
0x4e: {  	_ =	shalt  }
0x4f: {  	_ =	shalt  }
0x50: {  	_ =	shalt  }
0x51: {  	_ =	shalt  }
0x52: {  	_ =	shalt  }
0x53: {  	_ =	shalt  }
0x54: {  	_ =	shalt  }
0x55: {  	_ =	shalt  }
0x56: {  	_ =	shalt  }
0x57: {  	_ =	shalt  }
0x58: {  	_ =	shalt  }
0x59: {  	_ =	shalt  }
0x5a: {  	_ =	shalt  }
0x5b: {  	_ =	shalt  }
0x5c: {  	_ =	shalt  }
0x5d: {  	_ =	shalt  }
0x5e: {  	_ =	shalt  }
0x5f: {  	_ =	shalt  }
0x60: {  	_ =	shalt  }
0x61: {  	_ =	shalt  }
0x62: {  	_ =	shalt  }
0x63: {  	_ =	shalt  }
0x64: {  	_ =	shalt  }
0x65: {  	_ =	shalt  }
0x66: {  	_ =	shalt  }
0x67: {  	_ =	shalt  }
0x68: {  	_ =	shalt  }
0x69: {  	_ =	shalt  }
0x6a: {  	_ =	shalt  }
0x6b: {  	_ =	shalt  }
0x6c: {  	_ =	shalt  }
0x6d: {  	_ =	shalt  }
0x6e: {  	_ =	shalt  }
0x6f: {  	_ =	shalt  }
0x70: {  	_ =	shalt  }
0x71: {  	_ =	shalt  }
0x72: {  	_ =	shalt  }
0x73: {  	_ =	shalt  }
0x74: {  	_ =	shalt  }
0x75: {  	_ =	shalt  }
0x76: {  	_ =	shalt  }
0x77: {  	_ =	shalt  }
0x78: {  	_ =	shalt  }
0x79: {  	_ =	shalt  }
0x7a: {  	_ =	shalt  }
0x7b: {  	_ =	shalt  }
0x7c: {  	_ =	shalt  }
0x7d: {  	_ =	shalt  }
0x7e: {  	_ =	shalt  }
0x7f: {  	_ =	shalt  }
0x80: {  	_ =	shalt  }
0x81: {  	_ =	shalt  }
0x82: {  	_ =	shalt  }
0x83: {  	_ =	shalt  }
0x84: {  	_ =	shalt  }
0x85: {  	_ =	shalt  }
0x86: {  	_ =	shalt  }
0x87: {  	_ =	shalt  }
.Lfunc_end0:
.L_simem_size_0:
called_computation.2_lowered:
.L_overlay_start_0:
0x88: {  	s2 =	sld [smem:$0x3FD9]  }
0x89: {  	s3 =	sld [smem:$0x3FFE];
	_ =	sdelay $0x1  }
0x8a: {  	s1 =	srdreg.scid  }
0x8b: {  	s0 =	sand.u32 $0x1, s1  }
0x8c: {  	s16 =	sshll.u32 s0, $0xA;
	s2 =	sadd.s32 s3, s2  }
0x8d: {  	s2 =	sadd.s32 s2, s16  }
0x8e: {  	[smem:$0x3FC0] =	sst s2  }
0x8f: {  	_ = 	snop  }
0x90: {  	(tm) =	ssettm $0x1  }
0x91: {  	s17 =	sld [smem:$0x3FFB];
	_ =	sdelay $0x3  }
0x92: {  	_ =	strace s17  }
0x93: {  	s2 =	sld [smem:$0x3FFC];
	_ =	sdelay $0x3  }
0x94: {  	_ =	strace s2  }
0x95: {  	s2 =	sld [smem:$0x3FFD];
	_ =	sdelay $0x3  }
0x96: {  	_ =	strace s2  }
0x97: {  	_ =	strace $0x8FFFFFFF  }
0x98: {  	s18 =	sld [smem:$0x3FDB];
	_ =	sdelay $0x1  }
0x99: {  	s19 =	simm.s32 $_scs_section_size  }
0x9a: {  	s4 =	simm.s32 $_size__tile_overlayer_lowered;
	s5 =	simm.s32 $_tile_overlayer_lowered  }
0x9b: {  	s22 =	simm.s32 $0x1BFF;
	s21 =	sshll.u32 s5, $0x1;
	s2 =	sadd.s32 s19, s18  }
0x9c: {  	s6 =	simm.s32 $0x0;
	s20 =	sshll.u32 s4, $0x1;
	s4 =	sadd.s32 s21, s2  }
0x9d: {  	[timem:s6], [sflag:s22] =	dma.local [hbm:s4], s20  }
0x9e: {  	_ =	swait.ge [sflag:s22], s20  }
0x9f: {  	s3 =	ssub.s32 $0x0, s20;
	[sflag:s22] =	ssyncset.done $0x0  }
0xa0: {  	[sflag:s22] =	ssyncadd.s32 s3;
	_ =	sdelay $0x1  }
0xa1: {  	s23 =	simm.s32 $0x1B8B  }
0xa2: {  	_ =	swait.ge [sflag:s23], $0x1  }
0xa3: {  	[sflag:s23] =	ssyncset.done $0x0  }
0xa4: {  	s25 =	simm.s32 $0x1B8E;
	s24 =	sld [smem:$0x3FFE];
	[sflag:s23] =	ssyncadd.s32 $0xFFFFFFFF  }
0xa5: {  	s26 =	simm.s32 $execute0_lowered;
	[smem:$0x3FD2] =	sst s25  }
0xa6: {  	s4 =	sshll.u32 s26, $0x1;
	_ =	strace $0x8000004C;
	[dreg:$0x1] =	wrdreg $0xFFFFFFFF  }
0xa7: {  	s28 =	simm.s32 $_size_execute0_lowered;
	s2 =	sadd.s32 s2, s4;
	[dreg:$0x0] =	wrdreg $0x0  }
0xa8: {  	s4 =	sshll.u32 s28, $0x1;
	[dreg:$0x2] =	wrdreg s2  }
0xa9: {  	[dreg:$0x3] =	wrdreg s4  }
0xaa: {  	[dreg:$0x4] =	wrdreg $0xC0  }
0xab: {  	_ =	task [dreg:s6], $0x5FFFF  }
0xac: {  	[dreg:$0x1] =	wrdreg $0xFFFFFFFF  }
0xad: {  	[dreg:$0x0] =	wrdreg $0x60  }
0xae: {  	[dreg:$0x2] =	wrdreg s24  }
0xaf: {  	[dreg:$0x3] =	wrdreg $0xAF000  }
0xb0: {  	[dreg:$0x4] =	wrdreg $0x9  }
0xb1: {  	_ =	task.clear_ibuf [dreg:s6], $0x5FFFF;
	_ =	strace $0x9000004C  }
0xb2: {  	s29 =	simm.s32 $0x9;
	_ =	strace $0x8000004E  }
0xb3: {  	_ =	swait.ge [sflag:s29], $0x1  }
0xb4: {  	[sflag:s29] =	ssyncadd.s32 $0xFFFFFFFF  }
0xb5: {  	_ =	strace $0x9000004E  }
0xb6: {  	_ =	sfence  }
0xb7: {  	s30 =	sld [smem:$0x0];
	_ =	sdelay $0x2  }
0xb8: {  	s31 =	sshll.u32 s1, $0xD;
	s1 =	sshrl.u32 s1, $0x2  }
0xb9: {  	s3 =	sand.u32 $0x4000, s31;
	s1 =	sadd.s32 s1, s30  }
0xba: {  	s0 =	sor.u32 s3, s0;
	s1 =	sshll.u32 s1, $0x11  }
0xbb: {  	s0 =	sor.u32 s1, s0  }
0xbc: {  	s0 =	sadd.s32 $0x8F2B, s0  }
0xbd: {  	[sflag:s0] =	ssyncadd.remote.s32 $0x1  }
0xbe: {  	_ =	sfence.sel $0xFFFF  }
0xbf: {  	[dreg:$0x0] =	wrdreg $0xFFFFFFFF;
	(pc) =	sbr.abs _section_cstart, $3  }
0xc0: {  	[dreg:$0x1] =	wrdreg $0xFFFFFFFF  }
0xc1: {  	_ =	task.clear_ibuf [dreg:s6], $0x2FFFF;
	_ =	strace $0x9FFFFFFF  }
0xc2: {  	(tm) =	ssettm $0x7FFFFFFF  }
0xc3: {  	_ =	shalt  }
tec
execute0_lowered:
.L_overlay_start_1:
0x0: {  	(tag) =	ssettag $0x1  }
0x1: {  	s0 =	rddreg [dreg:$0x0]  }
0x2: {  	s2 =	rddreg [dreg:$0x1];
	s1 =	srdreg.scid  }
0x3: {  	s3 =	stileid.u32;
	s4 =	simm.s32 $0x0;
	s19 =	simm.s32 $0x80  }
0x4: {  	s31 =	simm.s32 $0x0;
	s1 =	sand.u32 $0x1, s1;
	s8 =	smul.u32 $0x5000, s3  }
0x5: {  	[smem:$0x7FF] =	sst s4;
	s4 =	sadd.s32 $0x15C00, s0;
	s10 =	sadd.s32 $0x2200, s0  }
0x6: {  	s21 =	sadd.s32 $0x1FE00, s0;
	s24 =	smul.u32 $0x4F, s3;
	s25 =	sshll.u32 s3, $0x6  }
0x7: {  	s29 =	sadd.s32 $0xBB10, s0;
	s5 =	smul.u32 $0x50000, s1;
	s6 =	sshll.u32 s1, $0x4  }
0x8: {  	s9 =	ssub.s32 $0x2, s1;
	s1 =	smul.u32 $0x4F0, s1;
	s17 =	sor.u32 s3, s6  }
0x9: {  	_ =	strace $0x8000004D;
	[dreg:$0x3] =	wrdreg s21;
	s23 =	smul.u32 $0xFFFFFFB1, s17  }
0xa: {  	[dreg:$0x6] =	wrdreg s29;
	s12 =	sshrl.u32 s9, $0x1;
	s11 =	smul.u32 $0x4F0, s17  }
0xb: {  	s7 =	sadd.s32 s8, s5;
	s14 =	smul.u32 $0x2780, s17;
	s15 =	ssub.s32 s9, s12  }
0xc: {  	s8 =	sshrl.u32 s8, $0x1;
	s1 =	sadd.s32 s1, s24;
	s12 =	sadd.s32 $0x15750, s0  }
0xd: {  	p0 =	seq.s32 s17, $0x1F;
	s22 =	sshrl.u32 s7, $0x4;
	s18 =	sadd.s32 s8, s2  }
0xe: {  	s8 =	sor.u32 $0x1C19, s25;
	s1 =	ssub.s32 $0x9C4, s1;
	s13 =	sadd.s32 s22, s0  }
0xf: {  	s6 =	sadd.s32 $0x9C4, s23;
	s14 =	sshrl.u32 s14, $0x3;
	s26 =	sadd.s32 s10, s11  }
0x10: {  	s30 =	smin.u32 s1, $0x4F;
	s17 =	sshrl.u32 s18, $0x3;
	s18 =	simm.s32 $0x19  }
0x11: {  	s7 =	smin.u32 s6, $0x4F;
	[dreg:$0x4] =	wrdreg s26;
	s10 =	sadd.s32 s10, s14  }
0x12: {  	s13 =	sadd.s32 $0x20400, s13;
	s14 =	smax.u32 s15, $0x1;
	s28 =	sadd.s32 $0x9C40, s10  }
0x13: {  	s15 =	sadd.s32 $0x1, s30;
	s16 =	sadd.s32 $0xFFFFFFF4, s30;
	[dreg:$0x5] =	wrdreg s28  }
.LBB2_1:
0x14: {  	s0 =	rddreg [dreg:$0x3]  }
0x15: {  	[spmem:s17], [sflag:s8] =	dma.local [hbm:s0], $0x500  }
0x16: {  	_ =	swait.ge [sflag:s18], $0x500  }
0x17: {  	[sflag:s18] =	ssyncset.done $0x0  }
0x18: {  	s0 =	simm.s32 @p0 $0x0;
	s1 =	rddreg [dreg:$0x6];
	[sflag:s18] =	ssyncadd.s32 $0xFFFFFB00  }
0x19: {  	[tilespmem:s0], [sflag:$0x19] =	stream.linear.gather @p0 [hbm4b:s1+s0], $0x1980, $0x38;
	[tilespmem:$0xD700] =	vst v63  }
0x1a: {  	s1 =	simm.s32 @p0 $0x19  }
0x1b: {  	_ =	swait.ge @p0 [sflag:s1], $0x1980  }
0x1c: {  	[sflag:s1] =	ssyncset.done @p0 $0x0  }
0x1d: {  	s20 =	simm.s32 @p0 $0x2780;
	[sflag:s1] =	ssyncadd.s32 @p0 $0xFFFFE680  }
0x1e: {  	[tilespmem:s20], [sflag:$0x19] =	stream.linear.gather @p0 [hbm4b:s12+s0], $0x1980, $0x38;
	[tilespmem:$0xD700] =	vst v63  }
0x1f: {  	_ =	swait.ge @p0 [sflag:s1], $0x1980  }
0x20: {  	[sflag:s1] =	ssyncset.done @p0 $0x0  }
0x21: {  	s0 =	simm.s32 @!p0 $0x0;
	[sflag:s1] =	ssyncadd.s32 @p0 $0xFFFFE680;
	s1 =	rddreg [dreg:$0x4]  }
0x22: {  	[tilespmem:s0], [sflag:$0x19] =	stream.linear.gather @!p0 [hbm4b:s1+s0], $0x2780, $0x38;
	[tilespmem:$0xD700] =	vst v63  }
0x23: {  	s1 =	simm.s32 @!p0 $0x19  }
0x24: {  	s21 =	simm.s32 $0x5700;
	_ =	swait.ge @!p0 [sflag:s1], $0x2780  }
0x25: {  	s22 =	simm.s32 $0x100;
	s23 =	simm.s32 $0x5F00;
	[sflag:s1] =	ssyncset.done @!p0 $0x0  }
0x26: {  	s20 =	simm.s32 @!p0 $0x2780;
	s3 =	rddreg [dreg:$0x5];
	[sflag:s1] =	ssyncadd.s32 @!p0 $0xFFFFD880  }
0x27: {  	[tilespmem:s20], [sflag:$0x19] =	stream.linear.gather @!p0 [hbm4b:s3+s0], $0x2780, $0x38;
	[tilespmem:$0xD700] =	vst v63  }
0x28: {  	s24 =	simm.s32 $0x180;
	p1 =	sle.u32 s6, $0x0;
	_ =	swait.ge @!p0 [sflag:s1], $0x2780  }
0x29: {  	s25 =	simm.s32 $0x6700;
	p2 =	sle.u32 @!p1 s7, $0x6;
	[sflag:s1] =	ssyncset.done @!p0 $0x0  }
0x2a: {  	s26 =	simm.s32 $0x200;
	p3 =	por p2, p1;
	[sflag:s1] =	ssyncadd.s32 @!p0 $0xFFFFD880  }
0x2b: {  	s0 =	simm.s32 $0x0;
	s20 =	simm.s32 $0x4F00;
	[bflag:$0x0] =	sbarrier.arrive $0xFFFF  }
0x2c: {  	[tilespmem:s20], [sflag:$0x1] =	stream.indirect.gather [hbm4b:s4+s19], $0x10, s0, s19, $0xb8;
	[tilespmem:$0xD700] =	vst v63  }
0x2d: {  	s28 =	simm.s32 $0x6F00;
	p4 =	por @!p3 $0x1, $0x1;
	s0 =	smul.u32 @!p1 $0xAB, s0  }
0x2e: {  	[tilespmem:s21], [sflag:$0x2] =	stream.indirect.gather [hbm4b:s4+s19], $0x10, s19, s19, $0xb8;
	[tilespmem:$0xD700] =	vst v63  }
0x2f: {  	s29 =	simm.s32 $0x280;
	p2 =	por @!p1 p4, p2;
	s1 =	sshrl.u32 @!p1 s0, $0xB  }
0x30: {  	s30 =	simm.s32 $0x7700;
	p2 =	por p2, p1;
	s1 =	sand.u32 @!p1 $0x1F, s1  }
0x31: {  	[tilespmem:s23], [sflag:$0x3] =	stream.indirect.gather [hbm4b:s4+s19], $0x10, s22, s19, $0xb8;
	[tilespmem:$0xD700] =	vst v63  }
0x32: {  	s20 =	simm.s32 $0x300;
	s0 =	sadd.s32 @!p1 $0x402, s0;
	s23 =	smul.u32 @!p1 $0xC, s1  }
0x33: {  	[tilespmem:s25], [sflag:$0x4] =	stream.indirect.gather [hbm4b:s4+s19], $0x10, s24, s19, $0xb8;
	[tilespmem:$0xD700] =	vst v63  }
0x34: {  	s21 =	simm.s32 $0x2780;
	s0 =	sshrl.u32 @!p1 s0, $0xB;
	s23 =	ssub.s32 @!p1 $0x0, s23  }
0x35: {  	s0 =	sand.u32 @!p1 $0x1F, s0;
	s1 =	simm.s32 $0x1;
	s23 =	sand.u32 @!p1 $0xFF, s23  }
0x36: {  	[tilespmem:s28], [sflag:$0x5] =	stream.indirect.gather [hbm4b:s4+s19], $0x10, s26, s19, $0xb8;
	[tilespmem:$0xD700] =	vst v63  }
0x37: {  	s22 =	simm.s32 $0x2;
	s0 =	smul.u32 @!p1 $0xC, s0;
	s26 =	sadd.s32 @!p1 $0x1, s23  }
0x38: {  	[tilespmem:s30], [sflag:$0x6] =	stream.indirect.gather [hbm4b:s4+s19], $0x10, s29, s19, $0xb8;
	[tilespmem:$0xD700] =	vst v63  }
0x39: {  	s0 =	ssub.s32 @!p1 $0x6, s0;
	s25 =	sshll.u32 @!p1 s23, $0xB;
	_ =	swait.ge @!p1 [sflag:s26], $0x800  }
0x3a: {  	s23 =	sadd.s32 @!p1 $0xD, s23;
	s24 =	sand.u32 @!p1 $0xFF, s0;
	[sflag:s26] =	ssyncset.done @!p1 $0x0  }
0x3b: {  	s0 =	sadd.s32 @!p1 $0x4F00, s25;
	s25 =	simm.s32 @!p1 $0x80;
	[sflag:s26] =	ssyncadd.s32 @!p1 $0xFFFFF800  }
0x3c: {  	[spmem:s2] =	stream.indirect.scatter.add.bf16 @!p1 [tilespmem:s0], [sflag:s23], $0x10, s21, s25, $0xb8;
	[tilespmem:$0xD700] =	vst v63  }
0x3d: {  	s0 =	simm.s32 $0x380;
	s21 =	simm.s32 $0x2800;
	s23 =	sadd.s32 @!p2 $0xD, s24  }
0x3e: {  	p1 =	sle.u32 s6, $0x1;
	s25 =	sshll.u32 @!p3 s24, $0xB;
	_ =	swait.ge @!p2 [sflag:s23], $0x800  }
.LBB2_2:
0x3f: {  	s26 =	smul.u32 @!p1 $0xAB, s1  }
0x40: {  	s28 =	sadd.s32 @!p3 $0x1, s24;
	s29 =	smov.u32 s1;
	s1 =	smov.u32 s22  }
0x41: {  	s22 =	sadd.s32 $0x1, s22;
	s30 =	smov.u32 s20;
	p5 =	por p3, p3  }
0x42: {  	s20 =	smov.u32 s0;
	s3 =	smov.u32 s21;
	p4 =	sne.s32 s22, $0x4F  }
0x43: {  	s0 =	sadd.s32 $0x80, s0;
	s24 =	sshrl.u32 @!p1 s26, $0xB;
	s26 =	sadd.s32 @!p1 $0x402, s26  }
0x44: {  	s21 =	sadd.s32 $0x80, s21;
	s24 =	sand.u32 @!p1 $0x1F, s24;
	s26 =	sshrl.u32 @!p1 s26, $0xB  }
0x45: {  	s5 =	simm.s32 @!p5 $0x80;
	s24 =	smul.u32 @!p1 $0xC, s24;
	s26 =	sand.u32 @!p1 $0x1F, s26  }
0x46: {  	s9 =	sadd.s32 @!p1 $0x6, s29;
	s25 =	sadd.s32 @!p5 $0x4F00, s25;
	s26 =	smul.u32 @!p1 $0xC, s26  }
0x47: {  	p6 =	sge.u32 @!p1 s9, s7;
	s24 =	ssub.s32 @!p1 s29, s24;
	[sflag:s23] =	ssyncset.done @!p2 $0x0  }
0x48: {  	p3 =	por p6, p1;
	s24 =	sand.u32 @!p1 $0xFF, s24;
	s9 =	ssub.s32 @!p1 s9, s26  }
0x49: {  	s26 =	sshll.u32 @!p1 s24, $0xB;
	s10 =	sadd.s32 @!p1 $0x1, s24;
	[sflag:s23] =	ssyncadd.s32 @!p2 $0xFFFFF800  }
0x4a: {  	s11 =	sadd.s32 @!p1 $0xD, s24;
	s24 =	sand.u32 @!p1 $0xFF, s9;
	p2 =	slt.u32 @!p3 s29, $0x6  }
0x4b: {  	[tilespmem:s25], [sflag:s28] =	stream.indirect.gather @!p5 [hbm4b:s4+s5], $0x10, s30, s5, $0xb8;
	[tilespmem:$0xD700] =	vst v63  }
.Ltmp0:
0x4c: {  	p2 =	por @!p1 p2, p6;
	_ =	swait.ge @!p1 [sflag:s10], $0x800;
	(pc) =	sbr.rel @p4 .LBB2_2-.Ltmp0, $4  }
0x4d: {  	s5 =	sadd.s32 @!p1 $0x4F00, s26;
	p2 =	por p2, p1;
	[sflag:s10] =	ssyncset.done @!p1 $0x0  }
0x4e: {  	s9 =	simm.s32 @!p1 $0x80;
	s23 =	sadd.s32 @!p2 $0xD, s24;
	[sflag:s10] =	ssyncadd.s32 @!p1 $0xFFFFF800  }
0x4f: {  	[spmem:s2] =	stream.indirect.scatter.add.bf16 @!p1 [tilespmem:s5], [sflag:s11], $0x10, s3, s9, $0xb8;
	[tilespmem:$0xD700] =	vst v63  }
0x50: {  	s25 =	sshll.u32 @!p3 s24, $0xB;
	p1 =	sle.u32 s6, s1;
	_ =	swait.ge @!p2 [sflag:s23], $0x800  }
0x51: {  	s3 =	smul.u32 @!p1 $0xAB, s1;
	s9 =	sadd.s32 @!p3 $0x1, s24;
	p4 =	por p3, p3  }
0x52: {  	s11 =	sadd.s32 @!p1 $0x6, s1;
	[sflag:s23] =	ssyncset.done @!p2 $0x0;
	s10 =	simm.s32 @!p4 $0x80  }
0x53: {  	s22 =	sadd.s32 @!p4 $0x4F00, s25;
	[sflag:s23] =	ssyncadd.s32 @!p2 $0xFFFFF800;
	s5 =	sshrl.u32 @!p1 s3, $0xB  }
0x54: {  	[tilespmem:s22], [sflag:s9] =	stream.indirect.gather @!p4 [hbm4b:s4+s10], $0x10, s20, s10, $0xb8;
	[tilespmem:$0xD700] =	vst v63  }
0x55: {  	s28 =	smulhi.u32 $0xAAAAAAAB, s16;
	p5 =	sge.u32 @!p1 s11, s7;
	s5 =	sand.u32 @!p1 $0x1F, s5  }
0x56: {  	s3 =	sadd.s32 @!p1 $0x402, s3;
	p3 =	por p5, p1;
	s5 =	smul.u32 @!p1 $0xC, s5  }
0x57: {  	s9 =	simm.s32 @!p1 $0x80;
	s29 =	sshrl.u32 s28, $0x3;
	s3 =	sshrl.u32 @!p1 s3, $0xB  }
0x58: {  	p2 =	slt.u32 @!p3 s1, $0x6;
	s3 =	sand.u32 @!p1 $0x1F, s3;
	s5 =	ssub.s32 @!p1 s1, s5  }
0x59: {  	p2 =	por @!p1 p2, p5;
	s3 =	smul.u32 @!p1 $0xC, s3;
	s5 =	sand.u32 @!p1 $0xFF, s5  }
0x5a: {  	s20 =	sadd.s32 $0x1, s16;
	p2 =	por p2, p1;
	s24 =	sadd.s32 @!p1 $0x1, s5  }
0x5b: {  	s3 =	ssub.s32 @!p1 s11, s3;
	s11 =	sshll.u32 @!p1 s5, $0xB;
	_ =	swait.ge @!p1 [sflag:s24], $0x800  }
0x5c: {  	s5 =	sadd.s32 @!p1 $0xD, s5;
	s1 =	sand.u32 @!p1 $0xFF, s3;
	[sflag:s24] =	ssyncset.done @!p1 $0x0  }
0x5d: {  	s3 =	sadd.s32 @!p1 $0x4F00, s11;
	s10 =	sadd.s32 @!p2 $0xD, s1;
	[sflag:s24] =	ssyncadd.s32 @!p1 $0xFFFFF800  }
0x5e: {  	[spmem:s2] =	stream.indirect.scatter.add.bf16 @!p1 [tilespmem:s3], [sflag:s5], $0x10, s21, s9, $0xb8;
	[tilespmem:$0xD700] =	vst v63  }
0x5f: {  	s30 =	smul.u32 $0xFFFFFFD0, s29;
	s3 =	sshll.u32 @!p3 s1, $0xB;
	_ =	swait.ge @!p2 [sflag:s10], $0x800  }
0x60: {  	p1 =	por p3, p3;
	s1 =	sadd.s32 @!p3 $0x1, s1;
	[sflag:s10] =	ssyncset.done @!p2 $0x0  }
0x61: {  	s5 =	simm.s32 @!p1 $0x80;
	s3 =	sadd.s32 @!p1 $0x4F00, s3;
	[sflag:s10] =	ssyncadd.s32 @!p2 $0xFFFFF800  }
0x62: {  	[tilespmem:s3], [sflag:s1] =	stream.indirect.gather @!p1 [hbm4b:s4+s5], $0x10, s0, s5, $0xb8;
	[tilespmem:$0xD700] =	vst v63  }
0x63: {  	s21 =	sshra.s32 s30, $0x2;
	s0 =	simm.s32 $0xB;
	s1 =	smov.u32 s15  }
.LBB2_4:
0x64: {  	s3 =	smulhi.u32 $0xAAAAAAAB, s20;
	s5 =	sadd.s32 s21, s1;
	p1 =	sne.s32 s0, $0x1  }
.Ltmp1:
0x65: {  	s0 =	sadd.s32 $0xFFFFFFFF, s0;
	_ =	swait.ge [sflag:s5], $0x800;
	(pc) =	sbr.rel @p1 .LBB2_4-.Ltmp1, $3  }
0x66: {  	s3 =	sshrl.u32 s3, $0x3;
	[sflag:s5] =	ssyncset.done $0x0  }
0x67: {  	s3 =	smul.u32 $0xFFFFFFD0, s3;
	[sflag:s5] =	ssyncadd.s32 $0xFFFFF800;
	_ =	sdelay $0x1  }
0x68: {  	s20 =	sadd.s32 $0x1, s20;
	s1 =	sadd.s32 $0x1, s1;
	s21 =	sshra.s32 s3, $0x2  }
0x69: {  	s0 =	sadd.s32 s21, s1  }
0x6a: {  	_ =	swait.ge [sflag:s0], $0x800  }
0x6b: {  	s31 =	sadd.s32 $0x1, s31;
	[sflag:s0] =	ssyncset.done $0x0  }
0x6c: {  	p1 =	sne.s32 s31, s14;
	[sflag:s0] =	ssyncadd.s32 $0xFFFFF800  }
.Ltmp2:
0x6d: {  	[bflag:$0x0] =	sbarrier.arrive $0xFFFF;
	(pc) =	sbr.rel @p1 .LBB2_1-.Ltmp2, $4  }
0x6e: {  	[hbm:s13], [sflag:s8] =	dma.local [spmem:s17], $0x500  }
0x6f: {  	_ =	swait.ge [sflag:s18], $0x500  }
0x70: {  	[sflag:s18] =	ssyncset.done $0x0  }
0x71: {  	[sflag:s18] =	ssyncadd.s32 $0xFFFFFB00  }
0x72: {  	_ =	sfence.sel $0x180000  }
0x73: {  	[bflag:$0x0] =	sbarrier.arrive $0xFFFF  }
0x74: {  	_ =	strace $0x9000004D  }
0x75: {  	s0 =	stileid.u32;
	[bflag:$0x2] =	sbarrier.arrive $0xFFFF  }
0x76: {  	p0 =	sne.s32 s0, $0x0;
	s0 =	rddreg [dreg:$0x2]  }
0x77: {  	s0 =	sadd.s32 @!p0 $0x100000, s0  }
0x78: {  	[sflag:s0] =	ssyncadd.tile.s32 @!p0 $0x1;
	_ =	shalt  }
.Lfunc_end2:
_tile_overlayer_lowered:
.L_overlay_start_2:
0x79: {  	(tag) =	ssettag $0x2  }
0x7a: {  	s0 =	rddreg [dreg:$0x0];
	s2 =	stileid.u32  }
0x7b: {  	s1 =	rddreg [dreg:$0x1];
	p0 =	sne.s32 s2, $0x0  }
0x7c: {  	s3 =	rddreg [dreg:$0x2];
	[bflag:$0x3] =	sbarrier.arrive $0xFFFF;
	s2 =	simm.s32 @!p0 $0x1C19  }
0x7d: {  	[timem:s3], [sflag:s2] =	dma.local @!p0 [hbm:s0], s1  }
0x7e: {  	s0 =	simm.s32 @!p0 $0x19  }
0x7f: {  	_ =	swait.ge @!p0 [sflag:s0], s1  }
0x80: {  	s1 =	ssub.s32 @!p0 $0x0, s1;
	[sflag:s0] =	ssyncset.done @!p0 $0x0  }
0x81: {  	[sflag:s0] =	ssyncadd.s32 @!p0 s1  }
0x82: {  	[bflag:$0x3] =	sbarrier.arrive $0xFFFF  }
0x83: {  	_ =	shalt  }

// kernel: kernel.9.cloned.1.call-start
scs
__scs_entry_jumppad:
0x0: {  	(pc) =	sbr.rel $0x88, $3  }
0x1: {  	(tag) =	ssettag $0x0;
	lr =	simm.s32 $0x1  }
0x2: {  	[smem:$0x3F99] =	sst lr;
	_ =	strace $0xD0000000  }
0x3: {  	_ = 	snop  }
0x4: {  	_ = 	snop  }
0x5: {  	_ = 	snop  }
0x6: {  	_ = 	snop  }
0x7: {  	_ = 	snop  }
__scs_overlays_trampoline_lowered:
0x8: {  	[smem:$0x3FA8] =	sst s0  }
0x9: {  	[smem:$0x3FA9] =	sst s1  }
0xa: {  	[smem:$0x3FAA] =	sst s2  }
0xb: {  	[smem:$0x3FAB] =	sst s3  }
0xc: {  	[smem:$0x3FAC] =	sst s4  }
0xd: {  	[smem:$0x3FAD] =	sst s5  }
0xe: {  	[smem:$0x3FAE] =	sst s6  }
0xf: {  	[smem:$0x3FAF] =	sst s7  }
0x10: {  	[smem:$0x3FB0] =	sst s8  }
0x11: {  	[smem:$0x3FB1] =	sst s9;
	s0 =	simm.s32 @!p0 $0x0  }
0x12: {  	s1 =	sld [smem:$0x3F97];
	s0 =	simm.s32 @p0 $0x1  }
0x13: {  	[smem:$0x3FB2] =	sst s0;
	s0 =	simm.s32 @!p1 $0x0  }
0x14: {  	s2 =	sld [smem:$0x3F96];
	s0 =	simm.s32 @p1 $0x1  }
0x15: {  	[smem:$0x3FB3] =	sst s0;
	s0 =	simm.s32 @!p2 $0x0  }
0x16: {  	s3 =	sld [smem:$0x3FDB];
	s0 =	simm.s32 @p2 $0x1  }
0x17: {  	s4 =	simm.s32 $0x1BF5;
	[smem:$0x3FB5] =	sst s0  }
0x18: {  	s0 =	sld [smem:$0x3F98];
	_ =	swait.ge [sflag:s4], $0x0  }
0x19: {  	s7 =	sld [smem:$0x3F99]  }
0x1a: {  	s8 =	sadd.s32 $0xFFFFE003, lr  }
0x1b: {  	s9 =	sadd.s32 $0xFFFFFEF7, lr;
	s5 =	simm.s32 $0xFFFFFFFF;
	p2 =	slt.u32 s8, $0xFFFFF086  }
0x1c: {  	p1 =	slt.u32 s9, $0xF7A;
	s5 =	simm.s32 @!p2 $0x0  }
0x1d: {  	s5 =	simm.s32 @p1 $0x1;
	p0 =	seq.s32 s7, s2  }
0x1e: {  	s7 =	smul.u32 @!p0 $0xF7A, s2;
	p2 =	seq.s32 @!p0 s5, $0x0  }
0x1f: {  	s9 =	smul.u32 $0xF7A, s1;
	s8 =	simm.s32 @!p0 $0x1BF5;
	p2 =	por !p2, p0  }
0x20: {  	[sflag:s8] =	ssyncset.s32 @!p0 $0xFFFFF086;
	s6 =	sadd.s32 @!p0 s3, s7;
	s7 =	simm.s32 @!p0 $0x108  }
0x21: {  	s3 =	sadd.s32 s3, s9;
	s6 =	sadd.s32 @!p0 $0x88, s6;
	s7 =	simm.s32 @p2 $0x1082  }
0x22: {  	[simem:s7], [sflag:s8] =	dma.local @!p0 [hbm:s6], $0xF7A  }
0x23: {  	s9 =	sor.u32 $0xD0000000, s2;
	s6 =	simm.s32 $0x108;
	_ =	swait.ge @!p0 [sflag:s8], $0x0  }
0x24: {  	s3 =	sadd.s32 $0x88, s3;
	s6 =	simm.s32 @!p1 $0x1082;
	[sflag:s4] =	ssyncset.s32 $0xFFFFF086  }
0x25: {  	[simem:s6], [sflag:s4] =	dma.local [hbm:s3], $0xF7A  }
0x26: {  	[smem:$0x3F99] =	sst s1;
	(tag) =	ssettag s2;
	_ =	strace s9  }
0x27: {  	s1 =	sld [smem:$0x3FA9]  }
0x28: {  	s2 =	sld [smem:$0x3FAA]  }
0x29: {  	s4 =	sld [smem:$0x3FAC]  }
0x2a: {  	p0 =	seq.s32 s5, $0x0;
	s5 =	sld [smem:$0x3FAD]  }
0x2b: {  	s6 =	sld [smem:$0x3FAE]  }
0x2c: {  	s7 =	sld [smem:$0x3FAF]  }
0x2d: {  	s3 =	simm.s32 $0x108;
	s8 =	sld [smem:$0x3FB0]  }
0x2e: {  	s3 =	simm.s32 @!p0 $0x1082;
	s9 =	sld [smem:$0x3FB1]  }
0x2f: {  	lr =	sadd.s32 s0, s3;
	s0 =	sld [smem:$0x3FA8]  }
0x30: {  	s3 =	sld [smem:$0x3FAB]  }
0x31: {  	[smem:$0x3FB4] =	sst s10  }
0x32: {  	s10 =	sld [smem:$0x3FB2];
	_ =	sdelay $0x3  }
0x33: {  	p0 =	seq.s32 s10, $0x1;
	s10 =	sld [smem:$0x3FB4];
	_ =	sdelay $0x3  }
0x34: {  	[smem:$0x3FB4] =	sst s10  }
0x35: {  	s10 =	sld [smem:$0x3FB3];
	_ =	sdelay $0x3  }
0x36: {  	p1 =	seq.s32 s10, $0x1;
	s10 =	sld [smem:$0x3FB4];
	_ =	sdelay $0x3  }
0x37: {  	[smem:$0x3FB4] =	sst s10  }
0x38: {  	s10 =	sld [smem:$0x3FB5]  }
0x39: {  	_ = 	snop;
	(pc) =	sbr.ind lr, $3  }
0x3a: {  	_ = 	snop  }
0x3b: {  	_ = 	snop  }
0x3c: {  	p2 =	seq.s32 s10, $0x1;
	s10 =	sld [smem:$0x3FB4]  }
0x3d: {  	_ =	shalt  }
0x3e: {  	_ =	shalt  }
0x3f: {  	_ =	shalt  }
0x40: {  	_ =	shalt  }
0x41: {  	_ =	shalt  }
0x42: {  	_ =	shalt  }
0x43: {  	_ =	shalt  }
0x44: {  	_ =	shalt  }
0x45: {  	_ =	shalt  }
0x46: {  	_ =	shalt  }
0x47: {  	_ =	shalt  }
0x48: {  	_ =	shalt  }
0x49: {  	_ =	shalt  }
0x4a: {  	_ =	shalt  }
0x4b: {  	_ =	shalt  }
0x4c: {  	_ =	shalt  }
0x4d: {  	_ =	shalt  }
0x4e: {  	_ =	shalt  }
0x4f: {  	_ =	shalt  }
0x50: {  	_ =	shalt  }
0x51: {  	_ =	shalt  }
0x52: {  	_ =	shalt  }
0x53: {  	_ =	shalt  }
0x54: {  	_ =	shalt  }
0x55: {  	_ =	shalt  }
0x56: {  	_ =	shalt  }
0x57: {  	_ =	shalt  }
0x58: {  	_ =	shalt  }
0x59: {  	_ =	shalt  }
0x5a: {  	_ =	shalt  }
0x5b: {  	_ =	shalt  }
0x5c: {  	_ =	shalt  }
0x5d: {  	_ =	shalt  }
0x5e: {  	_ =	shalt  }
0x5f: {  	_ =	shalt  }
0x60: {  	_ =	shalt  }
0x61: {  	_ =	shalt  }
0x62: {  	_ =	shalt  }
0x63: {  	_ =	shalt  }
0x64: {  	_ =	shalt  }
0x65: {  	_ =	shalt  }
0x66: {  	_ =	shalt  }
0x67: {  	_ =	shalt  }
0x68: {  	_ =	shalt  }
0x69: {  	_ =	shalt  }
0x6a: {  	_ =	shalt  }
0x6b: {  	_ =	shalt  }
0x6c: {  	_ =	shalt  }
0x6d: {  	_ =	shalt  }
0x6e: {  	_ =	shalt  }
0x6f: {  	_ =	shalt  }
0x70: {  	_ =	shalt  }
0x71: {  	_ =	shalt  }
0x72: {  	_ =	shalt  }
0x73: {  	_ =	shalt  }
0x74: {  	_ =	shalt  }
0x75: {  	_ =	shalt  }
0x76: {  	_ =	shalt  }
0x77: {  	_ =	shalt  }
0x78: {  	_ =	shalt  }
0x79: {  	_ =	shalt  }
0x7a: {  	_ =	shalt  }
0x7b: {  	_ =	shalt  }
0x7c: {  	_ =	shalt  }
0x7d: {  	_ =	shalt  }
0x7e: {  	_ =	shalt  }
0x7f: {  	_ =	shalt  }
0x80: {  	_ =	shalt  }
0x81: {  	_ =	shalt  }
0x82: {  	_ =	shalt  }
0x83: {  	_ =	shalt  }
0x84: {  	_ =	shalt  }
0x85: {  	_ =	shalt  }
0x86: {  	_ =	shalt  }
0x87: {  	_ =	shalt  }
.Lfunc_end0:
.L_simem_size_0:
called_computation_lowered:
.L_overlay_start_0:
0x88: {  	s2 =	sld [smem:$0x3FD9]  }
0x89: {  	s3 =	sld [smem:$0x3FFE];
	_ =	sdelay $0x1  }
0x8a: {  	s1 =	srdreg.scid  }
0x8b: {  	s0 =	sand.u32 $0x1, s1  }
0x8c: {  	s17 =	sshll.u32 s0, $0xA;
	s2 =	sadd.s32 s3, s2  }
0x8d: {  	s2 =	sadd.s32 s2, s17  }
0x8e: {  	[smem:$0x3FC0] =	sst s2  }
0x8f: {  	_ = 	snop  }
0x90: {  	s2 =	sld [smem:$0x3FD0];
	(tm) =	ssettm $0x1  }
0x91: {  	s18 =	sld [smem:$0x3FFB];
	_ =	sdelay $0x3  }
0x92: {  	_ =	strace s18  }
0x93: {  	s3 =	sld [smem:$0x3FFC];
	_ =	sdelay $0x3  }
0x94: {  	_ =	strace s3  }
0x95: {  	s3 =	sld [smem:$0x3FFD];
	_ =	sdelay $0x3  }
0x96: {  	_ =	strace s3  }
0x97: {  	_ =	strace $0x8FFFFFFF  }
0x98: {  	s19 =	sld [smem:$0x3FDB];
	_ =	sdelay $0x1  }
0x99: {  	s4 =	simm.s32 $_scs_section_size  }
0x9a: {  	s5 =	simm.s32 $_size__tile_overlayer_lowered;
	s6 =	simm.s32 $_tile_overlayer_lowered  }
0x9b: {  	s22 =	simm.s32 $0x1BFF;
	s21 =	sshll.u32 s6, $0x1;
	s3 =	sadd.s32 s4, s19  }
0x9c: {  	s7 =	simm.s32 $0x0;
	s20 =	sshll.u32 s5, $0x1;
	s5 =	sadd.s32 s21, s3  }
0x9d: {  	[timem:s7], [sflag:s22] =	dma.local [hbm:s5], s20  }
0x9e: {  	_ =	swait.ge [sflag:s22], s20  }
0x9f: {  	s4 =	ssub.s32 $0x0, s20;
	[sflag:s22] =	ssyncset.done $0x0  }
0xa0: {  	[sflag:s22] =	ssyncadd.s32 s4;
	_ =	sdelay $0x1  }
0xa1: {  	s23 =	simm.s32 $0x1B8B  }
0xa2: {  	_ =	swait.ge [sflag:s23], $0x1  }
0xa3: {  	[sflag:s23] =	ssyncset.done $0x0  }
0xa4: {  	s25 =	simm.s32 $0x1B8E;
	s24 =	sld [smem:$0x3FFE];
	[sflag:s23] =	ssyncadd.s32 $0xFFFFFFFF  }
0xa5: {  	s26 =	simm.s32 $execute0_lowered;
	[smem:$0x3FD2] =	sst s25  }
0xa6: {  	s5 =	sshll.u32 s26, $0x1;
	_ =	strace $0x80000046;
	[dreg:$0x1] =	wrdreg $0xFFFFFFFF  }
0xa7: {  	s28 =	simm.s32 $_size_execute0_lowered;
	s3 =	sadd.s32 s3, s5;
	[dreg:$0x0] =	wrdreg $0x0  }
0xa8: {  	s5 =	sshll.u32 s28, $0x1;
	[dreg:$0x2] =	wrdreg s3  }
0xa9: {  	[dreg:$0x3] =	wrdreg s5  }
0xaa: {  	[dreg:$0x4] =	wrdreg $0xC0  }
0xab: {  	_ =	task [dreg:s7], $0x5FFFF  }
0xac: {  	[dreg:$0x1] =	wrdreg $0xFFFFFFFF  }
0xad: {  	[dreg:$0x0] =	wrdreg $0x60  }
0xae: {  	[dreg:$0x2] =	wrdreg s24  }
0xaf: {  	[dreg:$0x3] =	wrdreg s2  }
0xb0: {  	[dreg:$0x4] =	wrdreg $0x2F800  }
0xb1: {  	[dreg:$0x5] =	wrdreg $0x9  }
0xb2: {  	_ =	task.clear_ibuf [dreg:s7], $0x6FFFF;
	_ =	strace $0x90000046  }
0xb3: {  	s29 =	simm.s32 $0x9;
	_ =	strace $0x80000048  }
0xb4: {  	_ =	swait.ge [sflag:s29], $0x1  }
0xb5: {  	[sflag:s29] =	ssyncadd.s32 $0xFFFFFFFF  }
0xb6: {  	_ =	strace $0x90000048  }
0xb7: {  	_ =	sfence  }
0xb8: {  	s30 =	sld [smem:$0x0];
	_ =	sdelay $0x2  }
0xb9: {  	s31 =	sshll.u32 s1, $0xD;
	s1 =	sshrl.u32 s1, $0x2  }
0xba: {  	s3 =	sand.u32 $0x4000, s31;
	s1 =	sadd.s32 s1, s30  }
0xbb: {  	s0 =	sor.u32 s3, s0;
	s1 =	sshll.u32 s1, $0x11  }
0xbc: {  	s0 =	sor.u32 s1, s0  }
0xbd: {  	s0 =	sadd.s32 $0x8F2B, s0  }
0xbe: {  	[sflag:s0] =	ssyncadd.remote.s32 $0x1  }
0xbf: {  	_ =	sfence.sel $0xFFFF  }
0xc0: {  	[dreg:$0x0] =	wrdreg $0xFFFFFFFF;
	(pc) =	sbr.abs _section_cstart, $3  }
0xc1: {  	[dreg:$0x1] =	wrdreg $0xFFFFFFFF  }
0xc2: {  	_ =	task.clear_ibuf [dreg:s7], $0x2FFFF;
	_ =	strace $0x9FFFFFFF  }
0xc3: {  	(tm) =	ssettm $0x7FFFFFFF  }
tec
execute0_lowered:
.L_overlay_start_1:
0x0: {  	(tag) =	ssettag $0x1  }
0x1: {  	s8 =	rddreg [dreg:$0x0]  }
0x2: {  	s2 =	rddreg [dreg:$0x1]  }
0x3: {  	s3 =	rddreg [dreg:$0x2]  }
0x4: {  	s0 =	rddreg [dreg:$0x3];
	s5 =	srdreg.scid  }
0x5: {  	s1 =	stileid.u32;
	s4 =	simm.s32 $0x0;
	s15 =	simm.s32 $0x0  }
0x6: {  	s6 =	sand.u32 $0x1, s5;
	s7 =	smul.u32 $0x2800, s1;
	[smem:$0x7FF] =	sst s4  }
0x7: {  	s31 =	sshll.u32 s1, $0x6;
	s9 =	smul.u32 $0x28000, s6;
	s5 =	sshll.u32 s6, $0x4  }
0x8: {  	_ =	strace $0x80000047;
	s6 =	ssub.s32 $0x2, s6;
	s11 =	sor.u32 s1, s5  }
0x9: {  	s5 =	sadd.s32 $0x15C00, s8;
	s13 =	sshrl.u32 s6, $0x1;
	s10 =	smul.u32 $0x2780, s11  }
0xa: {  	s14 =	sadd.s32 s7, s3;
	s9 =	sadd.s32 s7, s9;
	s12 =	smul.u32 $0xFFFFFFB1, s11  }
0xb: {  	s13 =	ssub.s32 s6, s13;
	p0 =	seq.s32 s11, $0x1F;
	s9 =	sshrl.u32 s9, $0x3  }
0xc: {  	s11 =	simm.s32 $0x2780;
	s14 =	sshrl.u32 s14, $0x3;
	s9 =	sadd.s32 s9, s8  }
0xd: {  	s10 =	sshrl.u32 s10, $0x3;
	s6 =	sadd.s32 $0x9C4, s12;
	s12 =	simm.s32 $0x1  }
0xe: {  	s10 =	sadd.s32 s8, s10;
	s8 =	sadd.s32 $0x15750, s8;
	s9 =	sadd.s32 $0x15E00, s9  }
0xf: {  	s7 =	sadd.s32 $0xBE40, s10;
	s10 =	smax.u32 s13, $0x1;
	s13 =	sor.u32 $0x1C01, s31  }
.LBB2_1:
0x10: {  	[tilespmem:s11], [sflag:$0x1] =	stream.linear.gather [hbm4b:s5+s4], $0x800, $0x38;
	[tilespmem:$0x5780] =	vst v63  }
0x11: {  	_ =	swait.ge [sflag:s12], $0x800  }
0x12: {  	[sflag:s12] =	ssyncset.done $0x0  }
0x13: {  	[sflag:s12] =	ssyncadd.s32 $0xFFFFF800  }
0x14: {  	[spmem:s14], [sflag:s13] =	dma.local [hbm:s2], $0x500  }
0x15: {  	_ =	swait.ge [sflag:s12], $0x500  }
0x16: {  	[sflag:s12] =	ssyncset.done $0x0  }
0x17: {  	s16 =	simm.s32 @p0 $0x0;
	[sflag:s12] =	ssyncadd.s32 $0xFFFFFB00  }
0x18: {  	[tilespmem:s16], [sflag:$0x1] =	stream.linear.gather @p0 [hbm4b:s8+s16], $0x1980, $0x38;
	[tilespmem:$0x5780] =	vst v63  }
0x19: {  	s16 =	simm.s32 @p0 $0x1  }
0x1a: {  	_ =	swait.ge @p0 [sflag:s16], $0x1980  }
0x1b: {  	[sflag:s16] =	ssyncset.done @p0 $0x0  }
0x1c: {  	[sflag:s16] =	ssyncadd.s32 @p0 $0xFFFFE680;
	s16 =	simm.s32 @!p0 $0x0  }
0x1d: {  	[tilespmem:s16], [sflag:$0x1] =	stream.linear.gather @!p0 [hbm4b:s7+s16], $0x2780, $0x38;
	[tilespmem:$0x5780] =	vst v63  }
0x1e: {  	s16 =	simm.s32 @!p0 $0x1  }
0x1f: {  	_ =	swait.ge @!p0 [sflag:s16], $0x2780  }
0x20: {  	p1 =	sle.u32 s6, $0x0;
	[sflag:s16] =	ssyncset.done @!p0 $0x0  }
0x21: {  	s17 =	simm.s32 @!p1 $0x2780;
	[sflag:s16] =	ssyncadd.s32 @!p0 $0xFFFFD880  }
0x22: {  	s18 =	simm.s32 @!p1 $0x1;
	s16 =	simm.s32 @!p1 $0x80;
	[bflag:$0x0] =	sbarrier.arrive $0xFFFF  }
0x23: {  	[spmem:s3] =	stream.indirect.scatter.add.f32 @!p1 [tilespmem:s17], [sflag:$0x1], $0x10, s4, s16, $0xb8;
	[tilespmem:$0x5780] =	vst v63  }
0x24: {  	_ =	swait.ge @!p1 [sflag:s18], $0x800  }
0x25: {  	s16 =	simm.s32 $0x1;
	s17 =	simm.s32 $0x0;
	[sflag:s18] =	ssyncset.done @!p1 $0x0  }
.LBB2_2:
0x26: {  	[sflag:s18] =	ssyncadd.s32 @!p1 $0xFFFFF800;
	s18 =	smov.u32 s16;
	s16 =	sadd.s32 $0x1, s16  }
0x27: {  	s17 =	sadd.s32 $0x80, s17;
	p2 =	sne.s32 s16, $0x4F  }
.Ltmp0:
0x28: {  	p1 =	sle.u32 s6, s18;
	(pc) =	sbr.rel @p2 .LBB2_2-.Ltmp0, $4  }
0x29: {  	s19 =	simm.s32 @!p1 $0x80;
	s20 =	simm.s32 @!p1 $0x2780;
	s18 =	simm.s32 @!p1 $0x1  }
0x2a: {  	[spmem:s3] =	stream.indirect.scatter.add.f32 @!p1 [tilespmem:s20], [sflag:$0x1], $0x10, s17, s19, $0xb8;
	[tilespmem:$0x5780] =	vst v63  }
0x2b: {  	_ =	swait.ge @!p1 [sflag:s18], $0x800  }
0x2c: {  	[sflag:s18] =	ssyncset.done @!p1 $0x0  }
0x2d: {  	s15 =	sadd.s32 $0x1, s15  }
0x2e: {  	[sflag:s18] =	ssyncadd.s32 @!p1 $0xFFFFF800;
	p1 =	sne.s32 s15, s10  }
.Ltmp1:
0x2f: {  	[bflag:$0x0] =	sbarrier.arrive $0xFFFF;
	(pc) =	sbr.rel @p1 .LBB2_1-.Ltmp1, $4  }
0x30: {  	[hbm:s9], [sflag:s13] =	dma.local [spmem:s14], $0x500  }
0x31: {  	_ =	swait.ge [sflag:s12], $0x500  }
0x32: {  	[sflag:s12] =	ssyncset.done $0x0  }
0x33: {  	[sflag:s12] =	ssyncadd.s32 $0xFFFFFB00  }
0x34: {  	_ =	sfence.sel $0x180000  }
0x35: {  	[bflag:$0x0] =	sbarrier.arrive $0xFFFF  }
0x36: {  	p0 =	sne.s32 s1, $0x0;
	_ =	strace $0x90000047  }
0x37: {  	s0 =	sadd.s32 @!p0 $0x100000, s0;
	[bflag:$0x2] =	sbarrier.arrive $0xFFFF  }
0x38: {  	[sflag:s0] =	ssyncadd.tile.s32 @!p0 $0x1;
	_ =	shalt  }
.Lfunc_end2:
_tile_overlayer_lowered:
.L_overlay_start_2:
0x39: {  	(tag) =	ssettag $0x2  }
0x3a: {  	s0 =	rddreg [dreg:$0x0];
	s2 =	stileid.u32  }
0x3b: {  	s1 =	rddreg [dreg:$0x1];
	p0 =	sne.s32 s2, $0x0  }
0x3c: {  	s3 =	rddreg [dreg:$0x2];
	[bflag:$0x3] =	sbarrier.arrive $0xFFFF;
	s2 =	simm.s32 @!p0 $0x1C01  }
0x3d: {  	[timem:s3], [sflag:s2] =	dma.local @!p0 [hbm:s0], s1  }
0x3e: {  	s0 =	simm.s32 @!p0 $0x1  }
0x3f: {  	_ =	swait.ge @!p0 [sflag:s0], s1  }
0x40: {  	s1 =	ssub.s32 @!p0 $0x0, s1;
	[sflag:s0] =	ssyncset.done @!p0 $0x0  }
0x41: {  	[sflag:s0] =	ssyncadd.s32 @!p0 s1  }
0x42: {  	[bflag:$0x3] =	sbarrier.arrive $0xFFFF  }
0x43: {  	_ =	shalt  }

</sc_bundles>
